<compile_context>
chip_gen: v7x
topology: tpu7x:2x2x1
jax: 0.10.2.dev20260603
libtpu: 0.0.44.dev20260713+nightly
codegen_flags: <defaults>
</compile_context>

<pallas_src>
import functools
import math

import jax
import jax.numpy as jnp
from jax.experimental import pallas as pl
from jax.experimental.pallas import tpu as pltpu
from jax.experimental.pallas import tpu_sc as plsc

_ACT_SPARSITY = 0.65
_INT32_MIN = jnp.iinfo(jnp.int32).min
_INT32_MAX = jnp.iinfo(jnp.int32).max


def _topk_mask_kernel(x_ref, o_ref, *, k):
    x = x_ref[...]
    u = jax.lax.bitcast_convert_type(x, jnp.int32)
    key = jnp.where(u < 0, u ^ jnp.int32(0x7FFFFFFF), u)

    rows, n = x.shape
    plo0 = jnp.full((rows, 1), _INT32_MIN, dtype=jnp.int32)
    phi0 = jnp.full((rows, 1), _INT32_MAX, dtype=jnp.int32)

    def cond(carry):
        i, lo, hi = carry
        return (i < 32) & jnp.any(lo < hi)

    def body(carry):
        i, lo, hi = carry
        xor = lo ^ hi
        mid = (lo & hi) + (xor >> 1) + (xor & 1)
        cnt = jnp.sum((key >= mid).astype(jnp.int32), axis=1, keepdims=True)
        ge = cnt >= k
        eq = cnt == k
        lo = jnp.where(ge, mid, lo)
        hi = jnp.where(eq, mid, jnp.where(ge, hi, mid - 1))
        return i + 1, lo, hi

    _, lo, _ = jax.lax.while_loop(cond, body, (jnp.int32(0), plo0, phi0))
    o_ref[...] = jnp.where(key >= lo, x, 0.0)


def _tc_topk(x, k):
    m, n = x.shape
    block = 256
    while m % block:
        block //= 2
    grid = m // block
    return pl.pallas_call(
        functools.partial(_topk_mask_kernel, k=k),
        grid=(grid,),
        in_specs=[pl.BlockSpec((block, n), lambda i: (i, 0))],
        out_specs=pl.BlockSpec((block, n), lambda i: (i, 0)),
        out_shape=jax.ShapeDtypeStruct((m, n), x.dtype),
    )(x)



_NW = 32
_LANES = 16


def _sc_body(x_hbm, o_hbm, xbuf, kbuf, cbuf, hist, *, rows_per_worker, n, k,
             batch, in_row_off):
    iota = jax.lax.iota(jnp.int32, _LANES)
    ones = jnp.ones((_LANES,), jnp.int32)
    zeros16 = jnp.zeros((_LANES,), jnp.int32)
    ngr = n // _LANES

    wid = (jax.lax.axis_index("s") * 2 + jax.lax.axis_index("c")).astype(
        jnp.int32)
    row_base = wid * rows_per_worker

    def zero_hist():
        for b in range(32):
            hist[pl.ds(b * _LANES, _LANES)] = zeros16

    def scan_hist(k_rem):
        cum = jnp.int32(0)
        chosen = jnp.int32(0)
        above = jnp.int32(0)
        mcnt = jnp.int32(0)
        for b in range(31, -1, -1):
            s = jnp.sum(hist[pl.ds(b * _LANES, _LANES)])
            ncum = cum + s
            crossed = jnp.logical_and(cum < k_rem, ncum >= k_rem)
            chosen = jnp.where(crossed, jnp.int32(b), chosen)
            above = jnp.where(crossed, cum, above)
            mcnt = jnp.where(crossed, s, mcnt)
            cum = ncum
        return chosen, above, mcnt

    def row_body(rr, _):
        zero_hist()

        def l0(i, c):
            v = xbuf[rr, pl.ds(i * _LANES, _LANES)]
            bb = jax.lax.bitcast_convert_type(v, jnp.uint32)
            keyv = jnp.where(bb >= jnp.uint32(0x80000000), ~bb,
                             bb | jnp.uint32(0x80000000))
            kbuf[pl.ds(i * _LANES, _LANES)] = keyv
            digit = jax.lax.shift_right_logical(keyv, jnp.uint32(27))
            idx = jax.lax.bitcast_convert_type(digit << jnp.uint32(4), jnp.int32) + iota
            plsc.addupdate_scatter(hist, [idx], ones)
            return c

        jax.lax.fori_loop(0, ngr, l0, 0, unroll=4)

        chosen, above, mcnt = scan_hist(jnp.int32(k))
        chosen_u = jax.lax.convert_element_type(chosen, jnp.uint32)
        tkn = chosen_u << jnp.uint32(27)
        k_rem = jnp.int32(k) - above
        m_act = mcnt
        done = k_rem == m_act

        def c0(i, off):
            kv = kbuf[pl.ds(i * _LANES, _LANES)]
            digit = jax.lax.shift_right_logical(kv, jnp.uint32(27))
            msk = digit == chosen_u
            plsc.store_compressed(cbuf.at[pl.ds(off, _LANES)], kv, mask=msk)
            return off + jnp.sum(msk.astype(jnp.int32))

        jax.lax.fori_loop(0, ngr, c0, jnp.int32(0), unroll=4)

        def lcond(c):
            lvl, tkn, k_rem, m_act, done = c
            return jnp.logical_and(lvl < 7, jnp.logical_not(done))

        def lbody(c):
            lvl, tkn, k_rem, m_act, done = c
            sh = jnp.int32(27) - 5 * lvl
            sh_u = jax.lax.convert_element_type(
                jnp.maximum(sh, 0), jnp.uint32)
            wmask = jnp.where(sh >= 0, jnp.uint32(31), jnp.uint32(3))
            zero_hist()
            ngroups = (m_act + _LANES - 1) >> 4

            def hbody(i, c2):
                kv = cbuf[pl.ds(i * _LANES, _LANES)]
                valid = (i * _LANES + iota) < m_act
                digit = jax.lax.shift_right_logical(kv, sh_u) & wmask
                idx = jax.lax.bitcast_convert_type(digit << jnp.uint32(4), jnp.int32) + iota
                plsc.addupdate_scatter(hist, [idx], ones, mask=valid)
                return c2

            jax.lax.fori_loop(0, ngroups, hbody, 0)

            chosen, above, mcnt = scan_hist(k_rem)
            chosen_u = jax.lax.convert_element_type(chosen, jnp.uint32)
            tkn = tkn | (chosen_u << sh_u)
            k_rem = k_rem - above

            def cb(i, off):
                kv = cbuf[pl.ds(i * _LANES, _LANES)]
                valid = (i * _LANES + iota) < m_act
                digit = jax.lax.shift_right_logical(kv, sh_u) & wmask
                msk = jnp.logical_and(digit == chosen_u, valid)
                plsc.store_compressed(cbuf.at[pl.ds(off, _LANES)], kv,
                                      mask=msk)
                return off + jnp.sum(msk.astype(jnp.int32))

            jax.lax.fori_loop(0, ngroups, cb, jnp.int32(0))
            m_act = mcnt
            done = k_rem == m_act
            return lvl + 1, tkn, k_rem, m_act, done

        _, tkn, _, _, _ = jax.lax.while_loop(
            lcond, lbody, (jnp.int32(1), tkn, k_rem, m_act, done))

        def obody(i, c):
            kv = kbuf[pl.ds(i * _LANES, _LANES)]
            v = xbuf[rr, pl.ds(i * _LANES, _LANES)]
            xbuf[rr, pl.ds(i * _LANES, _LANES)] = jnp.where(
                kv >= tkn, v, jnp.float32(0.0))
            return c

        jax.lax.fori_loop(0, ngr, obody, 0, unroll=4)
        return 0

    def batch_body(bi, _):
        r0 = row_base + bi * batch
        pltpu.sync_copy(x_hbm.at[pl.ds(r0 + in_row_off, batch)], xbuf)
        jax.lax.fori_loop(0, batch, row_body, 0)
        pltpu.sync_copy(xbuf, o_hbm.at[pl.ds(r0, batch)])
        return 0

    jax.lax.fori_loop(0, rows_per_worker // batch, batch_body, 0)


def _sc_topk(x, k, row_off, m_sc):
    m, n = x.shape
    rows_per_worker = m_sc // _NW
    batch = 8
    mesh = plsc.VectorSubcoreMesh(core_axis_name="c", subcore_axis_name="s")
    body = functools.partial(_sc_body, rows_per_worker=rows_per_worker,
                             n=n, k=k, batch=batch, in_row_off=row_off)
    return pl.kernel(
        body,
        out_type=jax.ShapeDtypeStruct((m_sc, n), jnp.float32),
        mesh=mesh,
        compiler_params=pltpu.CompilerParams(needs_layout_passes=False),
        scratch_types=[
            pltpu.VMEM((batch, n), jnp.float32),
            pltpu.VMEM((n,), jnp.uint32),
            pltpu.VMEM((n + _LANES,), jnp.uint32),
            pltpu.VMEM((32 * _LANES,), jnp.int32),
        ],
    )(x)


def kernel(inputs):
    out_shape = inputs.shape
    x = inputs.reshape(inputs.shape[0], -1)
    m, n = x.shape
    k = math.floor((1.0 - _ACT_SPARSITY) * n)
    m_sc = (m * 13 // 64) // _NW * _NW
    while m_sc and ((m_sc // _NW) % 8 or (m - m_sc) % 256):
        m_sc -= _NW
    m_tc = m - m_sc
    if m_sc == 0:
        out = _tc_topk(x, k)
    else:
        block = 256
        out_tc = pl.pallas_call(
            functools.partial(_topk_mask_kernel, k=k),
            grid=(m_tc // block,),
            in_specs=[pl.BlockSpec((block, n), lambda i: (i, 0))],
            out_specs=pl.BlockSpec((block, n), lambda i: (i, 0)),
            out_shape=jax.ShapeDtypeStruct((m, n), x.dtype),
        )(x)
        out_sc = _sc_topk(x, k, m_tc, m_sc)
        out = jax.lax.dynamic_update_slice(out_tc, out_sc, (m_tc, 0))
    return out.reshape(out_shape)

# --- scband reference (transcript-rebuilt; emitter-appended) ---
"""Pipeline reference for scband-activation-sparsity-30709016166739 (READ-ONLY COPY).

The authoritative reference and input builder live on the scoring server;
editing this copy changes nothing except your own understanding.
"""

import math
import jax, jax.numpy as jnp
import numpy as np

ALPHA = 0.1
BETA = 1.5
ACT_SPARSITY = 0.65


def setup_inputs(seed: int = 0) -> dict:
    key = jax.random.key(seed)
    inputs = jax.random.normal(key, (16384, 2048), dtype=jnp.float32)
    return {"inputs": inputs}


def reference(inputs):
    out_shape = inputs.shape
    in_features = inputs.shape[-1]
    x = inputs.reshape(inputs.shape[0], -1)
    k = math.floor((1.0 - ACT_SPARSITY) * in_features)
    # duty_cycle is lazily initialized to zeros on first call
    duty_cycle = jnp.zeros((in_features,), dtype=jnp.float32)
    target = k / x.shape[-1]
    boost_coefficient = jnp.exp(BETA * (target - duty_cycle))
    boosted_input = x * boost_coefficient
    # top-k over last dim (indices only; values unused for output construction)
    _, indices = jax.lax.top_k(boosted_input, k)
    row_indices = jnp.arange(x.shape[0])[:, None]
    gathered = jnp.take_along_axis(x, indices, axis=-1)
    outputs = jnp.zeros_like(x).at[row_indices, indices].set(gathered)
    return outputs.reshape(out_shape)

if __name__ == "__main__":
    import jax
    _d = setup_inputs()
    print(jax.jit(kernel)(*tuple(_d.values())))

</pallas_src>

<mosaic_0001>
#map = affine_map<(d0, d1) -> (0, 0)>
module attributes {stable_mosaic.version = 14 : i64} {
  func.func @_sc_body(%arg0: i32, %arg1: i32, %arg2: memref<16384x2048xf32, #tpu.memory_space<hbm>>, %arg3: memref<3328x2048xf32, #tpu.memory_space<hbm>>, %arg4: memref<8x2048xf32, #tpu.memory_space<vmem>>, %arg5: memref<2048xi32, #tpu.memory_space<vmem>>, %arg6: memref<2064xi32, #tpu.memory_space<vmem>>, %arg7: memref<512xi32, #tpu.memory_space<vmem>>) attributes {dimension_semantics = [#tpu.dimension_semantics<core_parallel>, #tpu.dimension_semantics<subcore_parallel>], iteration_bounds = array<i64: 2, 16>, scalar_prefetch = 0 : i64, scratch_operands = 4 : i64, tpu.core_type = #tpu.core_type<sc_vector_subcore>, window_params = [{transform_indices = #map}, {transform_indices = #map}]} {
    %iota3A = tpu.iota {dimensions = array<i32: 0>} : vector<16xi32>
    %broadcast_in_dim3A = arith.constant 1 : i32
    %broadcast_in_dim3A_0 = vector.broadcast %broadcast_in_dim3A : i32 to vector<16xi32>
    %broadcast_in_dim3A_1 = arith.constant 0 : i32
    %broadcast_in_dim3A_2 = vector.broadcast %broadcast_in_dim3A_1 : i32 to vector<16xi32>
    %mul3A = arith.constant 2 : i32
    %mul3A_3 = arith.muli %arg1, %mul3A : i32
    %add3A = arith.addi %mul3A_3, %arg0 : i32
    %mul3A_4 = arith.constant 104 : i32
    %mul3A_5 = arith.muli %add3A, %mul3A_4 : i32
    %scan3A = arith.constant 0 : i32
    %scan3A_6 = arith.constant 0 : i32
    %scan3A_7 = arith.constant 13 : i32
    %scan3A_8 = arith.addi %scan3A_6, %scan3A_7 : i32
    %scan3A_9 = arith.constant 1 : i32
    %scan3A_10 = scf.for %scan3A_12 = %scan3A_6 to %scan3A_8 step %scan3A_9 iter_args(%scan3A_13 = %scan3A) -> (i32)  : i32 {
      %mul3A_14 = arith.constant 8 : i32
      %mul3A_15 = arith.muli %scan3A_12, %mul3A_14 : i32
      %add3A_16 = arith.addi %mul3A_5, %mul3A_15 : i32
      %add3A_17 = arith.constant 13056 : i32
      %add3A_18 = arith.addi %add3A_16, %add3A_17 : i32
      "tpu.region"() ({
        %run_scoped3A = tpu.sem_alloc : memref<!tpu.dma_semaphore, #tpu.memory_space<semaphore_mem>>
        %dma_start3A = arith.constant 0 : i32
        %dma_start3A_27 = tpu.memref_slice %arg2[%add3A_18, %dma_start3A] : memref<16384x2048xf32, #tpu.memory_space<hbm>> -> memref<8x2048xf32, #tpu.memory_space<hbm>>
        %dma_start3A_28 = arith.constant 0 : i32
        %dma_start3A_29 = tpu.memref_slice %arg2[%add3A_18, %dma_start3A_28] : memref<16384x2048xf32, #tpu.memory_space<hbm>> -> memref<8x2048xf32, #tpu.memory_space<hbm>>
        tpu.enqueue_dma source(%dma_start3A_29 : memref<8x2048xf32, #tpu.memory_space<hbm>>) target(%arg4 : memref<8x2048xf32, #tpu.memory_space<vmem>>) target_semaphore(%run_scoped3A : memref<!tpu.dma_semaphore, #tpu.memory_space<semaphore_mem>>)
        %dma_wait3A = arith.constant 0 : i32
        %dma_wait3A_30 = tpu.memref_slice %arg2[%add3A_18, %dma_wait3A] : memref<16384x2048xf32, #tpu.memory_space<hbm>> -> memref<8x2048xf32, #tpu.memory_space<hbm>>
        %dma_wait3A_31 = arith.constant 0 : i32
        %dma_wait3A_32 = tpu.memref_slice %arg2[%add3A_18, %dma_wait3A_31] : memref<16384x2048xf32, #tpu.memory_space<hbm>> -> memref<8x2048xf32, #tpu.memory_space<hbm>>
        tpu.wait_dma2 semaphore(%run_scoped3A : memref<!tpu.dma_semaphore, #tpu.memory_space<semaphore_mem>>) src(%dma_wait3A_32 : memref<8x2048xf32, #tpu.memory_space<hbm>>) dst(%arg4 : memref<8x2048xf32, #tpu.memory_space<vmem>>)
        tpu.yield
      }) : () -> ()
      %scan3A_19 = arith.constant 0 : i32
      %scan3A_20 = arith.constant 0 : i32
      %scan3A_21 = arith.constant 8 : i32
      %scan3A_22 = arith.addi %scan3A_20, %scan3A_21 : i32
      %scan3A_23 = arith.constant 1 : i32
      %scan3A_24 = scf.for %scan3A_27 = %scan3A_20 to %scan3A_22 step %scan3A_23 iter_args(%scan3A_28 = %scan3A_19) -> (i32)  : i32 {
        %swap3A = arith.constant 0 : index
        %swap3A_29 = tpu.vector_load %arg7[%swap3A] {strides = array<i32>} : memref<512xi32, #tpu.memory_space<vmem>>, vector<16xi32>,
        tpu.vector_store %arg7[%swap3A], %broadcast_in_dim3A_2 {strides = array<i32>} : memref<512xi32, #tpu.memory_space<vmem>>, vector<16xi32>,
        %swap3A_30 = arith.constant 16 : index
        %swap3A_31 = tpu.vector_load %arg7[%swap3A_30] {strides = array<i32>} : memref<512xi32, #tpu.memory_space<vmem>>, vector<16xi32>,
        tpu.vector_store %arg7[%swap3A_30], %broadcast_in_dim3A_2 {strides = array<i32>} : memref<512xi32, #tpu.memory_space<vmem>>, vector<16xi32>,
        %swap3A_32 = arith.constant 32 : index
        %swap3A_33 = tpu.vector_load %arg7[%swap3A_32] {strides = array<i32>} : memref<512xi32, #tpu.memory_space<vmem>>, vector<16xi32>,
        tpu.vector_store %arg7[%swap3A_32], %broadcast_in_dim3A_2 {strides = array<i32>} : memref<512xi32, #tpu.memory_space<vmem>>, vector<16xi32>,
        %swap3A_34 = arith.constant 48 : index
        %swap3A_35 = tpu.vector_load %arg7[%swap3A_34] {strides = array<i32>} : memref<512xi32, #tpu.memory_space<vmem>>, vector<16xi32>,
        tpu.vector_store %arg7[%swap3A_34], %broadcast_in_dim3A_2 {strides = array<i32>} : memref<512xi32, #tpu.memory_space<vmem>>, vector<16xi32>,
        %swap3A_36 = arith.constant 64 : index
        %swap3A_37 = tpu.vector_load %arg7[%swap3A_36] {strides = array<i32>} : memref<512xi32, #tpu.memory_space<vmem>>, vector<16xi32>,
        tpu.vector_store %arg7[%swap3A_36], %broadcast_in_dim3A_2 {strides = array<i32>} : memref<512xi32, #tpu.memory_space<vmem>>, vector<16xi32>,
        %swap3A_38 = arith.constant 80 : index
        %swap3A_39 = tpu.vector_load %arg7[%swap3A_38] {strides = array<i32>} : memref<512xi32, #tpu.memory_space<vmem>>, vector<16xi32>,
        tpu.vector_store %arg7[%swap3A_38], %broadcast_in_dim3A_2 {strides = array<i32>} : memref<512xi32, #tpu.memory_space<vmem>>, vector<16xi32>,
        %swap3A_40 = arith.constant 96 : index
        %swap3A_41 = tpu.vector_load %arg7[%swap3A_40] {strides = array<i32>} : memref<512xi32, #tpu.memory_space<vmem>>, vector<16xi32>,
        tpu.vector_store %arg7[%swap3A_40], %broadcast_in_dim3A_2 {strides = array<i32>} : memref<512xi32, #tpu.memory_space<vmem>>, vector<16xi32>,
        %swap3A_42 = arith.constant 112 : index
        %swap3A_43 = tpu.vector_load %arg7[%swap3A_42] {strides = array<i32>} : memref<512xi32, #tpu.memory_space<vmem>>, vector<16xi32>,
        tpu.vector_store %arg7[%swap3A_42], %broadcast_in_dim3A_2 {strides = array<i32>} : memref<512xi32, #tpu.memory_space<vmem>>, vector<16xi32>,
        %swap3A_44 = arith.constant 128 : index
        %swap3A_45 = tpu.vector_load %arg7[%swap3A_44] {strides = array<i32>} : memref<512xi32, #tpu.memory_space<vmem>>, vector<16xi32>,
        tpu.vector_store %arg7[%swap3A_44], %broadcast_in_dim3A_2 {strides = array<i32>} : memref<512xi32, #tpu.memory_space<vmem>>, vector<16xi32>,
        %swap3A_46 = arith.constant 144 : index
        %swap3A_47 = tpu.vector_load %arg7[%swap3A_46] {strides = array<i32>} : memref<512xi32, #tpu.memory_space<vmem>>, vector<16xi32>,
        tpu.vector_store %arg7[%swap3A_46], %broadcast_in_dim3A_2 {strides = array<i32>} : memref<512xi32, #tpu.memory_space<vmem>>, vector<16xi32>,
        %swap3A_48 = arith.constant 160 : index
        %swap3A_49 = tpu.vector_load %arg7[%swap3A_48] {strides = array<i32>} : memref<512xi32, #tpu.memory_space<vmem>>, vector<16xi32>,
        tpu.vector_store %arg7[%swap3A_48], %broadcast_in_dim3A_2 {strides = array<i32>} : memref<512xi32, #tpu.memory_space<vmem>>, vector<16xi32>,
        %swap3A_50 = arith.constant 176 : index
        %swap3A_51 = tpu.vector_load %arg7[%swap3A_50] {strides = array<i32>} : memref<512xi32, #tpu.memory_space<vmem>>, vector<16xi32>,
        tpu.vector_store %arg7[%swap3A_50], %broadcast_in_dim3A_2 {strides = array<i32>} : memref<512xi32, #tpu.memory_space<vmem>>, vector<16xi32>,
        %swap3A_52 = arith.constant 192 : index
        %swap3A_53 = tpu.vector_load %arg7[%swap3A_52] {strides = array<i32>} : memref<512xi32, #tpu.memory_space<vmem>>, vector<16xi32>,
        tpu.vector_store %arg7[%swap3A_52], %broadcast_in_dim3A_2 {strides = array<i32>} : memref<512xi32, #tpu.memory_space<vmem>>, vector<16xi32>,
        %swap3A_54 = arith.constant 208 : index
        %swap3A_55 = tpu.vector_load %arg7[%swap3A_54] {strides = array<i32>} : memref<512xi32, #tpu.memory_space<vmem>>, vector<16xi32>,
        tpu.vector_store %arg7[%swap3A_54], %broadcast_in_dim3A_2 {strides = array<i32>} : memref<512xi32, #tpu.memory_space<vmem>>, vector<16xi32>,
        %swap3A_56 = arith.constant 224 : index
        %swap3A_57 = tpu.vector_load %arg7[%swap3A_56] {strides = array<i32>} : memref<512xi32, #tpu.memory_space<vmem>>, vector<16xi32>,
        tpu.vector_store %arg7[%swap3A_56], %broadcast_in_dim3A_2 {strides = array<i32>} : memref<512xi32, #tpu.memory_space<vmem>>, vector<16xi32>,
        %swap3A_58 = arith.constant 240 : index
        %swap3A_59 = tpu.vector_load %arg7[%swap3A_58] {strides = array<i32>} : memref<512xi32, #tpu.memory_space<vmem>>, vector<16xi32>,
        tpu.vector_store %arg7[%swap3A_58], %broadcast_in_dim3A_2 {strides = array<i32>} : memref<512xi32, #tpu.memory_space<vmem>>, vector<16xi32>,
        %swap3A_60 = arith.constant 256 : index
        %swap3A_61 = tpu.vector_load %arg7[%swap3A_60] {strides = array<i32>} : memref<512xi32, #tpu.memory_space<vmem>>, vector<16xi32>,
        tpu.vector_store %arg7[%swap3A_60], %broadcast_in_dim3A_2 {strides = array<i32>} : memref<512xi32, #tpu.memory_space<vmem>>, vector<16xi32>,
        %swap3A_62 = arith.constant 272 : index
        %swap3A_63 = tpu.vector_load %arg7[%swap3A_62] {strides = array<i32>} : memref<512xi32, #tpu.memory_space<vmem>>, vector<16xi32>,
        tpu.vector_store %arg7[%swap3A_62], %broadcast_in_dim3A_2 {strides = array<i32>} : memref<512xi32, #tpu.memory_space<vmem>>, vector<16xi32>,
        %swap3A_64 = arith.constant 288 : index
        %swap3A_65 = tpu.vector_load %arg7[%swap3A_64] {strides = array<i32>} : memref<512xi32, #tpu.memory_space<vmem>>, vector<16xi32>,
        tpu.vector_store %arg7[%swap3A_64], %broadcast_in_dim3A_2 {strides = array<i32>} : memref<512xi32, #tpu.memory_space<vmem>>, vector<16xi32>,
        %swap3A_66 = arith.constant 304 : index
        %swap3A_67 = tpu.vector_load %arg7[%swap3A_66] {strides = array<i32>} : memref<512xi32, #tpu.memory_space<vmem>>, vector<16xi32>,
        tpu.vector_store %arg7[%swap3A_66], %broadcast_in_dim3A_2 {strides = array<i32>} : memref<512xi32, #tpu.memory_space<vmem>>, vector<16xi32>,
        %swap3A_68 = arith.constant 320 : index
        %swap3A_69 = tpu.vector_load %arg7[%swap3A_68] {strides = array<i32>} : memref<512xi32, #tpu.memory_space<vmem>>, vector<16xi32>,
        tpu.vector_store %arg7[%swap3A_68], %broadcast_in_dim3A_2 {strides = array<i32>} : memref<512xi32, #tpu.memory_space<vmem>>, vector<16xi32>,
        %swap3A_70 = arith.constant 336 : index
        %swap3A_71 = tpu.vector_load %arg7[%swap3A_70] {strides = array<i32>} : memref<512xi32, #tpu.memory_space<vmem>>, vector<16xi32>,
        tpu.vector_store %arg7[%swap3A_70], %broadcast_in_dim3A_2 {strides = array<i32>} : memref<512xi32, #tpu.memory_space<vmem>>, vector<16xi32>,
        %swap3A_72 = arith.constant 352 : index
        %swap3A_73 = tpu.vector_load %arg7[%swap3A_72] {strides = array<i32>} : memref<512xi32, #tpu.memory_space<vmem>>, vector<16xi32>,
        tpu.vector_store %arg7[%swap3A_72], %broadcast_in_dim3A_2 {strides = array<i32>} : memref<512xi32, #tpu.memory_space<vmem>>, vector<16xi32>,
        %swap3A_74 = arith.constant 368 : index
        %swap3A_75 = tpu.vector_load %arg7[%swap3A_74] {strides = array<i32>} : memref<512xi32, #tpu.memory_space<vmem>>, vector<16xi32>,
        tpu.vector_store %arg7[%swap3A_74], %broadcast_in_dim3A_2 {strides = array<i32>} : memref<512xi32, #tpu.memory_space<vmem>>, vector<16xi32>,
        %swap3A_76 = arith.constant 384 : index
        %swap3A_77 = tpu.vector_load %arg7[%swap3A_76] {strides = array<i32>} : memref<512xi32, #tpu.memory_space<vmem>>, vector<16xi32>,
        tpu.vector_store %arg7[%swap3A_76], %broadcast_in_dim3A_2 {strides = array<i32>} : memref<512xi32, #tpu.memory_space<vmem>>, vector<16xi32>,
        %swap3A_78 = arith.constant 400 : index
        %swap3A_79 = tpu.vector_load %arg7[%swap3A_78] {strides = array<i32>} : memref<512xi32, #tpu.memory_space<vmem>>, vector<16xi32>,
        tpu.vector_store %arg7[%swap3A_78], %broadcast_in_dim3A_2 {strides = array<i32>} : memref<512xi32, #tpu.memory_space<vmem>>, vector<16xi32>,
        %swap3A_80 = arith.constant 416 : index
        %swap3A_81 = tpu.vector_load %arg7[%swap3A_80] {strides = array<i32>} : memref<512xi32, #tpu.memory_space<vmem>>, vector<16xi32>,
        tpu.vector_store %arg7[%swap3A_80], %broadcast_in_dim3A_2 {strides = array<i32>} : memref<512xi32, #tpu.memory_space<vmem>>, vector<16xi32>,
        %swap3A_82 = arith.constant 432 : index
        %swap3A_83 = tpu.vector_load %arg7[%swap3A_82] {strides = array<i32>} : memref<512xi32, #tpu.memory_space<vmem>>, vector<16xi32>,
        tpu.vector_store %arg7[%swap3A_82], %broadcast_in_dim3A_2 {strides = array<i32>} : memref<512xi32, #tpu.memory_space<vmem>>, vector<16xi32>,
        %swap3A_84 = arith.constant 448 : index
        %swap3A_85 = tpu.vector_load %arg7[%swap3A_84] {strides = array<i32>} : memref<512xi32, #tpu.memory_space<vmem>>, vector<16xi32>,
        tpu.vector_store %arg7[%swap3A_84], %broadcast_in_dim3A_2 {strides = array<i32>} : memref<512xi32, #tpu.memory_space<vmem>>, vector<16xi32>,
        %swap3A_86 = arith.constant 464 : index
        %swap3A_87 = tpu.vector_load %arg7[%swap3A_86] {strides = array<i32>} : memref<512xi32, #tpu.memory_space<vmem>>, vector<16xi32>,
        tpu.vector_store %arg7[%swap3A_86], %broadcast_in_dim3A_2 {strides = array<i32>} : memref<512xi32, #tpu.memory_space<vmem>>, vector<16xi32>,
        %swap3A_88 = arith.constant 480 : index
        %swap3A_89 = tpu.vector_load %arg7[%swap3A_88] {strides = array<i32>} : memref<512xi32, #tpu.memory_space<vmem>>, vector<16xi32>,
        tpu.vector_store %arg7[%swap3A_88], %broadcast_in_dim3A_2 {strides = array<i32>} : memref<512xi32, #tpu.memory_space<vmem>>, vector<16xi32>,
        %swap3A_90 = arith.constant 496 : index
        %swap3A_91 = tpu.vector_load %arg7[%swap3A_90] {strides = array<i32>} : memref<512xi32, #tpu.memory_space<vmem>>, vector<16xi32>,
        tpu.vector_store %arg7[%swap3A_90], %broadcast_in_dim3A_2 {strides = array<i32>} : memref<512xi32, #tpu.memory_space<vmem>>, vector<16xi32>,
        %scan3A_92 = arith.constant 0 : i32
        %scan3A_93 = arith.constant 0 : i32
        %scan3A_94 = arith.constant 128 : i32
        %scan3A_95 = arith.addi %scan3A_93, %scan3A_94 : i32
        %scan3A_96 = arith.constant 4 : i32
        scf.for %scan3A_626 = %scan3A_93 to %scan3A_95 step %scan3A_96  : i32 {
          %mul3A_627 = arith.constant 16 : i32
          %mul3A_628 = arith.muli %scan3A_626, %mul3A_627 : i32
          %get3A_629 = arith.index_cast %scan3A_27 : i32 to index
          %get3A_630 = arith.index_cast %mul3A_628 : i32 to index
          %get3A_631 = tpu.vector_load %arg4[%get3A_629, %get3A_630] {strides = array<i32>} : memref<8x2048xf32, #tpu.memory_space<vmem>>, vector<16xf32>,
          %bitcast_convert_type3A = tpu.bitcast %get3A_631 : vector<16xf32> -> vector<16xi32>
          %ge3A_632 = arith.constant -2147483648 : i32
          %ge3A_633 = vector.broadcast %ge3A_632 : i32 to vector<16xi32>
          %ge3A_634 = arith.cmpi uge, %bitcast_convert_type3A, %ge3A_633 : vector<16xi32>
          %not3A = arith.constant dense<-1> : vector<16xi32>
          %not3A_635 = arith.xori %bitcast_convert_type3A, %not3A : vector<16xi32>
          %or3A = arith.constant -2147483648 : i32
          %or3A_636 = vector.broadcast %or3A : i32 to vector<16xi32>
          %or3A_637 = arith.ori %bitcast_convert_type3A, %or3A_636 : vector<16xi32>
          %select_n3A_638 = arith.select %ge3A_634, %not3A_635, %or3A_637 : vector<16xi1>, vector<16xi32>
          %mul3A_639 = arith.constant 16 : i32
          %mul3A_640 = arith.muli %scan3A_626, %mul3A_639 : i32
          %swap3A_641 = arith.index_cast %mul3A_640 : i32 to index
          %swap3A_642 = tpu.vector_load %arg5[%swap3A_641] {strides = array<i32>} : memref<2048xi32, #tpu.memory_space<vmem>>, vector<16xi32>,
          tpu.vector_store %arg5[%swap3A_641], %select_n3A_638 {strides = array<i32>} : memref<2048xi32, #tpu.memory_space<vmem>>, vector<16xi32>,
          %shift_right_logical3A = arith.constant 27 : i32
          %shift_right_logical3A_643 = vector.broadcast %shift_right_logical3A : i32 to vector<16xi32>
          %shift_right_logical3A_644 = arith.shrui %select_n3A_638, %shift_right_logical3A_643 : vector<16xi32>
          %shift_left3A_645 = arith.constant 4 : i32
          %shift_left3A_646 = vector.broadcast %shift_left3A_645 : i32 to vector<16xi32>
          %shift_left3A_647 = arith.shli %shift_right_logical3A_644, %shift_left3A_646 : vector<16xi32>
          %bitcast_convert_type3A_648 = tpu.bitcast %shift_left3A_647 : vector<16xi32> -> vector<16xi32>
          %add3A_649 = arith.addi %bitcast_convert_type3A_648, %iota3A : vector<16xi32>
          tpu.vector_store_idx %arg7[%add3A_649], %broadcast_in_dim3A_0 {add = true} : memref<512xi32, #tpu.memory_space<vmem>>[vector<16xi32>], vector<16xi32>,
          %scan3A_650 = arith.constant 1 : i32
          %scan3A_651 = arith.addi %scan3A_626, %scan3A_650 : i32
          %mul3A_652 = arith.constant 16 : i32
          %mul3A_653 = arith.muli %scan3A_651, %mul3A_652 : i32
          %get3A_654 = arith.index_cast %scan3A_27 : i32 to index
          %get3A_655 = arith.index_cast %mul3A_653 : i32 to index
          %get3A_656 = tpu.vector_load %arg4[%get3A_654, %get3A_655] {strides = array<i32>} : memref<8x2048xf32, #tpu.memory_space<vmem>>, vector<16xf32>,
          %bitcast_convert_type3A_657 = tpu.bitcast %get3A_656 : vector<16xf32> -> vector<16xi32>
          %ge3A_658 = arith.constant -2147483648 : i32
          %ge3A_659 = vector.broadcast %ge3A_658 : i32 to vector<16xi32>
          %ge3A_660 = arith.cmpi uge, %bitcast_convert_type3A_657, %ge3A_659 : vector<16xi32>
          %not3A_661 = arith.constant dense<-1> : vector<16xi32>
          %not3A_662 = arith.xori %bitcast_convert_type3A_657, %not3A_661 : vector<16xi32>
          %or3A_663 = arith.constant -2147483648 : i32
          %or3A_664 = vector.broadcast %or3A_663 : i32 to vector<16xi32>
          %or3A_665 = arith.ori %bitcast_convert_type3A_657, %or3A_664 : vector<16xi32>
          %select_n3A_666 = arith.select %ge3A_660, %not3A_662, %or3A_665 : vector<16xi1>, vector<16xi32>
          %mul3A_667 = arith.constant 16 : i32
          %mul3A_668 = arith.muli %scan3A_651, %mul3A_667 : i32
          %swap3A_669 = arith.index_cast %mul3A_668 : i32 to index
          %swap3A_670 = tpu.vector_load %arg5[%swap3A_669] {strides = array<i32>} : memref<2048xi32, #tpu.memory_space<vmem>>, vector<16xi32>,
          tpu.vector_store %arg5[%swap3A_669], %select_n3A_666 {strides = array<i32>} : memref<2048xi32, #tpu.memory_space<vmem>>, vector<16xi32>,
          %shift_right_logical3A_671 = arith.constant 27 : i32
          %shift_right_logical3A_672 = vector.broadcast %shift_right_logical3A_671 : i32 to vector<16xi32>
          %shift_right_logical3A_673 = arith.shrui %select_n3A_666, %shift_right_logical3A_672 : vector<16xi32>
          %shift_left3A_674 = arith.constant 4 : i32
          %shift_left3A_675 = vector.broadcast %shift_left3A_674 : i32 to vector<16xi32>
          %shift_left3A_676 = arith.shli %shift_right_logical3A_673, %shift_left3A_675 : vector<16xi32>
          %bitcast_convert_type3A_677 = tpu.bitcast %shift_left3A_676 : vector<16xi32> -> vector<16xi32>
          %add3A_678 = arith.addi %bitcast_convert_type3A_677, %iota3A : vector<16xi32>
          tpu.vector_store_idx %arg7[%add3A_678], %broadcast_in_dim3A_0 {add = true} : memref<512xi32, #tpu.memory_space<vmem>>[vector<16xi32>], vector<16xi32>,
          %scan3A_679 = arith.constant 2 : i32
          %scan3A_680 = arith.addi %scan3A_626, %scan3A_679 : i32
          %mul3A_681 = arith.constant 16 : i32
          %mul3A_682 = arith.muli %scan3A_680, %mul3A_681 : i32
          %get3A_683 = arith.index_cast %scan3A_27 : i32 to index
          %get3A_684 = arith.index_cast %mul3A_682 : i32 to index
          %get3A_685 = tpu.vector_load %arg4[%get3A_683, %get3A_684] {strides = array<i32>} : memref<8x2048xf32, #tpu.memory_space<vmem>>, vector<16xf32>,
          %bitcast_convert_type3A_686 = tpu.bitcast %get3A_685 : vector<16xf32> -> vector<16xi32>
          %ge3A_687 = arith.constant -2147483648 : i32
          %ge3A_688 = vector.broadcast %ge3A_687 : i32 to vector<16xi32>
          %ge3A_689 = arith.cmpi uge, %bitcast_convert_type3A_686, %ge3A_688 : vector<16xi32>
          %not3A_690 = arith.constant dense<-1> : vector<16xi32>
          %not3A_691 = arith.xori %bitcast_convert_type3A_686, %not3A_690 : vector<16xi32>
          %or3A_692 = arith.constant -2147483648 : i32
          %or3A_693 = vector.broadcast %or3A_692 : i32 to vector<16xi32>
          %or3A_694 = arith.ori %bitcast_convert_type3A_686, %or3A_693 : vector<16xi32>
          %select_n3A_695 = arith.select %ge3A_689, %not3A_691, %or3A_694 : vector<16xi1>, vector<16xi32>
          %mul3A_696 = arith.constant 16 : i32
          %mul3A_697 = arith.muli %scan3A_680, %mul3A_696 : i32
          %swap3A_698 = arith.index_cast %mul3A_697 : i32 to index
          %swap3A_699 = tpu.vector_load %arg5[%swap3A_698] {strides = array<i32>} : memref<2048xi32, #tpu.memory_space<vmem>>, vector<16xi32>,
          tpu.vector_store %arg5[%swap3A_698], %select_n3A_695 {strides = array<i32>} : memref<2048xi32, #tpu.memory_space<vmem>>, vector<16xi32>,
          %shift_right_logical3A_700 = arith.constant 27 : i32
          %shift_right_logical3A_701 = vector.broadcast %shift_right_logical3A_700 : i32 to vector<16xi32>
          %shift_right_logical3A_702 = arith.shrui %select_n3A_695, %shift_right_logical3A_701 : vector<16xi32>
          %shift_left3A_703 = arith.constant 4 : i32
          %shift_left3A_704 = vector.broadcast %shift_left3A_703 : i32 to vector<16xi32>
          %shift_left3A_705 = arith.shli %shift_right_logical3A_702, %shift_left3A_704 : vector<16xi32>
          %bitcast_convert_type3A_706 = tpu.bitcast %shift_left3A_705 : vector<16xi32> -> vector<16xi32>
          %add3A_707 = arith.addi %bitcast_convert_type3A_706, %iota3A : vector<16xi32>
          tpu.vector_store_idx %arg7[%add3A_707], %broadcast_in_dim3A_0 {add = true} : memref<512xi32, #tpu.memory_space<vmem>>[vector<16xi32>], vector<16xi32>,
          %scan3A_708 = arith.constant 3 : i32
          %scan3A_709 = arith.addi %scan3A_626, %scan3A_708 : i32
          %mul3A_710 = arith.constant 16 : i32
          %mul3A_711 = arith.muli %scan3A_709, %mul3A_710 : i32
          %get3A_712 = arith.index_cast %scan3A_27 : i32 to index
          %get3A_713 = arith.index_cast %mul3A_711 : i32 to index
          %get3A_714 = tpu.vector_load %arg4[%get3A_712, %get3A_713] {strides = array<i32>} : memref<8x2048xf32, #tpu.memory_space<vmem>>, vector<16xf32>,
          %bitcast_convert_type3A_715 = tpu.bitcast %get3A_714 : vector<16xf32> -> vector<16xi32>
          %ge3A_716 = arith.constant -2147483648 : i32
          %ge3A_717 = vector.broadcast %ge3A_716 : i32 to vector<16xi32>
          %ge3A_718 = arith.cmpi uge, %bitcast_convert_type3A_715, %ge3A_717 : vector<16xi32>
          %not3A_719 = arith.constant dense<-1> : vector<16xi32>
          %not3A_720 = arith.xori %bitcast_convert_type3A_715, %not3A_719 : vector<16xi32>
          %or3A_721 = arith.constant -2147483648 : i32
          %or3A_722 = vector.broadcast %or3A_721 : i32 to vector<16xi32>
          %or3A_723 = arith.ori %bitcast_convert_type3A_715, %or3A_722 : vector<16xi32>
          %select_n3A_724 = arith.select %ge3A_718, %not3A_720, %or3A_723 : vector<16xi1>, vector<16xi32>
          %mul3A_725 = arith.constant 16 : i32
          %mul3A_726 = arith.muli %scan3A_709, %mul3A_725 : i32
          %swap3A_727 = arith.index_cast %mul3A_726 : i32 to index
          %swap3A_728 = tpu.vector_load %arg5[%swap3A_727] {strides = array<i32>} : memref<2048xi32, #tpu.memory_space<vmem>>, vector<16xi32>,
          tpu.vector_store %arg5[%swap3A_727], %select_n3A_724 {strides = array<i32>} : memref<2048xi32, #tpu.memory_space<vmem>>, vector<16xi32>,
          %shift_right_logical3A_729 = arith.constant 27 : i32
          %shift_right_logical3A_730 = vector.broadcast %shift_right_logical3A_729 : i32 to vector<16xi32>
          %shift_right_logical3A_731 = arith.shrui %select_n3A_724, %shift_right_logical3A_730 : vector<16xi32>
          %shift_left3A_732 = arith.constant 4 : i32
          %shift_left3A_733 = vector.broadcast %shift_left3A_732 : i32 to vector<16xi32>
          %shift_left3A_734 = arith.shli %shift_right_logical3A_731, %shift_left3A_733 : vector<16xi32>
          %bitcast_convert_type3A_735 = tpu.bitcast %shift_left3A_734 : vector<16xi32> -> vector<16xi32>
          %add3A_736 = arith.addi %bitcast_convert_type3A_735, %iota3A : vector<16xi32>
          tpu.vector_store_idx %arg7[%add3A_736], %broadcast_in_dim3A_0 {add = true} : memref<512xi32, #tpu.memory_space<vmem>>[vector<16xi32>], vector<16xi32>,
        }
        %scan3A_97 = arith.constant 128 : i32
        %get3A = arith.constant 496 : index
        %get3A_98 = tpu.vector_load %arg7[%get3A] {strides = array<i32>} : memref<512xi32, #tpu.memory_space<vmem>>, vector<16xi32>,
        %reduce_sum3A = arith.constant true
        %reduce_sum3A_99 = vector.broadcast %reduce_sum3A : i1 to vector<16xi1>
        %reduce_sum3A_100 = tpu.scan <sum>, %get3A_98 masked %reduce_sum3A_99 : vector<16xi32>, vector<16xi1> -> vector<16xi32>
        %reduce_sum3A_101 = vector.extract %reduce_sum3A_100[15] : i32 from vector<16xi32>
        %add3A_102 = arith.constant 0 : i32
        %add3A_103 = arith.addi %add3A_102, %reduce_sum3A_101 : i32
        %lt3A = arith.constant 0 : i32
        %lt3A_104 = arith.constant 716 : i32
        %lt3A_105 = arith.cmpi slt, %lt3A, %lt3A_104 : i32
        %ge3A = arith.constant 716 : i32
        %ge3A_106 = arith.cmpi sge, %add3A_103, %ge3A : i32
        %and3A = arith.andi %lt3A_105, %ge3A_106 : i1
        %jit3A = arith.constant 31 : i32
        %jit3A_107 = arith.constant 0 : i32
        %select_n3A = arith.select %and3A, %jit3A, %jit3A_107 : i32
        %jit3A_108 = arith.constant 0 : i32
        %jit3A_109 = arith.constant 0 : i32
        %select_n3A_110 = arith.select %and3A, %jit3A_108, %jit3A_109 : i32
        %jit3A_111 = arith.constant 0 : i32
        %select_n3A_112 = arith.select %and3A, %reduce_sum3A_101, %jit3A_111 : i32
        %get3A_113 = arith.constant 480 : index
        %get3A_114 = tpu.vector_load %arg7[%get3A_113] {strides = array<i32>} : memref<512xi32, #tpu.memory_space<vmem>>, vector<16xi32>,
        %reduce_sum3A_115 = arith.constant true
        %reduce_sum3A_116 = vector.broadcast %reduce_sum3A_115 : i1 to vector<16xi1>
        %reduce_sum3A_117 = tpu.scan <sum>, %get3A_114 masked %reduce_sum3A_116 : vector<16xi32>, vector<16xi1> -> vector<16xi32>
        %reduce_sum3A_118 = vector.extract %reduce_sum3A_117[15] : i32 from vector<16xi32>
        %add3A_119 = arith.addi %add3A_103, %reduce_sum3A_118 : i32
        %lt3A_120 = arith.constant 716 : i32
        %lt3A_121 = arith.cmpi slt, %add3A_103, %lt3A_120 : i32
        %ge3A_122 = arith.constant 716 : i32
        %ge3A_123 = arith.cmpi sge, %add3A_119, %ge3A_122 : i32
        %and3A_124 = arith.andi %lt3A_121, %ge3A_123 : i1
        %jit3A_125 = arith.constant 30 : i32
        %select_n3A_126 = arith.select %and3A_124, %jit3A_125, %select_n3A : i32
        %select_n3A_127 = arith.select %and3A_124, %add3A_103, %select_n3A_110 : i32
        %select_n3A_128 = arith.select %and3A_124, %reduce_sum3A_118, %select_n3A_112 : i32
        %get3A_129 = arith.constant 464 : index
        %get3A_130 = tpu.vector_load %arg7[%get3A_129] {strides = array<i32>} : memref<512xi32, #tpu.memory_space<vmem>>, vector<16xi32>,
        %reduce_sum3A_131 = arith.constant true
        %reduce_sum3A_132 = vector.broadcast %reduce_sum3A_131 : i1 to vector<16xi1>
        %reduce_sum3A_133 = tpu.scan <sum>, %get3A_130 masked %reduce_sum3A_132 : vector<16xi32>, vector<16xi1> -> vector<16xi32>
        %reduce_sum3A_134 = vector.extract %reduce_sum3A_133[15] : i32 from vector<16xi32>
        %add3A_135 = arith.addi %add3A_119, %reduce_sum3A_134 : i32
        %lt3A_136 = arith.constant 716 : i32
        %lt3A_137 = arith.cmpi slt, %add3A_119, %lt3A_136 : i32
        %ge3A_138 = arith.constant 716 : i32
        %ge3A_139 = arith.cmpi sge, %add3A_135, %ge3A_138 : i32
        %and3A_140 = arith.andi %lt3A_137, %ge3A_139 : i1
        %jit3A_141 = arith.constant 29 : i32
        %select_n3A_142 = arith.select %and3A_140, %jit3A_141, %select_n3A_126 : i32
        %select_n3A_143 = arith.select %and3A_140, %add3A_119, %select_n3A_127 : i32
        %select_n3A_144 = arith.select %and3A_140, %reduce_sum3A_134, %select_n3A_128 : i32
        %get3A_145 = arith.constant 448 : index
        %get3A_146 = tpu.vector_load %arg7[%get3A_145] {strides = array<i32>} : memref<512xi32, #tpu.memory_space<vmem>>, vector<16xi32>,
        %reduce_sum3A_147 = arith.constant true
        %reduce_sum3A_148 = vector.broadcast %reduce_sum3A_147 : i1 to vector<16xi1>
        %reduce_sum3A_149 = tpu.scan <sum>, %get3A_146 masked %reduce_sum3A_148 : vector<16xi32>, vector<16xi1> -> vector<16xi32>
        %reduce_sum3A_150 = vector.extract %reduce_sum3A_149[15] : i32 from vector<16xi32>
        %add3A_151 = arith.addi %add3A_135, %reduce_sum3A_150 : i32
        %lt3A_152 = arith.constant 716 : i32
        %lt3A_153 = arith.cmpi slt, %add3A_135, %lt3A_152 : i32
        %ge3A_154 = arith.constant 716 : i32
        %ge3A_155 = arith.cmpi sge, %add3A_151, %ge3A_154 : i32
        %and3A_156 = arith.andi %lt3A_153, %ge3A_155 : i1
        %jit3A_157 = arith.constant 28 : i32
        %select_n3A_158 = arith.select %and3A_156, %jit3A_157, %select_n3A_142 : i32
        %select_n3A_159 = arith.select %and3A_156, %add3A_135, %select_n3A_143 : i32
        %select_n3A_160 = arith.select %and3A_156, %reduce_sum3A_150, %select_n3A_144 : i32
        %get3A_161 = arith.constant 432 : index
        %get3A_162 = tpu.vector_load %arg7[%get3A_161] {strides = array<i32>} : memref<512xi32, #tpu.memory_space<vmem>>, vector<16xi32>,
        %reduce_sum3A_163 = arith.constant true
        %reduce_sum3A_164 = vector.broadcast %reduce_sum3A_163 : i1 to vector<16xi1>
        %reduce_sum3A_165 = tpu.scan <sum>, %get3A_162 masked %reduce_sum3A_164 : vector<16xi32>, vector<16xi1> -> vector<16xi32>
        %reduce_sum3A_166 = vector.extract %reduce_sum3A_165[15] : i32 from vector<16xi32>
        %add3A_167 = arith.addi %add3A_151, %reduce_sum3A_166 : i32
        %lt3A_168 = arith.constant 716 : i32
        %lt3A_169 = arith.cmpi slt, %add3A_151, %lt3A_168 : i32
        %ge3A_170 = arith.constant 716 : i32
        %ge3A_171 = arith.cmpi sge, %add3A_167, %ge3A_170 : i32
        %and3A_172 = arith.andi %lt3A_169, %ge3A_171 : i1
        %jit3A_173 = arith.constant 27 : i32
        %select_n3A_174 = arith.select %and3A_172, %jit3A_173, %select_n3A_158 : i32
        %select_n3A_175 = arith.select %and3A_172, %add3A_151, %select_n3A_159 : i32
        %select_n3A_176 = arith.select %and3A_172, %reduce_sum3A_166, %select_n3A_160 : i32
        %get3A_177 = arith.constant 416 : index
        %get3A_178 = tpu.vector_load %arg7[%get3A_177] {strides = array<i32>} : memref<512xi32, #tpu.memory_space<vmem>>, vector<16xi32>,
        %reduce_sum3A_179 = arith.constant true
        %reduce_sum3A_180 = vector.broadcast %reduce_sum3A_179 : i1 to vector<16xi1>
        %reduce_sum3A_181 = tpu.scan <sum>, %get3A_178 masked %reduce_sum3A_180 : vector<16xi32>, vector<16xi1> -> vector<16xi32>
        %reduce_sum3A_182 = vector.extract %reduce_sum3A_181[15] : i32 from vector<16xi32>
        %add3A_183 = arith.addi %add3A_167, %reduce_sum3A_182 : i32
        %lt3A_184 = arith.constant 716 : i32
        %lt3A_185 = arith.cmpi slt, %add3A_167, %lt3A_184 : i32
        %ge3A_186 = arith.constant 716 : i32
        %ge3A_187 = arith.cmpi sge, %add3A_183, %ge3A_186 : i32
        %and3A_188 = arith.andi %lt3A_185, %ge3A_187 : i1
        %jit3A_189 = arith.constant 26 : i32
        %select_n3A_190 = arith.select %and3A_188, %jit3A_189, %select_n3A_174 : i32
        %select_n3A_191 = arith.select %and3A_188, %add3A_167, %select_n3A_175 : i32
        %select_n3A_192 = arith.select %and3A_188, %reduce_sum3A_182, %select_n3A_176 : i32
        %get3A_193 = arith.constant 400 : index
        %get3A_194 = tpu.vector_load %arg7[%get3A_193] {strides = array<i32>} : memref<512xi32, #tpu.memory_space<vmem>>, vector<16xi32>,
        %reduce_sum3A_195 = arith.constant true
        %reduce_sum3A_196 = vector.broadcast %reduce_sum3A_195 : i1 to vector<16xi1>
        %reduce_sum3A_197 = tpu.scan <sum>, %get3A_194 masked %reduce_sum3A_196 : vector<16xi32>, vector<16xi1> -> vector<16xi32>
        %reduce_sum3A_198 = vector.extract %reduce_sum3A_197[15] : i32 from vector<16xi32>
        %add3A_199 = arith.addi %add3A_183, %reduce_sum3A_198 : i32
        %lt3A_200 = arith.constant 716 : i32
        %lt3A_201 = arith.cmpi slt, %add3A_183, %lt3A_200 : i32
        %ge3A_202 = arith.constant 716 : i32
        %ge3A_203 = arith.cmpi sge, %add3A_199, %ge3A_202 : i32
        %and3A_204 = arith.andi %lt3A_201, %ge3A_203 : i1
        %jit3A_205 = arith.constant 25 : i32
        %select_n3A_206 = arith.select %and3A_204, %jit3A_205, %select_n3A_190 : i32
        %select_n3A_207 = arith.select %and3A_204, %add3A_183, %select_n3A_191 : i32
        %select_n3A_208 = arith.select %and3A_204, %reduce_sum3A_198, %select_n3A_192 : i32
        %get3A_209 = arith.constant 384 : index
        %get3A_210 = tpu.vector_load %arg7[%get3A_209] {strides = array<i32>} : memref<512xi32, #tpu.memory_space<vmem>>, vector<16xi32>,
        %reduce_sum3A_211 = arith.constant true
        %reduce_sum3A_212 = vector.broadcast %reduce_sum3A_211 : i1 to vector<16xi1>
        %reduce_sum3A_213 = tpu.scan <sum>, %get3A_210 masked %reduce_sum3A_212 : vector<16xi32>, vector<16xi1> -> vector<16xi32>
        %reduce_sum3A_214 = vector.extract %reduce_sum3A_213[15] : i32 from vector<16xi32>
        %add3A_215 = arith.addi %add3A_199, %reduce_sum3A_214 : i32
        %lt3A_216 = arith.constant 716 : i32
        %lt3A_217 = arith.cmpi slt, %add3A_199, %lt3A_216 : i32
        %ge3A_218 = arith.constant 716 : i32
        %ge3A_219 = arith.cmpi sge, %add3A_215, %ge3A_218 : i32
        %and3A_220 = arith.andi %lt3A_217, %ge3A_219 : i1
        %jit3A_221 = arith.constant 24 : i32
        %select_n3A_222 = arith.select %and3A_220, %jit3A_221, %select_n3A_206 : i32
        %select_n3A_223 = arith.select %and3A_220, %add3A_199, %select_n3A_207 : i32
        %select_n3A_224 = arith.select %and3A_220, %reduce_sum3A_214, %select_n3A_208 : i32
        %get3A_225 = arith.constant 368 : index
        %get3A_226 = tpu.vector_load %arg7[%get3A_225] {strides = array<i32>} : memref<512xi32, #tpu.memory_space<vmem>>, vector<16xi32>,
        %reduce_sum3A_227 = arith.constant true
        %reduce_sum3A_228 = vector.broadcast %reduce_sum3A_227 : i1 to vector<16xi1>
        %reduce_sum3A_229 = tpu.scan <sum>, %get3A_226 masked %reduce_sum3A_228 : vector<16xi32>, vector<16xi1> -> vector<16xi32>
        %reduce_sum3A_230 = vector.extract %reduce_sum3A_229[15] : i32 from vector<16xi32>
        %add3A_231 = arith.addi %add3A_215, %reduce_sum3A_230 : i32
        %lt3A_232 = arith.constant 716 : i32
        %lt3A_233 = arith.cmpi slt, %add3A_215, %lt3A_232 : i32
        %ge3A_234 = arith.constant 716 : i32
        %ge3A_235 = arith.cmpi sge, %add3A_231, %ge3A_234 : i32
        %and3A_236 = arith.andi %lt3A_233, %ge3A_235 : i1
        %jit3A_237 = arith.constant 23 : i32
        %select_n3A_238 = arith.select %and3A_236, %jit3A_237, %select_n3A_222 : i32
        %select_n3A_239 = arith.select %and3A_236, %add3A_215, %select_n3A_223 : i32
        %select_n3A_240 = arith.select %and3A_236, %reduce_sum3A_230, %select_n3A_224 : i32
        %get3A_241 = arith.constant 352 : index
        %get3A_242 = tpu.vector_load %arg7[%get3A_241] {strides = array<i32>} : memref<512xi32, #tpu.memory_space<vmem>>, vector<16xi32>,
        %reduce_sum3A_243 = arith.constant true
        %reduce_sum3A_244 = vector.broadcast %reduce_sum3A_243 : i1 to vector<16xi1>
        %reduce_sum3A_245 = tpu.scan <sum>, %get3A_242 masked %reduce_sum3A_244 : vector<16xi32>, vector<16xi1> -> vector<16xi32>
        %reduce_sum3A_246 = vector.extract %reduce_sum3A_245[15] : i32 from vector<16xi32>
        %add3A_247 = arith.addi %add3A_231, %reduce_sum3A_246 : i32
        %lt3A_248 = arith.constant 716 : i32
        %lt3A_249 = arith.cmpi slt, %add3A_231, %lt3A_248 : i32
        %ge3A_250 = arith.constant 716 : i32
        %ge3A_251 = arith.cmpi sge, %add3A_247, %ge3A_250 : i32
        %and3A_252 = arith.andi %lt3A_249, %ge3A_251 : i1
        %jit3A_253 = arith.constant 22 : i32
        %select_n3A_254 = arith.select %and3A_252, %jit3A_253, %select_n3A_238 : i32
        %select_n3A_255 = arith.select %and3A_252, %add3A_231, %select_n3A_239 : i32
        %select_n3A_256 = arith.select %and3A_252, %reduce_sum3A_246, %select_n3A_240 : i32
        %get3A_257 = arith.constant 336 : index
        %get3A_258 = tpu.vector_load %arg7[%get3A_257] {strides = array<i32>} : memref<512xi32, #tpu.memory_space<vmem>>, vector<16xi32>,
        %reduce_sum3A_259 = arith.constant true
        %reduce_sum3A_260 = vector.broadcast %reduce_sum3A_259 : i1 to vector<16xi1>
        %reduce_sum3A_261 = tpu.scan <sum>, %get3A_258 masked %reduce_sum3A_260 : vector<16xi32>, vector<16xi1> -> vector<16xi32>
        %reduce_sum3A_262 = vector.extract %reduce_sum3A_261[15] : i32 from vector<16xi32>
        %add3A_263 = arith.addi %add3A_247, %reduce_sum3A_262 : i32
        %lt3A_264 = arith.constant 716 : i32
        %lt3A_265 = arith.cmpi slt, %add3A_247, %lt3A_264 : i32
        %ge3A_266 = arith.constant 716 : i32
        %ge3A_267 = arith.cmpi sge, %add3A_263, %ge3A_266 : i32
        %and3A_268 = arith.andi %lt3A_265, %ge3A_267 : i1
        %jit3A_269 = arith.constant 21 : i32
        %select_n3A_270 = arith.select %and3A_268, %jit3A_269, %select_n3A_254 : i32
        %select_n3A_271 = arith.select %and3A_268, %add3A_247, %select_n3A_255 : i32
        %select_n3A_272 = arith.select %and3A_268, %reduce_sum3A_262, %select_n3A_256 : i32
        %get3A_273 = arith.constant 320 : index
        %get3A_274 = tpu.vector_load %arg7[%get3A_273] {strides = array<i32>} : memref<512xi32, #tpu.memory_space<vmem>>, vector<16xi32>,
        %reduce_sum3A_275 = arith.constant true
        %reduce_sum3A_276 = vector.broadcast %reduce_sum3A_275 : i1 to vector<16xi1>
        %reduce_sum3A_277 = tpu.scan <sum>, %get3A_274 masked %reduce_sum3A_276 : vector<16xi32>, vector<16xi1> -> vector<16xi32>
        %reduce_sum3A_278 = vector.extract %reduce_sum3A_277[15] : i32 from vector<16xi32>
        %add3A_279 = arith.addi %add3A_263, %reduce_sum3A_278 : i32
        %lt3A_280 = arith.constant 716 : i32
        %lt3A_281 = arith.cmpi slt, %add3A_263, %lt3A_280 : i32
        %ge3A_282 = arith.constant 716 : i32
        %ge3A_283 = arith.cmpi sge, %add3A_279, %ge3A_282 : i32
        %and3A_284 = arith.andi %lt3A_281, %ge3A_283 : i1
        %jit3A_285 = arith.constant 20 : i32
        %select_n3A_286 = arith.select %and3A_284, %jit3A_285, %select_n3A_270 : i32
        %select_n3A_287 = arith.select %and3A_284, %add3A_263, %select_n3A_271 : i32
        %select_n3A_288 = arith.select %and3A_284, %reduce_sum3A_278, %select_n3A_272 : i32
        %get3A_289 = arith.constant 304 : index
        %get3A_290 = tpu.vector_load %arg7[%get3A_289] {strides = array<i32>} : memref<512xi32, #tpu.memory_space<vmem>>, vector<16xi32>,
        %reduce_sum3A_291 = arith.constant true
        %reduce_sum3A_292 = vector.broadcast %reduce_sum3A_291 : i1 to vector<16xi1>
        %reduce_sum3A_293 = tpu.scan <sum>, %get3A_290 masked %reduce_sum3A_292 : vector<16xi32>, vector<16xi1> -> vector<16xi32>
        %reduce_sum3A_294 = vector.extract %reduce_sum3A_293[15] : i32 from vector<16xi32>
        %add3A_295 = arith.addi %add3A_279, %reduce_sum3A_294 : i32
        %lt3A_296 = arith.constant 716 : i32
        %lt3A_297 = arith.cmpi slt, %add3A_279, %lt3A_296 : i32
        %ge3A_298 = arith.constant 716 : i32
        %ge3A_299 = arith.cmpi sge, %add3A_295, %ge3A_298 : i32
        %and3A_300 = arith.andi %lt3A_297, %ge3A_299 : i1
        %jit3A_301 = arith.constant 19 : i32
        %select_n3A_302 = arith.select %and3A_300, %jit3A_301, %select_n3A_286 : i32
        %select_n3A_303 = arith.select %and3A_300, %add3A_279, %select_n3A_287 : i32
        %select_n3A_304 = arith.select %and3A_300, %reduce_sum3A_294, %select_n3A_288 : i32
        %get3A_305 = arith.constant 288 : index
        %get3A_306 = tpu.vector_load %arg7[%get3A_305] {strides = array<i32>} : memref<512xi32, #tpu.memory_space<vmem>>, vector<16xi32>,
        %reduce_sum3A_307 = arith.constant true
        %reduce_sum3A_308 = vector.broadcast %reduce_sum3A_307 : i1 to vector<16xi1>
        %reduce_sum3A_309 = tpu.scan <sum>, %get3A_306 masked %reduce_sum3A_308 : vector<16xi32>, vector<16xi1> -> vector<16xi32>
        %reduce_sum3A_310 = vector.extract %reduce_sum3A_309[15] : i32 from vector<16xi32>
        %add3A_311 = arith.addi %add3A_295, %reduce_sum3A_310 : i32
        %lt3A_312 = arith.constant 716 : i32
        %lt3A_313 = arith.cmpi slt, %add3A_295, %lt3A_312 : i32
        %ge3A_314 = arith.constant 716 : i32
        %ge3A_315 = arith.cmpi sge, %add3A_311, %ge3A_314 : i32
        %and3A_316 = arith.andi %lt3A_313, %ge3A_315 : i1
        %jit3A_317 = arith.constant 18 : i32
        %select_n3A_318 = arith.select %and3A_316, %jit3A_317, %select_n3A_302 : i32
        %select_n3A_319 = arith.select %and3A_316, %add3A_295, %select_n3A_303 : i32
        %select_n3A_320 = arith.select %and3A_316, %reduce_sum3A_310, %select_n3A_304 : i32
        %get3A_321 = arith.constant 272 : index
        %get3A_322 = tpu.vector_load %arg7[%get3A_321] {strides = array<i32>} : memref<512xi32, #tpu.memory_space<vmem>>, vector<16xi32>,
        %reduce_sum3A_323 = arith.constant true
        %reduce_sum3A_324 = vector.broadcast %reduce_sum3A_323 : i1 to vector<16xi1>
        %reduce_sum3A_325 = tpu.scan <sum>, %get3A_322 masked %reduce_sum3A_324 : vector<16xi32>, vector<16xi1> -> vector<16xi32>
        %reduce_sum3A_326 = vector.extract %reduce_sum3A_325[15] : i32 from vector<16xi32>
        %add3A_327 = arith.addi %add3A_311, %reduce_sum3A_326 : i32
        %lt3A_328 = arith.constant 716 : i32
        %lt3A_329 = arith.cmpi slt, %add3A_311, %lt3A_328 : i32
        %ge3A_330 = arith.constant 716 : i32
        %ge3A_331 = arith.cmpi sge, %add3A_327, %ge3A_330 : i32
        %and3A_332 = arith.andi %lt3A_329, %ge3A_331 : i1
        %jit3A_333 = arith.constant 17 : i32
        %select_n3A_334 = arith.select %and3A_332, %jit3A_333, %select_n3A_318 : i32
        %select_n3A_335 = arith.select %and3A_332, %add3A_311, %select_n3A_319 : i32
        %select_n3A_336 = arith.select %and3A_332, %reduce_sum3A_326, %select_n3A_320 : i32
        %get3A_337 = arith.constant 256 : index
        %get3A_338 = tpu.vector_load %arg7[%get3A_337] {strides = array<i32>} : memref<512xi32, #tpu.memory_space<vmem>>, vector<16xi32>,
        %reduce_sum3A_339 = arith.constant true
        %reduce_sum3A_340 = vector.broadcast %reduce_sum3A_339 : i1 to vector<16xi1>
        %reduce_sum3A_341 = tpu.scan <sum>, %get3A_338 masked %reduce_sum3A_340 : vector<16xi32>, vector<16xi1> -> vector<16xi32>
        %reduce_sum3A_342 = vector.extract %reduce_sum3A_341[15] : i32 from vector<16xi32>
        %add3A_343 = arith.addi %add3A_327, %reduce_sum3A_342 : i32
        %lt3A_344 = arith.constant 716 : i32
        %lt3A_345 = arith.cmpi slt, %add3A_327, %lt3A_344 : i32
        %ge3A_346 = arith.constant 716 : i32
        %ge3A_347 = arith.cmpi sge, %add3A_343, %ge3A_346 : i32
        %and3A_348 = arith.andi %lt3A_345, %ge3A_347 : i1
        %jit3A_349 = arith.constant 16 : i32
        %select_n3A_350 = arith.select %and3A_348, %jit3A_349, %select_n3A_334 : i32
        %select_n3A_351 = arith.select %and3A_348, %add3A_327, %select_n3A_335 : i32
        %select_n3A_352 = arith.select %and3A_348, %reduce_sum3A_342, %select_n3A_336 : i32
        %get3A_353 = arith.constant 240 : index
        %get3A_354 = tpu.vector_load %arg7[%get3A_353] {strides = array<i32>} : memref<512xi32, #tpu.memory_space<vmem>>, vector<16xi32>,
        %reduce_sum3A_355 = arith.constant true
        %reduce_sum3A_356 = vector.broadcast %reduce_sum3A_355 : i1 to vector<16xi1>
        %reduce_sum3A_357 = tpu.scan <sum>, %get3A_354 masked %reduce_sum3A_356 : vector<16xi32>, vector<16xi1> -> vector<16xi32>
        %reduce_sum3A_358 = vector.extract %reduce_sum3A_357[15] : i32 from vector<16xi32>
        %add3A_359 = arith.addi %add3A_343, %reduce_sum3A_358 : i32
        %lt3A_360 = arith.constant 716 : i32
        %lt3A_361 = arith.cmpi slt, %add3A_343, %lt3A_360 : i32
        %ge3A_362 = arith.constant 716 : i32
        %ge3A_363 = arith.cmpi sge, %add3A_359, %ge3A_362 : i32
        %and3A_364 = arith.andi %lt3A_361, %ge3A_363 : i1
        %jit3A_365 = arith.constant 15 : i32
        %select_n3A_366 = arith.select %and3A_364, %jit3A_365, %select_n3A_350 : i32
        %select_n3A_367 = arith.select %and3A_364, %add3A_343, %select_n3A_351 : i32
        %select_n3A_368 = arith.select %and3A_364, %reduce_sum3A_358, %select_n3A_352 : i32
        %get3A_369 = arith.constant 224 : index
        %get3A_370 = tpu.vector_load %arg7[%get3A_369] {strides = array<i32>} : memref<512xi32, #tpu.memory_space<vmem>>, vector<16xi32>,
        %reduce_sum3A_371 = arith.constant true
        %reduce_sum3A_372 = vector.broadcast %reduce_sum3A_371 : i1 to vector<16xi1>
        %reduce_sum3A_373 = tpu.scan <sum>, %get3A_370 masked %reduce_sum3A_372 : vector<16xi32>, vector<16xi1> -> vector<16xi32>
        %reduce_sum3A_374 = vector.extract %reduce_sum3A_373[15] : i32 from vector<16xi32>
        %add3A_375 = arith.addi %add3A_359, %reduce_sum3A_374 : i32
        %lt3A_376 = arith.constant 716 : i32
        %lt3A_377 = arith.cmpi slt, %add3A_359, %lt3A_376 : i32
        %ge3A_378 = arith.constant 716 : i32
        %ge3A_379 = arith.cmpi sge, %add3A_375, %ge3A_378 : i32
        %and3A_380 = arith.andi %lt3A_377, %ge3A_379 : i1
        %jit3A_381 = arith.constant 14 : i32
        %select_n3A_382 = arith.select %and3A_380, %jit3A_381, %select_n3A_366 : i32
        %select_n3A_383 = arith.select %and3A_380, %add3A_359, %select_n3A_367 : i32
        %select_n3A_384 = arith.select %and3A_380, %reduce_sum3A_374, %select_n3A_368 : i32
        %get3A_385 = arith.constant 208 : index
        %get3A_386 = tpu.vector_load %arg7[%get3A_385] {strides = array<i32>} : memref<512xi32, #tpu.memory_space<vmem>>, vector<16xi32>,
        %reduce_sum3A_387 = arith.constant true
        %reduce_sum3A_388 = vector.broadcast %reduce_sum3A_387 : i1 to vector<16xi1>
        %reduce_sum3A_389 = tpu.scan <sum>, %get3A_386 masked %reduce_sum3A_388 : vector<16xi32>, vector<16xi1> -> vector<16xi32>
        %reduce_sum3A_390 = vector.extract %reduce_sum3A_389[15] : i32 from vector<16xi32>
        %add3A_391 = arith.addi %add3A_375, %reduce_sum3A_390 : i32
        %lt3A_392 = arith.constant 716 : i32
        %lt3A_393 = arith.cmpi slt, %add3A_375, %lt3A_392 : i32
        %ge3A_394 = arith.constant 716 : i32
        %ge3A_395 = arith.cmpi sge, %add3A_391, %ge3A_394 : i32
        %and3A_396 = arith.andi %lt3A_393, %ge3A_395 : i1
        %jit3A_397 = arith.constant 13 : i32
        %select_n3A_398 = arith.select %and3A_396, %jit3A_397, %select_n3A_382 : i32
        %select_n3A_399 = arith.select %and3A_396, %add3A_375, %select_n3A_383 : i32
        %select_n3A_400 = arith.select %and3A_396, %reduce_sum3A_390, %select_n3A_384 : i32
        %get3A_401 = arith.constant 192 : index
        %get3A_402 = tpu.vector_load %arg7[%get3A_401] {strides = array<i32>} : memref<512xi32, #tpu.memory_space<vmem>>, vector<16xi32>,
        %reduce_sum3A_403 = arith.constant true
        %reduce_sum3A_404 = vector.broadcast %reduce_sum3A_403 : i1 to vector<16xi1>
        %reduce_sum3A_405 = tpu.scan <sum>, %get3A_402 masked %reduce_sum3A_404 : vector<16xi32>, vector<16xi1> -> vector<16xi32>
        %reduce_sum3A_406 = vector.extract %reduce_sum3A_405[15] : i32 from vector<16xi32>
        %add3A_407 = arith.addi %add3A_391, %reduce_sum3A_406 : i32
        %lt3A_408 = arith.constant 716 : i32
        %lt3A_409 = arith.cmpi slt, %add3A_391, %lt3A_408 : i32
        %ge3A_410 = arith.constant 716 : i32
        %ge3A_411 = arith.cmpi sge, %add3A_407, %ge3A_410 : i32
        %and3A_412 = arith.andi %lt3A_409, %ge3A_411 : i1
        %jit3A_413 = arith.constant 12 : i32
        %select_n3A_414 = arith.select %and3A_412, %jit3A_413, %select_n3A_398 : i32
        %select_n3A_415 = arith.select %and3A_412, %add3A_391, %select_n3A_399 : i32
        %select_n3A_416 = arith.select %and3A_412, %reduce_sum3A_406, %select_n3A_400 : i32
        %get3A_417 = arith.constant 176 : index
        %get3A_418 = tpu.vector_load %arg7[%get3A_417] {strides = array<i32>} : memref<512xi32, #tpu.memory_space<vmem>>, vector<16xi32>,
        %reduce_sum3A_419 = arith.constant true
        %reduce_sum3A_420 = vector.broadcast %reduce_sum3A_419 : i1 to vector<16xi1>
        %reduce_sum3A_421 = tpu.scan <sum>, %get3A_418 masked %reduce_sum3A_420 : vector<16xi32>, vector<16xi1> -> vector<16xi32>
        %reduce_sum3A_422 = vector.extract %reduce_sum3A_421[15] : i32 from vector<16xi32>
        %add3A_423 = arith.addi %add3A_407, %reduce_sum3A_422 : i32
        %lt3A_424 = arith.constant 716 : i32
        %lt3A_425 = arith.cmpi slt, %add3A_407, %lt3A_424 : i32
        %ge3A_426 = arith.constant 716 : i32
        %ge3A_427 = arith.cmpi sge, %add3A_423, %ge3A_426 : i32
        %and3A_428 = arith.andi %lt3A_425, %ge3A_427 : i1
        %jit3A_429 = arith.constant 11 : i32
        %select_n3A_430 = arith.select %and3A_428, %jit3A_429, %select_n3A_414 : i32
        %select_n3A_431 = arith.select %and3A_428, %add3A_407, %select_n3A_415 : i32
        %select_n3A_432 = arith.select %and3A_428, %reduce_sum3A_422, %select_n3A_416 : i32
        %get3A_433 = arith.constant 160 : index
        %get3A_434 = tpu.vector_load %arg7[%get3A_433] {strides = array<i32>} : memref<512xi32, #tpu.memory_space<vmem>>, vector<16xi32>,
        %reduce_sum3A_435 = arith.constant true
        %reduce_sum3A_436 = vector.broadcast %reduce_sum3A_435 : i1 to vector<16xi1>
        %reduce_sum3A_437 = tpu.scan <sum>, %get3A_434 masked %reduce_sum3A_436 : vector<16xi32>, vector<16xi1> -> vector<16xi32>
        %reduce_sum3A_438 = vector.extract %reduce_sum3A_437[15] : i32 from vector<16xi32>
        %add3A_439 = arith.addi %add3A_423, %reduce_sum3A_438 : i32
        %lt3A_440 = arith.constant 716 : i32
        %lt3A_441 = arith.cmpi slt, %add3A_423, %lt3A_440 : i32
        %ge3A_442 = arith.constant 716 : i32
        %ge3A_443 = arith.cmpi sge, %add3A_439, %ge3A_442 : i32
        %and3A_444 = arith.andi %lt3A_441, %ge3A_443 : i1
        %jit3A_445 = arith.constant 10 : i32
        %select_n3A_446 = arith.select %and3A_444, %jit3A_445, %select_n3A_430 : i32
        %select_n3A_447 = arith.select %and3A_444, %add3A_423, %select_n3A_431 : i32
        %select_n3A_448 = arith.select %and3A_444, %reduce_sum3A_438, %select_n3A_432 : i32
        %get3A_449 = arith.constant 144 : index
        %get3A_450 = tpu.vector_load %arg7[%get3A_449] {strides = array<i32>} : memref<512xi32, #tpu.memory_space<vmem>>, vector<16xi32>,
        %reduce_sum3A_451 = arith.constant true
        %reduce_sum3A_452 = vector.broadcast %reduce_sum3A_451 : i1 to vector<16xi1>
        %reduce_sum3A_453 = tpu.scan <sum>, %get3A_450 masked %reduce_sum3A_452 : vector<16xi32>, vector<16xi1> -> vector<16xi32>
        %reduce_sum3A_454 = vector.extract %reduce_sum3A_453[15] : i32 from vector<16xi32>
        %add3A_455 = arith.addi %add3A_439, %reduce_sum3A_454 : i32
        %lt3A_456 = arith.constant 716 : i32
        %lt3A_457 = arith.cmpi slt, %add3A_439, %lt3A_456 : i32
        %ge3A_458 = arith.constant 716 : i32
        %ge3A_459 = arith.cmpi sge, %add3A_455, %ge3A_458 : i32
        %and3A_460 = arith.andi %lt3A_457, %ge3A_459 : i1
        %jit3A_461 = arith.constant 9 : i32
        %select_n3A_462 = arith.select %and3A_460, %jit3A_461, %select_n3A_446 : i32
        %select_n3A_463 = arith.select %and3A_460, %add3A_439, %select_n3A_447 : i32
        %select_n3A_464 = arith.select %and3A_460, %reduce_sum3A_454, %select_n3A_448 : i32
        %get3A_465 = arith.constant 128 : index
        %get3A_466 = tpu.vector_load %arg7[%get3A_465] {strides = array<i32>} : memref<512xi32, #tpu.memory_space<vmem>>, vector<16xi32>,
        %reduce_sum3A_467 = arith.constant true
        %reduce_sum3A_468 = vector.broadcast %reduce_sum3A_467 : i1 to vector<16xi1>
        %reduce_sum3A_469 = tpu.scan <sum>, %get3A_466 masked %reduce_sum3A_468 : vector<16xi32>, vector<16xi1> -> vector<16xi32>
        %reduce_sum3A_470 = vector.extract %reduce_sum3A_469[15] : i32 from vector<16xi32>
        %add3A_471 = arith.addi %add3A_455, %reduce_sum3A_470 : i32
        %lt3A_472 = arith.constant 716 : i32
        %lt3A_473 = arith.cmpi slt, %add3A_455, %lt3A_472 : i32
        %ge3A_474 = arith.constant 716 : i32
        %ge3A_475 = arith.cmpi sge, %add3A_471, %ge3A_474 : i32
        %and3A_476 = arith.andi %lt3A_473, %ge3A_475 : i1
        %jit3A_477 = arith.constant 8 : i32
        %select_n3A_478 = arith.select %and3A_476, %jit3A_477, %select_n3A_462 : i32
        %select_n3A_479 = arith.select %and3A_476, %add3A_455, %select_n3A_463 : i32
        %select_n3A_480 = arith.select %and3A_476, %reduce_sum3A_470, %select_n3A_464 : i32
        %get3A_481 = arith.constant 112 : index
        %get3A_482 = tpu.vector_load %arg7[%get3A_481] {strides = array<i32>} : memref<512xi32, #tpu.memory_space<vmem>>, vector<16xi32>,
        %reduce_sum3A_483 = arith.constant true
        %reduce_sum3A_484 = vector.broadcast %reduce_sum3A_483 : i1 to vector<16xi1>
        %reduce_sum3A_485 = tpu.scan <sum>, %get3A_482 masked %reduce_sum3A_484 : vector<16xi32>, vector<16xi1> -> vector<16xi32>
        %reduce_sum3A_486 = vector.extract %reduce_sum3A_485[15] : i32 from vector<16xi32>
        %add3A_487 = arith.addi %add3A_471, %reduce_sum3A_486 : i32
        %lt3A_488 = arith.constant 716 : i32
        %lt3A_489 = arith.cmpi slt, %add3A_471, %lt3A_488 : i32
        %ge3A_490 = arith.constant 716 : i32
        %ge3A_491 = arith.cmpi sge, %add3A_487, %ge3A_490 : i32
        %and3A_492 = arith.andi %lt3A_489, %ge3A_491 : i1
        %jit3A_493 = arith.constant 7 : i32
        %select_n3A_494 = arith.select %and3A_492, %jit3A_493, %select_n3A_478 : i32
        %select_n3A_495 = arith.select %and3A_492, %add3A_471, %select_n3A_479 : i32
        %select_n3A_496 = arith.select %and3A_492, %reduce_sum3A_486, %select_n3A_480 : i32
        %get3A_497 = arith.constant 96 : index
        %get3A_498 = tpu.vector_load %arg7[%get3A_497] {strides = array<i32>} : memref<512xi32, #tpu.memory_space<vmem>>, vector<16xi32>,
        %reduce_sum3A_499 = arith.constant true
        %reduce_sum3A_500 = vector.broadcast %reduce_sum3A_499 : i1 to vector<16xi1>
        %reduce_sum3A_501 = tpu.scan <sum>, %get3A_498 masked %reduce_sum3A_500 : vector<16xi32>, vector<16xi1> -> vector<16xi32>
        %reduce_sum3A_502 = vector.extract %reduce_sum3A_501[15] : i32 from vector<16xi32>
        %add3A_503 = arith.addi %add3A_487, %reduce_sum3A_502 : i32
        %lt3A_504 = arith.constant 716 : i32
        %lt3A_505 = arith.cmpi slt, %add3A_487, %lt3A_504 : i32
        %ge3A_506 = arith.constant 716 : i32
        %ge3A_507 = arith.cmpi sge, %add3A_503, %ge3A_506 : i32
        %and3A_508 = arith.andi %lt3A_505, %ge3A_507 : i1
        %jit3A_509 = arith.constant 6 : i32
        %select_n3A_510 = arith.select %and3A_508, %jit3A_509, %select_n3A_494 : i32
        %select_n3A_511 = arith.select %and3A_508, %add3A_487, %select_n3A_495 : i32
        %select_n3A_512 = arith.select %and3A_508, %reduce_sum3A_502, %select_n3A_496 : i32
        %get3A_513 = arith.constant 80 : index
        %get3A_514 = tpu.vector_load %arg7[%get3A_513] {strides = array<i32>} : memref<512xi32, #tpu.memory_space<vmem>>, vector<16xi32>,
        %reduce_sum3A_515 = arith.constant true
        %reduce_sum3A_516 = vector.broadcast %reduce_sum3A_515 : i1 to vector<16xi1>
        %reduce_sum3A_517 = tpu.scan <sum>, %get3A_514 masked %reduce_sum3A_516 : vector<16xi32>, vector<16xi1> -> vector<16xi32>
        %reduce_sum3A_518 = vector.extract %reduce_sum3A_517[15] : i32 from vector<16xi32>
        %add3A_519 = arith.addi %add3A_503, %reduce_sum3A_518 : i32
        %lt3A_520 = arith.constant 716 : i32
        %lt3A_521 = arith.cmpi slt, %add3A_503, %lt3A_520 : i32
        %ge3A_522 = arith.constant 716 : i32
        %ge3A_523 = arith.cmpi sge, %add3A_519, %ge3A_522 : i32
        %and3A_524 = arith.andi %lt3A_521, %ge3A_523 : i1
        %jit3A_525 = arith.constant 5 : i32
        %select_n3A_526 = arith.select %and3A_524, %jit3A_525, %select_n3A_510 : i32
        %select_n3A_527 = arith.select %and3A_524, %add3A_503, %select_n3A_511 : i32
        %select_n3A_528 = arith.select %and3A_524, %reduce_sum3A_518, %select_n3A_512 : i32
        %get3A_529 = arith.constant 64 : index
        %get3A_530 = tpu.vector_load %arg7[%get3A_529] {strides = array<i32>} : memref<512xi32, #tpu.memory_space<vmem>>, vector<16xi32>,
        %reduce_sum3A_531 = arith.constant true
        %reduce_sum3A_532 = vector.broadcast %reduce_sum3A_531 : i1 to vector<16xi1>
        %reduce_sum3A_533 = tpu.scan <sum>, %get3A_530 masked %reduce_sum3A_532 : vector<16xi32>, vector<16xi1> -> vector<16xi32>
        %reduce_sum3A_534 = vector.extract %reduce_sum3A_533[15] : i32 from vector<16xi32>
        %add3A_535 = arith.addi %add3A_519, %reduce_sum3A_534 : i32
        %lt3A_536 = arith.constant 716 : i32
        %lt3A_537 = arith.cmpi slt, %add3A_519, %lt3A_536 : i32
        %ge3A_538 = arith.constant 716 : i32
        %ge3A_539 = arith.cmpi sge, %add3A_535, %ge3A_538 : i32
        %and3A_540 = arith.andi %lt3A_537, %ge3A_539 : i1
        %jit3A_541 = arith.constant 4 : i32
        %select_n3A_542 = arith.select %and3A_540, %jit3A_541, %select_n3A_526 : i32
        %select_n3A_543 = arith.select %and3A_540, %add3A_519, %select_n3A_527 : i32
        %select_n3A_544 = arith.select %and3A_540, %reduce_sum3A_534, %select_n3A_528 : i32
        %get3A_545 = arith.constant 48 : index
        %get3A_546 = tpu.vector_load %arg7[%get3A_545] {strides = array<i32>} : memref<512xi32, #tpu.memory_space<vmem>>, vector<16xi32>,
        %reduce_sum3A_547 = arith.constant true
        %reduce_sum3A_548 = vector.broadcast %reduce_sum3A_547 : i1 to vector<16xi1>
        %reduce_sum3A_549 = tpu.scan <sum>, %get3A_546 masked %reduce_sum3A_548 : vector<16xi32>, vector<16xi1> -> vector<16xi32>
        %reduce_sum3A_550 = vector.extract %reduce_sum3A_549[15] : i32 from vector<16xi32>
        %add3A_551 = arith.addi %add3A_535, %reduce_sum3A_550 : i32
        %lt3A_552 = arith.constant 716 : i32
        %lt3A_553 = arith.cmpi slt, %add3A_535, %lt3A_552 : i32
        %ge3A_554 = arith.constant 716 : i32
        %ge3A_555 = arith.cmpi sge, %add3A_551, %ge3A_554 : i32
        %and3A_556 = arith.andi %lt3A_553, %ge3A_555 : i1
        %jit3A_557 = arith.constant 3 : i32
        %select_n3A_558 = arith.select %and3A_556, %jit3A_557, %select_n3A_542 : i32
        %select_n3A_559 = arith.select %and3A_556, %add3A_535, %select_n3A_543 : i32
        %select_n3A_560 = arith.select %and3A_556, %reduce_sum3A_550, %select_n3A_544 : i32
        %get3A_561 = arith.constant 32 : index
        %get3A_562 = tpu.vector_load %arg7[%get3A_561] {strides = array<i32>} : memref<512xi32, #tpu.memory_space<vmem>>, vector<16xi32>,
        %reduce_sum3A_563 = arith.constant true
        %reduce_sum3A_564 = vector.broadcast %reduce_sum3A_563 : i1 to vector<16xi1>
        %reduce_sum3A_565 = tpu.scan <sum>, %get3A_562 masked %reduce_sum3A_564 : vector<16xi32>, vector<16xi1> -> vector<16xi32>
        %reduce_sum3A_566 = vector.extract %reduce_sum3A_565[15] : i32 from vector<16xi32>
        %add3A_567 = arith.addi %add3A_551, %reduce_sum3A_566 : i32
        %lt3A_568 = arith.constant 716 : i32
        %lt3A_569 = arith.cmpi slt, %add3A_551, %lt3A_568 : i32
        %ge3A_570 = arith.constant 716 : i32
        %ge3A_571 = arith.cmpi sge, %add3A_567, %ge3A_570 : i32
        %and3A_572 = arith.andi %lt3A_569, %ge3A_571 : i1
        %jit3A_573 = arith.constant 2 : i32
        %select_n3A_574 = arith.select %and3A_572, %jit3A_573, %select_n3A_558 : i32
        %select_n3A_575 = arith.select %and3A_572, %add3A_551, %select_n3A_559 : i32
        %select_n3A_576 = arith.select %and3A_572, %reduce_sum3A_566, %select_n3A_560 : i32
        %get3A_577 = arith.constant 16 : index
        %get3A_578 = tpu.vector_load %arg7[%get3A_577] {strides = array<i32>} : memref<512xi32, #tpu.memory_space<vmem>>, vector<16xi32>,
        %reduce_sum3A_579 = arith.constant true
        %reduce_sum3A_580 = vector.broadcast %reduce_sum3A_579 : i1 to vector<16xi1>
        %reduce_sum3A_581 = tpu.scan <sum>, %get3A_578 masked %reduce_sum3A_580 : vector<16xi32>, vector<16xi1> -> vector<16xi32>
        %reduce_sum3A_582 = vector.extract %reduce_sum3A_581[15] : i32 from vector<16xi32>
        %add3A_583 = arith.addi %add3A_567, %reduce_sum3A_582 : i32
        %lt3A_584 = arith.constant 716 : i32
        %lt3A_585 = arith.cmpi slt, %add3A_567, %lt3A_584 : i32
        %ge3A_586 = arith.constant 716 : i32
        %ge3A_587 = arith.cmpi sge, %add3A_583, %ge3A_586 : i32
        %and3A_588 = arith.andi %lt3A_585, %ge3A_587 : i1
        %jit3A_589 = arith.constant 1 : i32
        %select_n3A_590 = arith.select %and3A_588, %jit3A_589, %select_n3A_574 : i32
        %select_n3A_591 = arith.select %and3A_588, %add3A_567, %select_n3A_575 : i32
        %select_n3A_592 = arith.select %and3A_588, %reduce_sum3A_582, %select_n3A_576 : i32
        %get3A_593 = arith.constant 0 : index
        %get3A_594 = tpu.vector_load %arg7[%get3A_593] {strides = array<i32>} : memref<512xi32, #tpu.memory_space<vmem>>, vector<16xi32>,
        %reduce_sum3A_595 = arith.constant true
        %reduce_sum3A_596 = vector.broadcast %reduce_sum3A_595 : i1 to vector<16xi1>
        %reduce_sum3A_597 = tpu.scan <sum>, %get3A_594 masked %reduce_sum3A_596 : vector<16xi32>, vector<16xi1> -> vector<16xi32>
        %reduce_sum3A_598 = vector.extract %reduce_sum3A_597[15] : i32 from vector<16xi32>
        %add3A_599 = arith.addi %add3A_583, %reduce_sum3A_598 : i32
        %lt3A_600 = arith.constant 716 : i32
        %lt3A_601 = arith.cmpi slt, %add3A_583, %lt3A_600 : i32
        %ge3A_602 = arith.constant 716 : i32
        %ge3A_603 = arith.cmpi sge, %add3A_599, %ge3A_602 : i32
        %and3A_604 = arith.andi %lt3A_601, %ge3A_603 : i1
        %jit3A_605 = arith.constant 0 : i32
        %select_n3A_606 = arith.select %and3A_604, %jit3A_605, %select_n3A_590 : i32
        %select_n3A_607 = arith.select %and3A_604, %add3A_583, %select_n3A_591 : i32
        %select_n3A_608 = arith.select %and3A_604, %reduce_sum3A_598, %select_n3A_592 : i32
        %shift_left3A = arith.constant 27 : i32
        %shift_left3A_609 = arith.shli %select_n3A_606, %shift_left3A : i32
        %sub3A = arith.constant 716 : i32
        %sub3A_610 = arith.subi %sub3A, %select_n3A_607 : i32
        %eq3A = arith.cmpi eq, %sub3A_610, %select_n3A_608 : i32
        %scan3A_611 = arith.constant 0 : i32
        %scan3A_612 = arith.constant 0 : i32
        %scan3A_613 = arith.constant 128 : i32
        %scan3A_614 = arith.addi %scan3A_612, %scan3A_613 : i32
        %scan3A_615 = arith.constant 4 : i32
        %scan3A_616 = scf.for %scan3A_626 = %scan3A_612 to %scan3A_614 step %scan3A_615 iter_args(%scan3A_627 = %scan3A_611) -> (i32)  : i32 {
          %mul3A_628 = arith.constant 16 : i32
          %mul3A_629 = arith.muli %scan3A_626, %mul3A_628 : i32
          %get3A_630 = arith.index_cast %mul3A_629 : i32 to index
          %get3A_631 = tpu.vector_load %arg5[%get3A_630] {strides = array<i32>} : memref<2048xi32, #tpu.memory_space<vmem>>, vector<16xi32>,
          %shift_right_logical3A = arith.constant 27 : i32
          %shift_right_logical3A_632 = vector.broadcast %shift_right_logical3A : i32 to vector<16xi32>
          %shift_right_logical3A_633 = arith.shrui %get3A_631, %shift_right_logical3A_632 : vector<16xi32>
          %eq3A_634 = vector.broadcast %select_n3A_606 : i32 to vector<16xi32>
          %eq3A_635 = arith.cmpi eq, %shift_right_logical3A_633, %eq3A_634 : vector<16xi32>
          %swap3A_636 = arith.index_cast %scan3A_627 : i32 to index
          %swap3A_637 = tpu.vector_load %arg6[%swap3A_636] masked %eq3A_635 {strides = array<i32>} : memref<2064xi32, #tpu.memory_space<vmem>>, vector<16xi32>, vector<16xi1>
          tpu.vector_store %arg6[%swap3A_636], %get3A_631 masked %eq3A_635 {strides = array<i32>} : memref<2064xi32, #tpu.memory_space<vmem>>, vector<16xi32>, vector<16xi1>
          %convert_element_type3A = arith.extui %eq3A_635 : vector<16xi1> to vector<16xi32>
          %reduce_sum3A_638 = arith.constant true
          %reduce_sum3A_639 = vector.broadcast %reduce_sum3A_638 : i1 to vector<16xi1>
          %reduce_sum3A_640 = tpu.scan <sum>, %convert_element_type3A masked %reduce_sum3A_639 : vector<16xi32>, vector<16xi1> -> vector<16xi32>
          %reduce_sum3A_641 = vector.extract %reduce_sum3A_640[15] : i32 from vector<16xi32>
          %add3A_642 = arith.addi %scan3A_627, %reduce_sum3A_641 : i32
          %scan3A_643 = arith.constant 1 : i32
          %scan3A_644 = arith.addi %scan3A_626, %scan3A_643 : i32
          %mul3A_645 = arith.constant 16 : i32
          %mul3A_646 = arith.muli %scan3A_644, %mul3A_645 : i32
          %get3A_647 = arith.index_cast %mul3A_646 : i32 to index
          %get3A_648 = tpu.vector_load %arg5[%get3A_647] {strides = array<i32>} : memref<2048xi32, #tpu.memory_space<vmem>>, vector<16xi32>,
          %shift_right_logical3A_649 = arith.constant 27 : i32
          %shift_right_logical3A_650 = vector.broadcast %shift_right_logical3A_649 : i32 to vector<16xi32>
          %shift_right_logical3A_651 = arith.shrui %get3A_648, %shift_right_logical3A_650 : vector<16xi32>
          %eq3A_652 = vector.broadcast %select_n3A_606 : i32 to vector<16xi32>
          %eq3A_653 = arith.cmpi eq, %shift_right_logical3A_651, %eq3A_652 : vector<16xi32>
          %swap3A_654 = arith.index_cast %add3A_642 : i32 to index
          %swap3A_655 = tpu.vector_load %arg6[%swap3A_654] masked %eq3A_653 {strides = array<i32>} : memref<2064xi32, #tpu.memory_space<vmem>>, vector<16xi32>, vector<16xi1>
          tpu.vector_store %arg6[%swap3A_654], %get3A_648 masked %eq3A_653 {strides = array<i32>} : memref<2064xi32, #tpu.memory_space<vmem>>, vector<16xi32>, vector<16xi1>
          %convert_element_type3A_656 = arith.extui %eq3A_653 : vector<16xi1> to vector<16xi32>
          %reduce_sum3A_657 = arith.constant true
          %reduce_sum3A_658 = vector.broadcast %reduce_sum3A_657 : i1 to vector<16xi1>
          %reduce_sum3A_659 = tpu.scan <sum>, %convert_element_type3A_656 masked %reduce_sum3A_658 : vector<16xi32>, vector<16xi1> -> vector<16xi32>
          %reduce_sum3A_660 = vector.extract %reduce_sum3A_659[15] : i32 from vector<16xi32>
          %add3A_661 = arith.addi %add3A_642, %reduce_sum3A_660 : i32
          %scan3A_662 = arith.constant 2 : i32
          %scan3A_663 = arith.addi %scan3A_626, %scan3A_662 : i32
          %mul3A_664 = arith.constant 16 : i32
          %mul3A_665 = arith.muli %scan3A_663, %mul3A_664 : i32
          %get3A_666 = arith.index_cast %mul3A_665 : i32 to index
          %get3A_667 = tpu.vector_load %arg5[%get3A_666] {strides = array<i32>} : memref<2048xi32, #tpu.memory_space<vmem>>, vector<16xi32>,
          %shift_right_logical3A_668 = arith.constant 27 : i32
          %shift_right_logical3A_669 = vector.broadcast %shift_right_logical3A_668 : i32 to vector<16xi32>
          %shift_right_logical3A_670 = arith.shrui %get3A_667, %shift_right_logical3A_669 : vector<16xi32>
          %eq3A_671 = vector.broadcast %select_n3A_606 : i32 to vector<16xi32>
          %eq3A_672 = arith.cmpi eq, %shift_right_logical3A_670, %eq3A_671 : vector<16xi32>
          %swap3A_673 = arith.index_cast %add3A_661 : i32 to index
          %swap3A_674 = tpu.vector_load %arg6[%swap3A_673] masked %eq3A_672 {strides = array<i32>} : memref<2064xi32, #tpu.memory_space<vmem>>, vector<16xi32>, vector<16xi1>
          tpu.vector_store %arg6[%swap3A_673], %get3A_667 masked %eq3A_672 {strides = array<i32>} : memref<2064xi32, #tpu.memory_space<vmem>>, vector<16xi32>, vector<16xi1>
          %convert_element_type3A_675 = arith.extui %eq3A_672 : vector<16xi1> to vector<16xi32>
          %reduce_sum3A_676 = arith.constant true
          %reduce_sum3A_677 = vector.broadcast %reduce_sum3A_676 : i1 to vector<16xi1>
          %reduce_sum3A_678 = tpu.scan <sum>, %convert_element_type3A_675 masked %reduce_sum3A_677 : vector<16xi32>, vector<16xi1> -> vector<16xi32>
          %reduce_sum3A_679 = vector.extract %reduce_sum3A_678[15] : i32 from vector<16xi32>
          %add3A_680 = arith.addi %add3A_661, %reduce_sum3A_679 : i32
          %scan3A_681 = arith.constant 3 : i32
          %scan3A_682 = arith.addi %scan3A_626, %scan3A_681 : i32
          %mul3A_683 = arith.constant 16 : i32
          %mul3A_684 = arith.muli %scan3A_682, %mul3A_683 : i32
          %get3A_685 = arith.index_cast %mul3A_684 : i32 to index
          %get3A_686 = tpu.vector_load %arg5[%get3A_685] {strides = array<i32>} : memref<2048xi32, #tpu.memory_space<vmem>>, vector<16xi32>,
          %shift_right_logical3A_687 = arith.constant 27 : i32
          %shift_right_logical3A_688 = vector.broadcast %shift_right_logical3A_687 : i32 to vector<16xi32>
          %shift_right_logical3A_689 = arith.shrui %get3A_686, %shift_right_logical3A_688 : vector<16xi32>
          %eq3A_690 = vector.broadcast %select_n3A_606 : i32 to vector<16xi32>
          %eq3A_691 = arith.cmpi eq, %shift_right_logical3A_689, %eq3A_690 : vector<16xi32>
          %swap3A_692 = arith.index_cast %add3A_680 : i32 to index
          %swap3A_693 = tpu.vector_load %arg6[%swap3A_692] masked %eq3A_691 {strides = array<i32>} : memref<2064xi32, #tpu.memory_space<vmem>>, vector<16xi32>, vector<16xi1>
          tpu.vector_store %arg6[%swap3A_692], %get3A_686 masked %eq3A_691 {strides = array<i32>} : memref<2064xi32, #tpu.memory_space<vmem>>, vector<16xi32>, vector<16xi1>
          %convert_element_type3A_694 = arith.extui %eq3A_691 : vector<16xi1> to vector<16xi32>
          %reduce_sum3A_695 = arith.constant true
          %reduce_sum3A_696 = vector.broadcast %reduce_sum3A_695 : i1 to vector<16xi1>
          %reduce_sum3A_697 = tpu.scan <sum>, %convert_element_type3A_694 masked %reduce_sum3A_696 : vector<16xi32>, vector<16xi1> -> vector<16xi32>
          %reduce_sum3A_698 = vector.extract %reduce_sum3A_697[15] : i32 from vector<16xi32>
          %add3A_699 = arith.addi %add3A_680, %reduce_sum3A_698 : i32
          scf.yield %add3A_699 : i32
        }
        %scan3A_617 = arith.constant 128 : i32
        %while3A = arith.constant 1 : i32
        %while3A_618:5 = scf.while (%while3A_626 = %while3A, %while3A_627 = %shift_left3A_609, %while3A_628 = %sub3A_610, %while3A_629 = %select_n3A_608, %while3A_630 = %eq3A) : (i32, i32, i32, i32, i1) -> (i32, i32, i32, i32, i1) {
          %lt3A_631 = arith.constant 7 : i32
          %lt3A_632 = arith.cmpi slt, %while3A_626, %lt3A_631 : i32
          %not3A = arith.constant true
          %not3A_633 = arith.xori %while3A_630, %not3A : i1
          %and3A_634 = arith.andi %lt3A_632, %not3A_633 : i1
          scf.condition(%and3A_634) %while3A_626, %while3A_627, %while3A_628, %while3A_629, %while3A_630 : i32, i32, i32, i32, i1
        } do {
        ^bb0(%while3A_626: i32, %while3A_627: i32, %while3A_628: i32, %while3A_629: i32, %while3A_630: i1):
          %mul3A_631 = arith.constant 5 : i32
          %mul3A_632 = arith.muli %mul3A_631, %while3A_626 : i32
          %sub3A_633 = arith.constant 27 : i32
          %sub3A_634 = arith.subi %sub3A_633, %mul3A_632 : i32
          %max3A = arith.constant 0 : i32
          %max3A_635 = arith.maxsi %sub3A_634, %max3A : i32
          %ge3A_636 = arith.constant 0 : i32
          %ge3A_637 = arith.cmpi sge, %sub3A_634, %ge3A_636 : i32
          %jit3A_638 = arith.constant 31 : i32
          %jit3A_639 = arith.constant 3 : i32
          %select_n3A_640 = arith.select %ge3A_637, %jit3A_638, %jit3A_639 : i32
          %swap3A_641 = arith.constant 0 : index
          %swap3A_642 = tpu.vector_load %arg7[%swap3A_641] {strides = array<i32>} : memref<512xi32, #tpu.memory_space<vmem>>, vector<16xi32>,
          tpu.vector_store %arg7[%swap3A_641], %broadcast_in_dim3A_2 {strides = array<i32>} : memref<512xi32, #tpu.memory_space<vmem>>, vector<16xi32>,
          %swap3A_643 = arith.constant 16 : index
          %swap3A_644 = tpu.vector_load %arg7[%swap3A_643] {strides = array<i32>} : memref<512xi32, #tpu.memory_space<vmem>>, vector<16xi32>,
          tpu.vector_store %arg7[%swap3A_643], %broadcast_in_dim3A_2 {strides = array<i32>} : memref<512xi32, #tpu.memory_space<vmem>>, vector<16xi32>,
          %swap3A_645 = arith.constant 32 : index
          %swap3A_646 = tpu.vector_load %arg7[%swap3A_645] {strides = array<i32>} : memref<512xi32, #tpu.memory_space<vmem>>, vector<16xi32>,
          tpu.vector_store %arg7[%swap3A_645], %broadcast_in_dim3A_2 {strides = array<i32>} : memref<512xi32, #tpu.memory_space<vmem>>, vector<16xi32>,
          %swap3A_647 = arith.constant 48 : index
          %swap3A_648 = tpu.vector_load %arg7[%swap3A_647] {strides = array<i32>} : memref<512xi32, #tpu.memory_space<vmem>>, vector<16xi32>,
          tpu.vector_store %arg7[%swap3A_647], %broadcast_in_dim3A_2 {strides = array<i32>} : memref<512xi32, #tpu.memory_space<vmem>>, vector<16xi32>,
          %swap3A_649 = arith.constant 64 : index
          %swap3A_650 = tpu.vector_load %arg7[%swap3A_649] {strides = array<i32>} : memref<512xi32, #tpu.memory_space<vmem>>, vector<16xi32>,
          tpu.vector_store %arg7[%swap3A_649], %broadcast_in_dim3A_2 {strides = array<i32>} : memref<512xi32, #tpu.memory_space<vmem>>, vector<16xi32>,
          %swap3A_651 = arith.constant 80 : index
          %swap3A_652 = tpu.vector_load %arg7[%swap3A_651] {strides = array<i32>} : memref<512xi32, #tpu.memory_space<vmem>>, vector<16xi32>,
          tpu.vector_store %arg7[%swap3A_651], %broadcast_in_dim3A_2 {strides = array<i32>} : memref<512xi32, #tpu.memory_space<vmem>>, vector<16xi32>,
          %swap3A_653 = arith.constant 96 : index
          %swap3A_654 = tpu.vector_load %arg7[%swap3A_653] {strides = array<i32>} : memref<512xi32, #tpu.memory_space<vmem>>, vector<16xi32>,
          tpu.vector_store %arg7[%swap3A_653], %broadcast_in_dim3A_2 {strides = array<i32>} : memref<512xi32, #tpu.memory_space<vmem>>, vector<16xi32>,
          %swap3A_655 = arith.constant 112 : index
          %swap3A_656 = tpu.vector_load %arg7[%swap3A_655] {strides = array<i32>} : memref<512xi32, #tpu.memory_space<vmem>>, vector<16xi32>,
          tpu.vector_store %arg7[%swap3A_655], %broadcast_in_dim3A_2 {strides = array<i32>} : memref<512xi32, #tpu.memory_space<vmem>>, vector<16xi32>,
          %swap3A_657 = arith.constant 128 : index
          %swap3A_658 = tpu.vector_load %arg7[%swap3A_657] {strides = array<i32>} : memref<512xi32, #tpu.memory_space<vmem>>, vector<16xi32>,
          tpu.vector_store %arg7[%swap3A_657], %broadcast_in_dim3A_2 {strides = array<i32>} : memref<512xi32, #tpu.memory_space<vmem>>, vector<16xi32>,
          %swap3A_659 = arith.constant 144 : index
          %swap3A_660 = tpu.vector_load %arg7[%swap3A_659] {strides = array<i32>} : memref<512xi32, #tpu.memory_space<vmem>>, vector<16xi32>,
          tpu.vector_store %arg7[%swap3A_659], %broadcast_in_dim3A_2 {strides = array<i32>} : memref<512xi32, #tpu.memory_space<vmem>>, vector<16xi32>,
          %swap3A_661 = arith.constant 160 : index
          %swap3A_662 = tpu.vector_load %arg7[%swap3A_661] {strides = array<i32>} : memref<512xi32, #tpu.memory_space<vmem>>, vector<16xi32>,
          tpu.vector_store %arg7[%swap3A_661], %broadcast_in_dim3A_2 {strides = array<i32>} : memref<512xi32, #tpu.memory_space<vmem>>, vector<16xi32>,
          %swap3A_663 = arith.constant 176 : index
          %swap3A_664 = tpu.vector_load %arg7[%swap3A_663] {strides = array<i32>} : memref<512xi32, #tpu.memory_space<vmem>>, vector<16xi32>,
          tpu.vector_store %arg7[%swap3A_663], %broadcast_in_dim3A_2 {strides = array<i32>} : memref<512xi32, #tpu.memory_space<vmem>>, vector<16xi32>,
          %swap3A_665 = arith.constant 192 : index
          %swap3A_666 = tpu.vector_load %arg7[%swap3A_665] {strides = array<i32>} : memref<512xi32, #tpu.memory_space<vmem>>, vector<16xi32>,
          tpu.vector_store %arg7[%swap3A_665], %broadcast_in_dim3A_2 {strides = array<i32>} : memref<512xi32, #tpu.memory_space<vmem>>, vector<16xi32>,
          %swap3A_667 = arith.constant 208 : index
          %swap3A_668 = tpu.vector_load %arg7[%swap3A_667] {strides = array<i32>} : memref<512xi32, #tpu.memory_space<vmem>>, vector<16xi32>,
          tpu.vector_store %arg7[%swap3A_667], %broadcast_in_dim3A_2 {strides = array<i32>} : memref<512xi32, #tpu.memory_space<vmem>>, vector<16xi32>,
          %swap3A_669 = arith.constant 224 : index
          %swap3A_670 = tpu.vector_load %arg7[%swap3A_669] {strides = array<i32>} : memref<512xi32, #tpu.memory_space<vmem>>, vector<16xi32>,
          tpu.vector_store %arg7[%swap3A_669], %broadcast_in_dim3A_2 {strides = array<i32>} : memref<512xi32, #tpu.memory_space<vmem>>, vector<16xi32>,
          %swap3A_671 = arith.constant 240 : index
          %swap3A_672 = tpu.vector_load %arg7[%swap3A_671] {strides = array<i32>} : memref<512xi32, #tpu.memory_space<vmem>>, vector<16xi32>,
          tpu.vector_store %arg7[%swap3A_671], %broadcast_in_dim3A_2 {strides = array<i32>} : memref<512xi32, #tpu.memory_space<vmem>>, vector<16xi32>,
          %swap3A_673 = arith.constant 256 : index
          %swap3A_674 = tpu.vector_load %arg7[%swap3A_673] {strides = array<i32>} : memref<512xi32, #tpu.memory_space<vmem>>, vector<16xi32>,
          tpu.vector_store %arg7[%swap3A_673], %broadcast_in_dim3A_2 {strides = array<i32>} : memref<512xi32, #tpu.memory_space<vmem>>, vector<16xi32>,
          %swap3A_675 = arith.constant 272 : index
          %swap3A_676 = tpu.vector_load %arg7[%swap3A_675] {strides = array<i32>} : memref<512xi32, #tpu.memory_space<vmem>>, vector<16xi32>,
          tpu.vector_store %arg7[%swap3A_675], %broadcast_in_dim3A_2 {strides = array<i32>} : memref<512xi32, #tpu.memory_space<vmem>>, vector<16xi32>,
          %swap3A_677 = arith.constant 288 : index
          %swap3A_678 = tpu.vector_load %arg7[%swap3A_677] {strides = array<i32>} : memref<512xi32, #tpu.memory_space<vmem>>, vector<16xi32>,
          tpu.vector_store %arg7[%swap3A_677], %broadcast_in_dim3A_2 {strides = array<i32>} : memref<512xi32, #tpu.memory_space<vmem>>, vector<16xi32>,
          %swap3A_679 = arith.constant 304 : index
          %swap3A_680 = tpu.vector_load %arg7[%swap3A_679] {strides = array<i32>} : memref<512xi32, #tpu.memory_space<vmem>>, vector<16xi32>,
          tpu.vector_store %arg7[%swap3A_679], %broadcast_in_dim3A_2 {strides = array<i32>} : memref<512xi32, #tpu.memory_space<vmem>>, vector<16xi32>,
          %swap3A_681 = arith.constant 320 : index
          %swap3A_682 = tpu.vector_load %arg7[%swap3A_681] {strides = array<i32>} : memref<512xi32, #tpu.memory_space<vmem>>, vector<16xi32>,
          tpu.vector_store %arg7[%swap3A_681], %broadcast_in_dim3A_2 {strides = array<i32>} : memref<512xi32, #tpu.memory_space<vmem>>, vector<16xi32>,
          %swap3A_683 = arith.constant 336 : index
          %swap3A_684 = tpu.vector_load %arg7[%swap3A_683] {strides = array<i32>} : memref<512xi32, #tpu.memory_space<vmem>>, vector<16xi32>,
          tpu.vector_store %arg7[%swap3A_683], %broadcast_in_dim3A_2 {strides = array<i32>} : memref<512xi32, #tpu.memory_space<vmem>>, vector<16xi32>,
          %swap3A_685 = arith.constant 352 : index
          %swap3A_686 = tpu.vector_load %arg7[%swap3A_685] {strides = array<i32>} : memref<512xi32, #tpu.memory_space<vmem>>, vector<16xi32>,
          tpu.vector_store %arg7[%swap3A_685], %broadcast_in_dim3A_2 {strides = array<i32>} : memref<512xi32, #tpu.memory_space<vmem>>, vector<16xi32>,
          %swap3A_687 = arith.constant 368 : index
          %swap3A_688 = tpu.vector_load %arg7[%swap3A_687] {strides = array<i32>} : memref<512xi32, #tpu.memory_space<vmem>>, vector<16xi32>,
          tpu.vector_store %arg7[%swap3A_687], %broadcast_in_dim3A_2 {strides = array<i32>} : memref<512xi32, #tpu.memory_space<vmem>>, vector<16xi32>,
          %swap3A_689 = arith.constant 384 : index
          %swap3A_690 = tpu.vector_load %arg7[%swap3A_689] {strides = array<i32>} : memref<512xi32, #tpu.memory_space<vmem>>, vector<16xi32>,
          tpu.vector_store %arg7[%swap3A_689], %broadcast_in_dim3A_2 {strides = array<i32>} : memref<512xi32, #tpu.memory_space<vmem>>, vector<16xi32>,
          %swap3A_691 = arith.constant 400 : index
          %swap3A_692 = tpu.vector_load %arg7[%swap3A_691] {strides = array<i32>} : memref<512xi32, #tpu.memory_space<vmem>>, vector<16xi32>,
          tpu.vector_store %arg7[%swap3A_691], %broadcast_in_dim3A_2 {strides = array<i32>} : memref<512xi32, #tpu.memory_space<vmem>>, vector<16xi32>,
          %swap3A_693 = arith.constant 416 : index
          %swap3A_694 = tpu.vector_load %arg7[%swap3A_693] {strides = array<i32>} : memref<512xi32, #tpu.memory_space<vmem>>, vector<16xi32>,
          tpu.vector_store %arg7[%swap3A_693], %broadcast_in_dim3A_2 {strides = array<i32>} : memref<512xi32, #tpu.memory_space<vmem>>, vector<16xi32>,
          %swap3A_695 = arith.constant 432 : index
          %swap3A_696 = tpu.vector_load %arg7[%swap3A_695] {strides = array<i32>} : memref<512xi32, #tpu.memory_space<vmem>>, vector<16xi32>,
          tpu.vector_store %arg7[%swap3A_695], %broadcast_in_dim3A_2 {strides = array<i32>} : memref<512xi32, #tpu.memory_space<vmem>>, vector<16xi32>,
          %swap3A_697 = arith.constant 448 : index
          %swap3A_698 = tpu.vector_load %arg7[%swap3A_697] {strides = array<i32>} : memref<512xi32, #tpu.memory_space<vmem>>, vector<16xi32>,
          tpu.vector_store %arg7[%swap3A_697], %broadcast_in_dim3A_2 {strides = array<i32>} : memref<512xi32, #tpu.memory_space<vmem>>, vector<16xi32>,
          %swap3A_699 = arith.constant 464 : index
          %swap3A_700 = tpu.vector_load %arg7[%swap3A_699] {strides = array<i32>} : memref<512xi32, #tpu.memory_space<vmem>>, vector<16xi32>,
          tpu.vector_store %arg7[%swap3A_699], %broadcast_in_dim3A_2 {strides = array<i32>} : memref<512xi32, #tpu.memory_space<vmem>>, vector<16xi32>,
          %swap3A_701 = arith.constant 480 : index
          %swap3A_702 = tpu.vector_load %arg7[%swap3A_701] {strides = array<i32>} : memref<512xi32, #tpu.memory_space<vmem>>, vector<16xi32>,
          tpu.vector_store %arg7[%swap3A_701], %broadcast_in_dim3A_2 {strides = array<i32>} : memref<512xi32, #tpu.memory_space<vmem>>, vector<16xi32>,
          %swap3A_703 = arith.constant 496 : index
          %swap3A_704 = tpu.vector_load %arg7[%swap3A_703] {strides = array<i32>} : memref<512xi32, #tpu.memory_space<vmem>>, vector<16xi32>,
          tpu.vector_store %arg7[%swap3A_703], %broadcast_in_dim3A_2 {strides = array<i32>} : memref<512xi32, #tpu.memory_space<vmem>>, vector<16xi32>,
          %add3A_705 = arith.constant 16 : i32
          %add3A_706 = arith.addi %while3A_629, %add3A_705 : i32
          %sub3A_707 = arith.constant 1 : i32
          %sub3A_708 = arith.subi %add3A_706, %sub3A_707 : i32
          %shift_right_arithmetic3A = arith.constant 4 : i32
          %shift_right_arithmetic3A_709 = arith.shrsi %sub3A_708, %shift_right_arithmetic3A : i32
          %while3A_710 = arith.constant 0 : i32
          %while3A_711 = arith.constant 0 : i32
          %while3A_712 = arith.subi %shift_right_arithmetic3A_709, %while3A_711 : i32
          %while3A_713 = arith.addi %while3A_711, %while3A_712 : i32
          %while3A_714 = arith.constant 1 : i32
          %while3A_715 = arith.divsi %while3A_712, %while3A_714 : i32
          %while3A_716 = arith.muli %while3A_715, %while3A_714 : i32
          %while3A_717 = arith.addi %while3A_711, %while3A_716 : i32
          %while3A_718 = arith.constant 1 : i32
          scf.for %while3A_1191 = %while3A_711 to %while3A_717 step %while3A_718  : i32 {
            %mul3A_1192 = arith.constant 16 : i32
            %mul3A_1193 = arith.muli %while3A_1191, %mul3A_1192 : i32
            %get3A_1194 = arith.index_cast %mul3A_1193 : i32 to index
            %get3A_1195 = tpu.vector_load %arg6[%get3A_1194] {strides = array<i32>} : memref<2064xi32, #tpu.memory_space<vmem>>, vector<16xi32>,
            %mul3A_1196 = arith.constant 16 : i32
            %mul3A_1197 = arith.muli %while3A_1191, %mul3A_1196 : i32
            %add3A_1198 = vector.broadcast %mul3A_1197 : i32 to vector<16xi32>
            %add3A_1199 = arith.addi %add3A_1198, %iota3A : vector<16xi32>
            %lt3A_1200 = vector.broadcast %while3A_629 : i32 to vector<16xi32>
            %lt3A_1201 = arith.cmpi slt, %add3A_1199, %lt3A_1200 : vector<16xi32>
            %shift_right_logical3A = vector.broadcast %max3A_635 : i32 to vector<16xi32>
            %shift_right_logical3A_1202 = arith.shrui %get3A_1195, %shift_right_logical3A : vector<16xi32>
            %and3A_1203 = vector.broadcast %select_n3A_640 : i32 to vector<16xi32>
            %and3A_1204 = arith.andi %shift_right_logical3A_1202, %and3A_1203 : vector<16xi32>
            %shift_left3A_1205 = arith.constant 4 : i32
            %shift_left3A_1206 = vector.broadcast %shift_left3A_1205 : i32 to vector<16xi32>
            %shift_left3A_1207 = arith.shli %and3A_1204, %shift_left3A_1206 : vector<16xi32>
            %bitcast_convert_type3A = tpu.bitcast %shift_left3A_1207 : vector<16xi32> -> vector<16xi32>
            %add3A_1208 = arith.addi %bitcast_convert_type3A, %iota3A : vector<16xi32>
            tpu.vector_store_idx %arg7[%add3A_1208], %broadcast_in_dim3A_0 masked %lt3A_1201 {add = true} : memref<512xi32, #tpu.memory_space<vmem>>[vector<16xi32>], vector<16xi32>, vector<16xi1>
          }
          %while3A_719 = arith.constant 1 : i32
          scf.for %while3A_1191 = %while3A_717 to %while3A_713 step %while3A_719  : i32 {
            %mul3A_1192 = arith.constant 16 : i32
            %mul3A_1193 = arith.muli %while3A_1191, %mul3A_1192 : i32
            %get3A_1194 = arith.index_cast %mul3A_1193 : i32 to index
            %get3A_1195 = tpu.vector_load %arg6[%get3A_1194] {strides = array<i32>} : memref<2064xi32, #tpu.memory_space<vmem>>, vector<16xi32>,
            %mul3A_1196 = arith.constant 16 : i32
            %mul3A_1197 = arith.muli %while3A_1191, %mul3A_1196 : i32
            %add3A_1198 = vector.broadcast %mul3A_1197 : i32 to vector<16xi32>
            %add3A_1199 = arith.addi %add3A_1198, %iota3A : vector<16xi32>
            %lt3A_1200 = vector.broadcast %while3A_629 : i32 to vector<16xi32>
            %lt3A_1201 = arith.cmpi slt, %add3A_1199, %lt3A_1200 : vector<16xi32>
            %shift_right_logical3A = vector.broadcast %max3A_635 : i32 to vector<16xi32>
            %shift_right_logical3A_1202 = arith.shrui %get3A_1195, %shift_right_logical3A : vector<16xi32>
            %and3A_1203 = vector.broadcast %select_n3A_640 : i32 to vector<16xi32>
            %and3A_1204 = arith.andi %shift_right_logical3A_1202, %and3A_1203 : vector<16xi32>
            %shift_left3A_1205 = arith.constant 4 : i32
            %shift_left3A_1206 = vector.broadcast %shift_left3A_1205 : i32 to vector<16xi32>
            %shift_left3A_1207 = arith.shli %and3A_1204, %shift_left3A_1206 : vector<16xi32>
            %bitcast_convert_type3A = tpu.bitcast %shift_left3A_1207 : vector<16xi32> -> vector<16xi32>
            %add3A_1208 = arith.addi %bitcast_convert_type3A, %iota3A : vector<16xi32>
            tpu.vector_store_idx %arg7[%add3A_1208], %broadcast_in_dim3A_0 masked %lt3A_1201 {add = true} : memref<512xi32, #tpu.memory_space<vmem>>[vector<16xi32>], vector<16xi32>, vector<16xi1>
          }
          %get3A_720 = arith.constant 496 : index
          %get3A_721 = tpu.vector_load %arg7[%get3A_720] {strides = array<i32>} : memref<512xi32, #tpu.memory_space<vmem>>, vector<16xi32>,
          %reduce_sum3A_722 = arith.constant true
          %reduce_sum3A_723 = vector.broadcast %reduce_sum3A_722 : i1 to vector<16xi1>
          %reduce_sum3A_724 = tpu.scan <sum>, %get3A_721 masked %reduce_sum3A_723 : vector<16xi32>, vector<16xi1> -> vector<16xi32>
          %reduce_sum3A_725 = vector.extract %reduce_sum3A_724[15] : i32 from vector<16xi32>
          %add3A_726 = arith.constant 0 : i32
          %add3A_727 = arith.addi %add3A_726, %reduce_sum3A_725 : i32
          %lt3A_728 = arith.constant 0 : i32
          %lt3A_729 = arith.cmpi slt, %lt3A_728, %while3A_628 : i32
          %ge3A_730 = arith.cmpi sge, %add3A_727, %while3A_628 : i32
          %and3A_731 = arith.andi %lt3A_729, %ge3A_730 : i1
          %jit3A_732 = arith.constant 31 : i32
          %jit3A_733 = arith.constant 0 : i32
          %select_n3A_734 = arith.select %and3A_731, %jit3A_732, %jit3A_733 : i32
          %jit3A_735 = arith.constant 0 : i32
          %jit3A_736 = arith.constant 0 : i32
          %select_n3A_737 = arith.select %and3A_731, %jit3A_735, %jit3A_736 : i32
          %jit3A_738 = arith.constant 0 : i32
          %select_n3A_739 = arith.select %and3A_731, %reduce_sum3A_725, %jit3A_738 : i32
          %get3A_740 = arith.constant 480 : index
          %get3A_741 = tpu.vector_load %arg7[%get3A_740] {strides = array<i32>} : memref<512xi32, #tpu.memory_space<vmem>>, vector<16xi32>,
          %reduce_sum3A_742 = arith.constant true
          %reduce_sum3A_743 = vector.broadcast %reduce_sum3A_742 : i1 to vector<16xi1>
          %reduce_sum3A_744 = tpu.scan <sum>, %get3A_741 masked %reduce_sum3A_743 : vector<16xi32>, vector<16xi1> -> vector<16xi32>
          %reduce_sum3A_745 = vector.extract %reduce_sum3A_744[15] : i32 from vector<16xi32>
          %add3A_746 = arith.addi %add3A_727, %reduce_sum3A_745 : i32
          %lt3A_747 = arith.cmpi slt, %add3A_727, %while3A_628 : i32
          %ge3A_748 = arith.cmpi sge, %add3A_746, %while3A_628 : i32
          %and3A_749 = arith.andi %lt3A_747, %ge3A_748 : i1
          %jit3A_750 = arith.constant 30 : i32
          %select_n3A_751 = arith.select %and3A_749, %jit3A_750, %select_n3A_734 : i32
          %select_n3A_752 = arith.select %and3A_749, %add3A_727, %select_n3A_737 : i32
          %select_n3A_753 = arith.select %and3A_749, %reduce_sum3A_745, %select_n3A_739 : i32
          %get3A_754 = arith.constant 464 : index
          %get3A_755 = tpu.vector_load %arg7[%get3A_754] {strides = array<i32>} : memref<512xi32, #tpu.memory_space<vmem>>, vector<16xi32>,
          %reduce_sum3A_756 = arith.constant true
          %reduce_sum3A_757 = vector.broadcast %reduce_sum3A_756 : i1 to vector<16xi1>
          %reduce_sum3A_758 = tpu.scan <sum>, %get3A_755 masked %reduce_sum3A_757 : vector<16xi32>, vector<16xi1> -> vector<16xi32>
          %reduce_sum3A_759 = vector.extract %reduce_sum3A_758[15] : i32 from vector<16xi32>
          %add3A_760 = arith.addi %add3A_746, %reduce_sum3A_759 : i32
          %lt3A_761 = arith.cmpi slt, %add3A_746, %while3A_628 : i32
          %ge3A_762 = arith.cmpi sge, %add3A_760, %while3A_628 : i32
          %and3A_763 = arith.andi %lt3A_761, %ge3A_762 : i1
          %jit3A_764 = arith.constant 29 : i32
          %select_n3A_765 = arith.select %and3A_763, %jit3A_764, %select_n3A_751 : i32
          %select_n3A_766 = arith.select %and3A_763, %add3A_746, %select_n3A_752 : i32
          %select_n3A_767 = arith.select %and3A_763, %reduce_sum3A_759, %select_n3A_753 : i32
          %get3A_768 = arith.constant 448 : index
          %get3A_769 = tpu.vector_load %arg7[%get3A_768] {strides = array<i32>} : memref<512xi32, #tpu.memory_space<vmem>>, vector<16xi32>,
          %reduce_sum3A_770 = arith.constant true
          %reduce_sum3A_771 = vector.broadcast %reduce_sum3A_770 : i1 to vector<16xi1>
          %reduce_sum3A_772 = tpu.scan <sum>, %get3A_769 masked %reduce_sum3A_771 : vector<16xi32>, vector<16xi1> -> vector<16xi32>
          %reduce_sum3A_773 = vector.extract %reduce_sum3A_772[15] : i32 from vector<16xi32>
          %add3A_774 = arith.addi %add3A_760, %reduce_sum3A_773 : i32
          %lt3A_775 = arith.cmpi slt, %add3A_760, %while3A_628 : i32
          %ge3A_776 = arith.cmpi sge, %add3A_774, %while3A_628 : i32
          %and3A_777 = arith.andi %lt3A_775, %ge3A_776 : i1
          %jit3A_778 = arith.constant 28 : i32
          %select_n3A_779 = arith.select %and3A_777, %jit3A_778, %select_n3A_765 : i32
          %select_n3A_780 = arith.select %and3A_777, %add3A_760, %select_n3A_766 : i32
          %select_n3A_781 = arith.select %and3A_777, %reduce_sum3A_773, %select_n3A_767 : i32
          %get3A_782 = arith.constant 432 : index
          %get3A_783 = tpu.vector_load %arg7[%get3A_782] {strides = array<i32>} : memref<512xi32, #tpu.memory_space<vmem>>, vector<16xi32>,
          %reduce_sum3A_784 = arith.constant true
          %reduce_sum3A_785 = vector.broadcast %reduce_sum3A_784 : i1 to vector<16xi1>
          %reduce_sum3A_786 = tpu.scan <sum>, %get3A_783 masked %reduce_sum3A_785 : vector<16xi32>, vector<16xi1> -> vector<16xi32>
          %reduce_sum3A_787 = vector.extract %reduce_sum3A_786[15] : i32 from vector<16xi32>
          %add3A_788 = arith.addi %add3A_774, %reduce_sum3A_787 : i32
          %lt3A_789 = arith.cmpi slt, %add3A_774, %while3A_628 : i32
          %ge3A_790 = arith.cmpi sge, %add3A_788, %while3A_628 : i32
          %and3A_791 = arith.andi %lt3A_789, %ge3A_790 : i1
          %jit3A_792 = arith.constant 27 : i32
          %select_n3A_793 = arith.select %and3A_791, %jit3A_792, %select_n3A_779 : i32
          %select_n3A_794 = arith.select %and3A_791, %add3A_774, %select_n3A_780 : i32
          %select_n3A_795 = arith.select %and3A_791, %reduce_sum3A_787, %select_n3A_781 : i32
          %get3A_796 = arith.constant 416 : index
          %get3A_797 = tpu.vector_load %arg7[%get3A_796] {strides = array<i32>} : memref<512xi32, #tpu.memory_space<vmem>>, vector<16xi32>,
          %reduce_sum3A_798 = arith.constant true
          %reduce_sum3A_799 = vector.broadcast %reduce_sum3A_798 : i1 to vector<16xi1>
          %reduce_sum3A_800 = tpu.scan <sum>, %get3A_797 masked %reduce_sum3A_799 : vector<16xi32>, vector<16xi1> -> vector<16xi32>
          %reduce_sum3A_801 = vector.extract %reduce_sum3A_800[15] : i32 from vector<16xi32>
          %add3A_802 = arith.addi %add3A_788, %reduce_sum3A_801 : i32
          %lt3A_803 = arith.cmpi slt, %add3A_788, %while3A_628 : i32
          %ge3A_804 = arith.cmpi sge, %add3A_802, %while3A_628 : i32
          %and3A_805 = arith.andi %lt3A_803, %ge3A_804 : i1
          %jit3A_806 = arith.constant 26 : i32
          %select_n3A_807 = arith.select %and3A_805, %jit3A_806, %select_n3A_793 : i32
          %select_n3A_808 = arith.select %and3A_805, %add3A_788, %select_n3A_794 : i32
          %select_n3A_809 = arith.select %and3A_805, %reduce_sum3A_801, %select_n3A_795 : i32
          %get3A_810 = arith.constant 400 : index
          %get3A_811 = tpu.vector_load %arg7[%get3A_810] {strides = array<i32>} : memref<512xi32, #tpu.memory_space<vmem>>, vector<16xi32>,
          %reduce_sum3A_812 = arith.constant true
          %reduce_sum3A_813 = vector.broadcast %reduce_sum3A_812 : i1 to vector<16xi1>
          %reduce_sum3A_814 = tpu.scan <sum>, %get3A_811 masked %reduce_sum3A_813 : vector<16xi32>, vector<16xi1> -> vector<16xi32>
          %reduce_sum3A_815 = vector.extract %reduce_sum3A_814[15] : i32 from vector<16xi32>
          %add3A_816 = arith.addi %add3A_802, %reduce_sum3A_815 : i32
          %lt3A_817 = arith.cmpi slt, %add3A_802, %while3A_628 : i32
          %ge3A_818 = arith.cmpi sge, %add3A_816, %while3A_628 : i32
          %and3A_819 = arith.andi %lt3A_817, %ge3A_818 : i1
          %jit3A_820 = arith.constant 25 : i32
          %select_n3A_821 = arith.select %and3A_819, %jit3A_820, %select_n3A_807 : i32
          %select_n3A_822 = arith.select %and3A_819, %add3A_802, %select_n3A_808 : i32
          %select_n3A_823 = arith.select %and3A_819, %reduce_sum3A_815, %select_n3A_809 : i32
          %get3A_824 = arith.constant 384 : index
          %get3A_825 = tpu.vector_load %arg7[%get3A_824] {strides = array<i32>} : memref<512xi32, #tpu.memory_space<vmem>>, vector<16xi32>,
          %reduce_sum3A_826 = arith.constant true
          %reduce_sum3A_827 = vector.broadcast %reduce_sum3A_826 : i1 to vector<16xi1>
          %reduce_sum3A_828 = tpu.scan <sum>, %get3A_825 masked %reduce_sum3A_827 : vector<16xi32>, vector<16xi1> -> vector<16xi32>
          %reduce_sum3A_829 = vector.extract %reduce_sum3A_828[15] : i32 from vector<16xi32>
          %add3A_830 = arith.addi %add3A_816, %reduce_sum3A_829 : i32
          %lt3A_831 = arith.cmpi slt, %add3A_816, %while3A_628 : i32
          %ge3A_832 = arith.cmpi sge, %add3A_830, %while3A_628 : i32
          %and3A_833 = arith.andi %lt3A_831, %ge3A_832 : i1
          %jit3A_834 = arith.constant 24 : i32
          %select_n3A_835 = arith.select %and3A_833, %jit3A_834, %select_n3A_821 : i32
          %select_n3A_836 = arith.select %and3A_833, %add3A_816, %select_n3A_822 : i32
          %select_n3A_837 = arith.select %and3A_833, %reduce_sum3A_829, %select_n3A_823 : i32
          %get3A_838 = arith.constant 368 : index
          %get3A_839 = tpu.vector_load %arg7[%get3A_838] {strides = array<i32>} : memref<512xi32, #tpu.memory_space<vmem>>, vector<16xi32>,
          %reduce_sum3A_840 = arith.constant true
          %reduce_sum3A_841 = vector.broadcast %reduce_sum3A_840 : i1 to vector<16xi1>
          %reduce_sum3A_842 = tpu.scan <sum>, %get3A_839 masked %reduce_sum3A_841 : vector<16xi32>, vector<16xi1> -> vector<16xi32>
          %reduce_sum3A_843 = vector.extract %reduce_sum3A_842[15] : i32 from vector<16xi32>
          %add3A_844 = arith.addi %add3A_830, %reduce_sum3A_843 : i32
          %lt3A_845 = arith.cmpi slt, %add3A_830, %while3A_628 : i32
          %ge3A_846 = arith.cmpi sge, %add3A_844, %while3A_628 : i32
          %and3A_847 = arith.andi %lt3A_845, %ge3A_846 : i1
          %jit3A_848 = arith.constant 23 : i32
          %select_n3A_849 = arith.select %and3A_847, %jit3A_848, %select_n3A_835 : i32
          %select_n3A_850 = arith.select %and3A_847, %add3A_830, %select_n3A_836 : i32
          %select_n3A_851 = arith.select %and3A_847, %reduce_sum3A_843, %select_n3A_837 : i32
          %get3A_852 = arith.constant 352 : index
          %get3A_853 = tpu.vector_load %arg7[%get3A_852] {strides = array<i32>} : memref<512xi32, #tpu.memory_space<vmem>>, vector<16xi32>,
          %reduce_sum3A_854 = arith.constant true
          %reduce_sum3A_855 = vector.broadcast %reduce_sum3A_854 : i1 to vector<16xi1>
          %reduce_sum3A_856 = tpu.scan <sum>, %get3A_853 masked %reduce_sum3A_855 : vector<16xi32>, vector<16xi1> -> vector<16xi32>
          %reduce_sum3A_857 = vector.extract %reduce_sum3A_856[15] : i32 from vector<16xi32>
          %add3A_858 = arith.addi %add3A_844, %reduce_sum3A_857 : i32
          %lt3A_859 = arith.cmpi slt, %add3A_844, %while3A_628 : i32
          %ge3A_860 = arith.cmpi sge, %add3A_858, %while3A_628 : i32
          %and3A_861 = arith.andi %lt3A_859, %ge3A_860 : i1
          %jit3A_862 = arith.constant 22 : i32
          %select_n3A_863 = arith.select %and3A_861, %jit3A_862, %select_n3A_849 : i32
          %select_n3A_864 = arith.select %and3A_861, %add3A_844, %select_n3A_850 : i32
          %select_n3A_865 = arith.select %and3A_861, %reduce_sum3A_857, %select_n3A_851 : i32
          %get3A_866 = arith.constant 336 : index
          %get3A_867 = tpu.vector_load %arg7[%get3A_866] {strides = array<i32>} : memref<512xi32, #tpu.memory_space<vmem>>, vector<16xi32>,
          %reduce_sum3A_868 = arith.constant true
          %reduce_sum3A_869 = vector.broadcast %reduce_sum3A_868 : i1 to vector<16xi1>
          %reduce_sum3A_870 = tpu.scan <sum>, %get3A_867 masked %reduce_sum3A_869 : vector<16xi32>, vector<16xi1> -> vector<16xi32>
          %reduce_sum3A_871 = vector.extract %reduce_sum3A_870[15] : i32 from vector<16xi32>
          %add3A_872 = arith.addi %add3A_858, %reduce_sum3A_871 : i32
          %lt3A_873 = arith.cmpi slt, %add3A_858, %while3A_628 : i32
          %ge3A_874 = arith.cmpi sge, %add3A_872, %while3A_628 : i32
          %and3A_875 = arith.andi %lt3A_873, %ge3A_874 : i1
          %jit3A_876 = arith.constant 21 : i32
          %select_n3A_877 = arith.select %and3A_875, %jit3A_876, %select_n3A_863 : i32
          %select_n3A_878 = arith.select %and3A_875, %add3A_858, %select_n3A_864 : i32
          %select_n3A_879 = arith.select %and3A_875, %reduce_sum3A_871, %select_n3A_865 : i32
          %get3A_880 = arith.constant 320 : index
          %get3A_881 = tpu.vector_load %arg7[%get3A_880] {strides = array<i32>} : memref<512xi32, #tpu.memory_space<vmem>>, vector<16xi32>,
          %reduce_sum3A_882 = arith.constant true
          %reduce_sum3A_883 = vector.broadcast %reduce_sum3A_882 : i1 to vector<16xi1>
          %reduce_sum3A_884 = tpu.scan <sum>, %get3A_881 masked %reduce_sum3A_883 : vector<16xi32>, vector<16xi1> -> vector<16xi32>
          %reduce_sum3A_885 = vector.extract %reduce_sum3A_884[15] : i32 from vector<16xi32>
          %add3A_886 = arith.addi %add3A_872, %reduce_sum3A_885 : i32
          %lt3A_887 = arith.cmpi slt, %add3A_872, %while3A_628 : i32
          %ge3A_888 = arith.cmpi sge, %add3A_886, %while3A_628 : i32
          %and3A_889 = arith.andi %lt3A_887, %ge3A_888 : i1
          %jit3A_890 = arith.constant 20 : i32
          %select_n3A_891 = arith.select %and3A_889, %jit3A_890, %select_n3A_877 : i32
          %select_n3A_892 = arith.select %and3A_889, %add3A_872, %select_n3A_878 : i32
          %select_n3A_893 = arith.select %and3A_889, %reduce_sum3A_885, %select_n3A_879 : i32
          %get3A_894 = arith.constant 304 : index
          %get3A_895 = tpu.vector_load %arg7[%get3A_894] {strides = array<i32>} : memref<512xi32, #tpu.memory_space<vmem>>, vector<16xi32>,
          %reduce_sum3A_896 = arith.constant true
          %reduce_sum3A_897 = vector.broadcast %reduce_sum3A_896 : i1 to vector<16xi1>
          %reduce_sum3A_898 = tpu.scan <sum>, %get3A_895 masked %reduce_sum3A_897 : vector<16xi32>, vector<16xi1> -> vector<16xi32>
          %reduce_sum3A_899 = vector.extract %reduce_sum3A_898[15] : i32 from vector<16xi32>
          %add3A_900 = arith.addi %add3A_886, %reduce_sum3A_899 : i32
          %lt3A_901 = arith.cmpi slt, %add3A_886, %while3A_628 : i32
          %ge3A_902 = arith.cmpi sge, %add3A_900, %while3A_628 : i32
          %and3A_903 = arith.andi %lt3A_901, %ge3A_902 : i1
          %jit3A_904 = arith.constant 19 : i32
          %select_n3A_905 = arith.select %and3A_903, %jit3A_904, %select_n3A_891 : i32
          %select_n3A_906 = arith.select %and3A_903, %add3A_886, %select_n3A_892 : i32
          %select_n3A_907 = arith.select %and3A_903, %reduce_sum3A_899, %select_n3A_893 : i32
          %get3A_908 = arith.constant 288 : index
          %get3A_909 = tpu.vector_load %arg7[%get3A_908] {strides = array<i32>} : memref<512xi32, #tpu.memory_space<vmem>>, vector<16xi32>,
          %reduce_sum3A_910 = arith.constant true
          %reduce_sum3A_911 = vector.broadcast %reduce_sum3A_910 : i1 to vector<16xi1>
          %reduce_sum3A_912 = tpu.scan <sum>, %get3A_909 masked %reduce_sum3A_911 : vector<16xi32>, vector<16xi1> -> vector<16xi32>
          %reduce_sum3A_913 = vector.extract %reduce_sum3A_912[15] : i32 from vector<16xi32>
          %add3A_914 = arith.addi %add3A_900, %reduce_sum3A_913 : i32
          %lt3A_915 = arith.cmpi slt, %add3A_900, %while3A_628 : i32
          %ge3A_916 = arith.cmpi sge, %add3A_914, %while3A_628 : i32
          %and3A_917 = arith.andi %lt3A_915, %ge3A_916 : i1
          %jit3A_918 = arith.constant 18 : i32
          %select_n3A_919 = arith.select %and3A_917, %jit3A_918, %select_n3A_905 : i32
          %select_n3A_920 = arith.select %and3A_917, %add3A_900, %select_n3A_906 : i32
          %select_n3A_921 = arith.select %and3A_917, %reduce_sum3A_913, %select_n3A_907 : i32
          %get3A_922 = arith.constant 272 : index
          %get3A_923 = tpu.vector_load %arg7[%get3A_922] {strides = array<i32>} : memref<512xi32, #tpu.memory_space<vmem>>, vector<16xi32>,
          %reduce_sum3A_924 = arith.constant true
          %reduce_sum3A_925 = vector.broadcast %reduce_sum3A_924 : i1 to vector<16xi1>
          %reduce_sum3A_926 = tpu.scan <sum>, %get3A_923 masked %reduce_sum3A_925 : vector<16xi32>, vector<16xi1> -> vector<16xi32>
          %reduce_sum3A_927 = vector.extract %reduce_sum3A_926[15] : i32 from vector<16xi32>
          %add3A_928 = arith.addi %add3A_914, %reduce_sum3A_927 : i32
          %lt3A_929 = arith.cmpi slt, %add3A_914, %while3A_628 : i32
          %ge3A_930 = arith.cmpi sge, %add3A_928, %while3A_628 : i32
          %and3A_931 = arith.andi %lt3A_929, %ge3A_930 : i1
          %jit3A_932 = arith.constant 17 : i32
          %select_n3A_933 = arith.select %and3A_931, %jit3A_932, %select_n3A_919 : i32
          %select_n3A_934 = arith.select %and3A_931, %add3A_914, %select_n3A_920 : i32
          %select_n3A_935 = arith.select %and3A_931, %reduce_sum3A_927, %select_n3A_921 : i32
          %get3A_936 = arith.constant 256 : index
          %get3A_937 = tpu.vector_load %arg7[%get3A_936] {strides = array<i32>} : memref<512xi32, #tpu.memory_space<vmem>>, vector<16xi32>,
          %reduce_sum3A_938 = arith.constant true
          %reduce_sum3A_939 = vector.broadcast %reduce_sum3A_938 : i1 to vector<16xi1>
          %reduce_sum3A_940 = tpu.scan <sum>, %get3A_937 masked %reduce_sum3A_939 : vector<16xi32>, vector<16xi1> -> vector<16xi32>
          %reduce_sum3A_941 = vector.extract %reduce_sum3A_940[15] : i32 from vector<16xi32>
          %add3A_942 = arith.addi %add3A_928, %reduce_sum3A_941 : i32
          %lt3A_943 = arith.cmpi slt, %add3A_928, %while3A_628 : i32
          %ge3A_944 = arith.cmpi sge, %add3A_942, %while3A_628 : i32
          %and3A_945 = arith.andi %lt3A_943, %ge3A_944 : i1
          %jit3A_946 = arith.constant 16 : i32
          %select_n3A_947 = arith.select %and3A_945, %jit3A_946, %select_n3A_933 : i32
          %select_n3A_948 = arith.select %and3A_945, %add3A_928, %select_n3A_934 : i32
          %select_n3A_949 = arith.select %and3A_945, %reduce_sum3A_941, %select_n3A_935 : i32
          %get3A_950 = arith.constant 240 : index
          %get3A_951 = tpu.vector_load %arg7[%get3A_950] {strides = array<i32>} : memref<512xi32, #tpu.memory_space<vmem>>, vector<16xi32>,
          %reduce_sum3A_952 = arith.constant true
          %reduce_sum3A_953 = vector.broadcast %reduce_sum3A_952 : i1 to vector<16xi1>
          %reduce_sum3A_954 = tpu.scan <sum>, %get3A_951 masked %reduce_sum3A_953 : vector<16xi32>, vector<16xi1> -> vector<16xi32>
          %reduce_sum3A_955 = vector.extract %reduce_sum3A_954[15] : i32 from vector<16xi32>
          %add3A_956 = arith.addi %add3A_942, %reduce_sum3A_955 : i32
          %lt3A_957 = arith.cmpi slt, %add3A_942, %while3A_628 : i32
          %ge3A_958 = arith.cmpi sge, %add3A_956, %while3A_628 : i32
          %and3A_959 = arith.andi %lt3A_957, %ge3A_958 : i1
          %jit3A_960 = arith.constant 15 : i32
          %select_n3A_961 = arith.select %and3A_959, %jit3A_960, %select_n3A_947 : i32
          %select_n3A_962 = arith.select %and3A_959, %add3A_942, %select_n3A_948 : i32
          %select_n3A_963 = arith.select %and3A_959, %reduce_sum3A_955, %select_n3A_949 : i32
          %get3A_964 = arith.constant 224 : index
          %get3A_965 = tpu.vector_load %arg7[%get3A_964] {strides = array<i32>} : memref<512xi32, #tpu.memory_space<vmem>>, vector<16xi32>,
          %reduce_sum3A_966 = arith.constant true
          %reduce_sum3A_967 = vector.broadcast %reduce_sum3A_966 : i1 to vector<16xi1>
          %reduce_sum3A_968 = tpu.scan <sum>, %get3A_965 masked %reduce_sum3A_967 : vector<16xi32>, vector<16xi1> -> vector<16xi32>
          %reduce_sum3A_969 = vector.extract %reduce_sum3A_968[15] : i32 from vector<16xi32>
          %add3A_970 = arith.addi %add3A_956, %reduce_sum3A_969 : i32
          %lt3A_971 = arith.cmpi slt, %add3A_956, %while3A_628 : i32
          %ge3A_972 = arith.cmpi sge, %add3A_970, %while3A_628 : i32
          %and3A_973 = arith.andi %lt3A_971, %ge3A_972 : i1
          %jit3A_974 = arith.constant 14 : i32
          %select_n3A_975 = arith.select %and3A_973, %jit3A_974, %select_n3A_961 : i32
          %select_n3A_976 = arith.select %and3A_973, %add3A_956, %select_n3A_962 : i32
          %select_n3A_977 = arith.select %and3A_973, %reduce_sum3A_969, %select_n3A_963 : i32
          %get3A_978 = arith.constant 208 : index
          %get3A_979 = tpu.vector_load %arg7[%get3A_978] {strides = array<i32>} : memref<512xi32, #tpu.memory_space<vmem>>, vector<16xi32>,
          %reduce_sum3A_980 = arith.constant true
          %reduce_sum3A_981 = vector.broadcast %reduce_sum3A_980 : i1 to vector<16xi1>
          %reduce_sum3A_982 = tpu.scan <sum>, %get3A_979 masked %reduce_sum3A_981 : vector<16xi32>, vector<16xi1> -> vector<16xi32>
          %reduce_sum3A_983 = vector.extract %reduce_sum3A_982[15] : i32 from vector<16xi32>
          %add3A_984 = arith.addi %add3A_970, %reduce_sum3A_983 : i32
          %lt3A_985 = arith.cmpi slt, %add3A_970, %while3A_628 : i32
          %ge3A_986 = arith.cmpi sge, %add3A_984, %while3A_628 : i32
          %and3A_987 = arith.andi %lt3A_985, %ge3A_986 : i1
          %jit3A_988 = arith.constant 13 : i32
          %select_n3A_989 = arith.select %and3A_987, %jit3A_988, %select_n3A_975 : i32
          %select_n3A_990 = arith.select %and3A_987, %add3A_970, %select_n3A_976 : i32
          %select_n3A_991 = arith.select %and3A_987, %reduce_sum3A_983, %select_n3A_977 : i32
          %get3A_992 = arith.constant 192 : index
          %get3A_993 = tpu.vector_load %arg7[%get3A_992] {strides = array<i32>} : memref<512xi32, #tpu.memory_space<vmem>>, vector<16xi32>,
          %reduce_sum3A_994 = arith.constant true
          %reduce_sum3A_995 = vector.broadcast %reduce_sum3A_994 : i1 to vector<16xi1>
          %reduce_sum3A_996 = tpu.scan <sum>, %get3A_993 masked %reduce_sum3A_995 : vector<16xi32>, vector<16xi1> -> vector<16xi32>
          %reduce_sum3A_997 = vector.extract %reduce_sum3A_996[15] : i32 from vector<16xi32>
          %add3A_998 = arith.addi %add3A_984, %reduce_sum3A_997 : i32
          %lt3A_999 = arith.cmpi slt, %add3A_984, %while3A_628 : i32
          %ge3A_1000 = arith.cmpi sge, %add3A_998, %while3A_628 : i32
          %and3A_1001 = arith.andi %lt3A_999, %ge3A_1000 : i1
          %jit3A_1002 = arith.constant 12 : i32
          %select_n3A_1003 = arith.select %and3A_1001, %jit3A_1002, %select_n3A_989 : i32
          %select_n3A_1004 = arith.select %and3A_1001, %add3A_984, %select_n3A_990 : i32
          %select_n3A_1005 = arith.select %and3A_1001, %reduce_sum3A_997, %select_n3A_991 : i32
          %get3A_1006 = arith.constant 176 : index
          %get3A_1007 = tpu.vector_load %arg7[%get3A_1006] {strides = array<i32>} : memref<512xi32, #tpu.memory_space<vmem>>, vector<16xi32>,
          %reduce_sum3A_1008 = arith.constant true
          %reduce_sum3A_1009 = vector.broadcast %reduce_sum3A_1008 : i1 to vector<16xi1>
          %reduce_sum3A_1010 = tpu.scan <sum>, %get3A_1007 masked %reduce_sum3A_1009 : vector<16xi32>, vector<16xi1> -> vector<16xi32>
          %reduce_sum3A_1011 = vector.extract %reduce_sum3A_1010[15] : i32 from vector<16xi32>
          %add3A_1012 = arith.addi %add3A_998, %reduce_sum3A_1011 : i32
          %lt3A_1013 = arith.cmpi slt, %add3A_998, %while3A_628 : i32
          %ge3A_1014 = arith.cmpi sge, %add3A_1012, %while3A_628 : i32
          %and3A_1015 = arith.andi %lt3A_1013, %ge3A_1014 : i1
          %jit3A_1016 = arith.constant 11 : i32
          %select_n3A_1017 = arith.select %and3A_1015, %jit3A_1016, %select_n3A_1003 : i32
          %select_n3A_1018 = arith.select %and3A_1015, %add3A_998, %select_n3A_1004 : i32
          %select_n3A_1019 = arith.select %and3A_1015, %reduce_sum3A_1011, %select_n3A_1005 : i32
          %get3A_1020 = arith.constant 160 : index
          %get3A_1021 = tpu.vector_load %arg7[%get3A_1020] {strides = array<i32>} : memref<512xi32, #tpu.memory_space<vmem>>, vector<16xi32>,
          %reduce_sum3A_1022 = arith.constant true
          %reduce_sum3A_1023 = vector.broadcast %reduce_sum3A_1022 : i1 to vector<16xi1>
          %reduce_sum3A_1024 = tpu.scan <sum>, %get3A_1021 masked %reduce_sum3A_1023 : vector<16xi32>, vector<16xi1> -> vector<16xi32>
          %reduce_sum3A_1025 = vector.extract %reduce_sum3A_1024[15] : i32 from vector<16xi32>
          %add3A_1026 = arith.addi %add3A_1012, %reduce_sum3A_1025 : i32
          %lt3A_1027 = arith.cmpi slt, %add3A_1012, %while3A_628 : i32
          %ge3A_1028 = arith.cmpi sge, %add3A_1026, %while3A_628 : i32
          %and3A_1029 = arith.andi %lt3A_1027, %ge3A_1028 : i1
          %jit3A_1030 = arith.constant 10 : i32
          %select_n3A_1031 = arith.select %and3A_1029, %jit3A_1030, %select_n3A_1017 : i32
          %select_n3A_1032 = arith.select %and3A_1029, %add3A_1012, %select_n3A_1018 : i32
          %select_n3A_1033 = arith.select %and3A_1029, %reduce_sum3A_1025, %select_n3A_1019 : i32
          %get3A_1034 = arith.constant 144 : index
          %get3A_1035 = tpu.vector_load %arg7[%get3A_1034] {strides = array<i32>} : memref<512xi32, #tpu.memory_space<vmem>>, vector<16xi32>,
          %reduce_sum3A_1036 = arith.constant true
          %reduce_sum3A_1037 = vector.broadcast %reduce_sum3A_1036 : i1 to vector<16xi1>
          %reduce_sum3A_1038 = tpu.scan <sum>, %get3A_1035 masked %reduce_sum3A_1037 : vector<16xi32>, vector<16xi1> -> vector<16xi32>
          %reduce_sum3A_1039 = vector.extract %reduce_sum3A_1038[15] : i32 from vector<16xi32>
          %add3A_1040 = arith.addi %add3A_1026, %reduce_sum3A_1039 : i32
          %lt3A_1041 = arith.cmpi slt, %add3A_1026, %while3A_628 : i32
          %ge3A_1042 = arith.cmpi sge, %add3A_1040, %while3A_628 : i32
          %and3A_1043 = arith.andi %lt3A_1041, %ge3A_1042 : i1
          %jit3A_1044 = arith.constant 9 : i32
          %select_n3A_1045 = arith.select %and3A_1043, %jit3A_1044, %select_n3A_1031 : i32
          %select_n3A_1046 = arith.select %and3A_1043, %add3A_1026, %select_n3A_1032 : i32
          %select_n3A_1047 = arith.select %and3A_1043, %reduce_sum3A_1039, %select_n3A_1033 : i32
          %get3A_1048 = arith.constant 128 : index
          %get3A_1049 = tpu.vector_load %arg7[%get3A_1048] {strides = array<i32>} : memref<512xi32, #tpu.memory_space<vmem>>, vector<16xi32>,
          %reduce_sum3A_1050 = arith.constant true
          %reduce_sum3A_1051 = vector.broadcast %reduce_sum3A_1050 : i1 to vector<16xi1>
          %reduce_sum3A_1052 = tpu.scan <sum>, %get3A_1049 masked %reduce_sum3A_1051 : vector<16xi32>, vector<16xi1> -> vector<16xi32>
          %reduce_sum3A_1053 = vector.extract %reduce_sum3A_1052[15] : i32 from vector<16xi32>
          %add3A_1054 = arith.addi %add3A_1040, %reduce_sum3A_1053 : i32
          %lt3A_1055 = arith.cmpi slt, %add3A_1040, %while3A_628 : i32
          %ge3A_1056 = arith.cmpi sge, %add3A_1054, %while3A_628 : i32
          %and3A_1057 = arith.andi %lt3A_1055, %ge3A_1056 : i1
          %jit3A_1058 = arith.constant 8 : i32
          %select_n3A_1059 = arith.select %and3A_1057, %jit3A_1058, %select_n3A_1045 : i32
          %select_n3A_1060 = arith.select %and3A_1057, %add3A_1040, %select_n3A_1046 : i32
          %select_n3A_1061 = arith.select %and3A_1057, %reduce_sum3A_1053, %select_n3A_1047 : i32
          %get3A_1062 = arith.constant 112 : index
          %get3A_1063 = tpu.vector_load %arg7[%get3A_1062] {strides = array<i32>} : memref<512xi32, #tpu.memory_space<vmem>>, vector<16xi32>,
          %reduce_sum3A_1064 = arith.constant true
          %reduce_sum3A_1065 = vector.broadcast %reduce_sum3A_1064 : i1 to vector<16xi1>
          %reduce_sum3A_1066 = tpu.scan <sum>, %get3A_1063 masked %reduce_sum3A_1065 : vector<16xi32>, vector<16xi1> -> vector<16xi32>
          %reduce_sum3A_1067 = vector.extract %reduce_sum3A_1066[15] : i32 from vector<16xi32>
          %add3A_1068 = arith.addi %add3A_1054, %reduce_sum3A_1067 : i32
          %lt3A_1069 = arith.cmpi slt, %add3A_1054, %while3A_628 : i32
          %ge3A_1070 = arith.cmpi sge, %add3A_1068, %while3A_628 : i32
          %and3A_1071 = arith.andi %lt3A_1069, %ge3A_1070 : i1
          %jit3A_1072 = arith.constant 7 : i32
          %select_n3A_1073 = arith.select %and3A_1071, %jit3A_1072, %select_n3A_1059 : i32
          %select_n3A_1074 = arith.select %and3A_1071, %add3A_1054, %select_n3A_1060 : i32
          %select_n3A_1075 = arith.select %and3A_1071, %reduce_sum3A_1067, %select_n3A_1061 : i32
          %get3A_1076 = arith.constant 96 : index
          %get3A_1077 = tpu.vector_load %arg7[%get3A_1076] {strides = array<i32>} : memref<512xi32, #tpu.memory_space<vmem>>, vector<16xi32>,
          %reduce_sum3A_1078 = arith.constant true
          %reduce_sum3A_1079 = vector.broadcast %reduce_sum3A_1078 : i1 to vector<16xi1>
          %reduce_sum3A_1080 = tpu.scan <sum>, %get3A_1077 masked %reduce_sum3A_1079 : vector<16xi32>, vector<16xi1> -> vector<16xi32>
          %reduce_sum3A_1081 = vector.extract %reduce_sum3A_1080[15] : i32 from vector<16xi32>
          %add3A_1082 = arith.addi %add3A_1068, %reduce_sum3A_1081 : i32
          %lt3A_1083 = arith.cmpi slt, %add3A_1068, %while3A_628 : i32
          %ge3A_1084 = arith.cmpi sge, %add3A_1082, %while3A_628 : i32
          %and3A_1085 = arith.andi %lt3A_1083, %ge3A_1084 : i1
          %jit3A_1086 = arith.constant 6 : i32
          %select_n3A_1087 = arith.select %and3A_1085, %jit3A_1086, %select_n3A_1073 : i32
          %select_n3A_1088 = arith.select %and3A_1085, %add3A_1068, %select_n3A_1074 : i32
          %select_n3A_1089 = arith.select %and3A_1085, %reduce_sum3A_1081, %select_n3A_1075 : i32
          %get3A_1090 = arith.constant 80 : index
          %get3A_1091 = tpu.vector_load %arg7[%get3A_1090] {strides = array<i32>} : memref<512xi32, #tpu.memory_space<vmem>>, vector<16xi32>,
          %reduce_sum3A_1092 = arith.constant true
          %reduce_sum3A_1093 = vector.broadcast %reduce_sum3A_1092 : i1 to vector<16xi1>
          %reduce_sum3A_1094 = tpu.scan <sum>, %get3A_1091 masked %reduce_sum3A_1093 : vector<16xi32>, vector<16xi1> -> vector<16xi32>
          %reduce_sum3A_1095 = vector.extract %reduce_sum3A_1094[15] : i32 from vector<16xi32>
          %add3A_1096 = arith.addi %add3A_1082, %reduce_sum3A_1095 : i32
          %lt3A_1097 = arith.cmpi slt, %add3A_1082, %while3A_628 : i32
          %ge3A_1098 = arith.cmpi sge, %add3A_1096, %while3A_628 : i32
          %and3A_1099 = arith.andi %lt3A_1097, %ge3A_1098 : i1
          %jit3A_1100 = arith.constant 5 : i32
          %select_n3A_1101 = arith.select %and3A_1099, %jit3A_1100, %select_n3A_1087 : i32
          %select_n3A_1102 = arith.select %and3A_1099, %add3A_1082, %select_n3A_1088 : i32
          %select_n3A_1103 = arith.select %and3A_1099, %reduce_sum3A_1095, %select_n3A_1089 : i32
          %get3A_1104 = arith.constant 64 : index
          %get3A_1105 = tpu.vector_load %arg7[%get3A_1104] {strides = array<i32>} : memref<512xi32, #tpu.memory_space<vmem>>, vector<16xi32>,
          %reduce_sum3A_1106 = arith.constant true
          %reduce_sum3A_1107 = vector.broadcast %reduce_sum3A_1106 : i1 to vector<16xi1>
          %reduce_sum3A_1108 = tpu.scan <sum>, %get3A_1105 masked %reduce_sum3A_1107 : vector<16xi32>, vector<16xi1> -> vector<16xi32>
          %reduce_sum3A_1109 = vector.extract %reduce_sum3A_1108[15] : i32 from vector<16xi32>
          %add3A_1110 = arith.addi %add3A_1096, %reduce_sum3A_1109 : i32
          %lt3A_1111 = arith.cmpi slt, %add3A_1096, %while3A_628 : i32
          %ge3A_1112 = arith.cmpi sge, %add3A_1110, %while3A_628 : i32
          %and3A_1113 = arith.andi %lt3A_1111, %ge3A_1112 : i1
          %jit3A_1114 = arith.constant 4 : i32
          %select_n3A_1115 = arith.select %and3A_1113, %jit3A_1114, %select_n3A_1101 : i32
          %select_n3A_1116 = arith.select %and3A_1113, %add3A_1096, %select_n3A_1102 : i32
          %select_n3A_1117 = arith.select %and3A_1113, %reduce_sum3A_1109, %select_n3A_1103 : i32
          %get3A_1118 = arith.constant 48 : index
          %get3A_1119 = tpu.vector_load %arg7[%get3A_1118] {strides = array<i32>} : memref<512xi32, #tpu.memory_space<vmem>>, vector<16xi32>,
          %reduce_sum3A_1120 = arith.constant true
          %reduce_sum3A_1121 = vector.broadcast %reduce_sum3A_1120 : i1 to vector<16xi1>
          %reduce_sum3A_1122 = tpu.scan <sum>, %get3A_1119 masked %reduce_sum3A_1121 : vector<16xi32>, vector<16xi1> -> vector<16xi32>
          %reduce_sum3A_1123 = vector.extract %reduce_sum3A_1122[15] : i32 from vector<16xi32>
          %add3A_1124 = arith.addi %add3A_1110, %reduce_sum3A_1123 : i32
          %lt3A_1125 = arith.cmpi slt, %add3A_1110, %while3A_628 : i32
          %ge3A_1126 = arith.cmpi sge, %add3A_1124, %while3A_628 : i32
          %and3A_1127 = arith.andi %lt3A_1125, %ge3A_1126 : i1
          %jit3A_1128 = arith.constant 3 : i32
          %select_n3A_1129 = arith.select %and3A_1127, %jit3A_1128, %select_n3A_1115 : i32
          %select_n3A_1130 = arith.select %and3A_1127, %add3A_1110, %select_n3A_1116 : i32
          %select_n3A_1131 = arith.select %and3A_1127, %reduce_sum3A_1123, %select_n3A_1117 : i32
          %get3A_1132 = arith.constant 32 : index
          %get3A_1133 = tpu.vector_load %arg7[%get3A_1132] {strides = array<i32>} : memref<512xi32, #tpu.memory_space<vmem>>, vector<16xi32>,
          %reduce_sum3A_1134 = arith.constant true
          %reduce_sum3A_1135 = vector.broadcast %reduce_sum3A_1134 : i1 to vector<16xi1>
          %reduce_sum3A_1136 = tpu.scan <sum>, %get3A_1133 masked %reduce_sum3A_1135 : vector<16xi32>, vector<16xi1> -> vector<16xi32>
          %reduce_sum3A_1137 = vector.extract %reduce_sum3A_1136[15] : i32 from vector<16xi32>
          %add3A_1138 = arith.addi %add3A_1124, %reduce_sum3A_1137 : i32
          %lt3A_1139 = arith.cmpi slt, %add3A_1124, %while3A_628 : i32
          %ge3A_1140 = arith.cmpi sge, %add3A_1138, %while3A_628 : i32
          %and3A_1141 = arith.andi %lt3A_1139, %ge3A_1140 : i1
          %jit3A_1142 = arith.constant 2 : i32
          %select_n3A_1143 = arith.select %and3A_1141, %jit3A_1142, %select_n3A_1129 : i32
          %select_n3A_1144 = arith.select %and3A_1141, %add3A_1124, %select_n3A_1130 : i32
          %select_n3A_1145 = arith.select %and3A_1141, %reduce_sum3A_1137, %select_n3A_1131 : i32
          %get3A_1146 = arith.constant 16 : index
          %get3A_1147 = tpu.vector_load %arg7[%get3A_1146] {strides = array<i32>} : memref<512xi32, #tpu.memory_space<vmem>>, vector<16xi32>,
          %reduce_sum3A_1148 = arith.constant true
          %reduce_sum3A_1149 = vector.broadcast %reduce_sum3A_1148 : i1 to vector<16xi1>
          %reduce_sum3A_1150 = tpu.scan <sum>, %get3A_1147 masked %reduce_sum3A_1149 : vector<16xi32>, vector<16xi1> -> vector<16xi32>
          %reduce_sum3A_1151 = vector.extract %reduce_sum3A_1150[15] : i32 from vector<16xi32>
          %add3A_1152 = arith.addi %add3A_1138, %reduce_sum3A_1151 : i32
          %lt3A_1153 = arith.cmpi slt, %add3A_1138, %while3A_628 : i32
          %ge3A_1154 = arith.cmpi sge, %add3A_1152, %while3A_628 : i32
          %and3A_1155 = arith.andi %lt3A_1153, %ge3A_1154 : i1
          %jit3A_1156 = arith.constant 1 : i32
          %select_n3A_1157 = arith.select %and3A_1155, %jit3A_1156, %select_n3A_1143 : i32
          %select_n3A_1158 = arith.select %and3A_1155, %add3A_1138, %select_n3A_1144 : i32
          %select_n3A_1159 = arith.select %and3A_1155, %reduce_sum3A_1151, %select_n3A_1145 : i32
          %get3A_1160 = arith.constant 0 : index
          %get3A_1161 = tpu.vector_load %arg7[%get3A_1160] {strides = array<i32>} : memref<512xi32, #tpu.memory_space<vmem>>, vector<16xi32>,
          %reduce_sum3A_1162 = arith.constant true
          %reduce_sum3A_1163 = vector.broadcast %reduce_sum3A_1162 : i1 to vector<16xi1>
          %reduce_sum3A_1164 = tpu.scan <sum>, %get3A_1161 masked %reduce_sum3A_1163 : vector<16xi32>, vector<16xi1> -> vector<16xi32>
          %reduce_sum3A_1165 = vector.extract %reduce_sum3A_1164[15] : i32 from vector<16xi32>
          %add3A_1166 = arith.addi %add3A_1152, %reduce_sum3A_1165 : i32
          %lt3A_1167 = arith.cmpi slt, %add3A_1152, %while3A_628 : i32
          %ge3A_1168 = arith.cmpi sge, %add3A_1166, %while3A_628 : i32
          %and3A_1169 = arith.andi %lt3A_1167, %ge3A_1168 : i1
          %jit3A_1170 = arith.constant 0 : i32
          %select_n3A_1171 = arith.select %and3A_1169, %jit3A_1170, %select_n3A_1157 : i32
          %select_n3A_1172 = arith.select %and3A_1169, %add3A_1152, %select_n3A_1158 : i32
          %select_n3A_1173 = arith.select %and3A_1169, %reduce_sum3A_1165, %select_n3A_1159 : i32
          %shift_left3A_1174 = arith.shli %select_n3A_1171, %max3A_635 : i32
          %or3A = arith.ori %while3A_627, %shift_left3A_1174 : i32
          %sub3A_1175 = arith.subi %while3A_628, %select_n3A_1172 : i32
          %while3A_1176 = arith.constant 0 : i32
          %while3A_1177 = arith.constant 0 : i32
          %while3A_1178 = arith.subi %shift_right_arithmetic3A_709, %while3A_1176 : i32
          %while3A_1179 = arith.addi %while3A_1176, %while3A_1178 : i32
          %while3A_1180 = arith.constant 1 : i32
          %while3A_1181 = arith.divsi %while3A_1178, %while3A_1180 : i32
          %while3A_1182 = arith.muli %while3A_1181, %while3A_1180 : i32
          %while3A_1183 = arith.addi %while3A_1176, %while3A_1182 : i32
          %while3A_1184 = arith.constant 1 : i32
          %while3A_1185 = scf.for %while3A_1191 = %while3A_1176 to %while3A_1183 step %while3A_1184 iter_args(%while3A_1192 = %while3A_1177) -> (i32)  : i32 {
            %mul3A_1193 = arith.constant 16 : i32
            %mul3A_1194 = arith.muli %while3A_1191, %mul3A_1193 : i32
            %get3A_1195 = arith.index_cast %mul3A_1194 : i32 to index
            %get3A_1196 = tpu.vector_load %arg6[%get3A_1195] {strides = array<i32>} : memref<2064xi32, #tpu.memory_space<vmem>>, vector<16xi32>,
            %mul3A_1197 = arith.constant 16 : i32
            %mul3A_1198 = arith.muli %while3A_1191, %mul3A_1197 : i32
            %add3A_1199 = vector.broadcast %mul3A_1198 : i32 to vector<16xi32>
            %add3A_1200 = arith.addi %add3A_1199, %iota3A : vector<16xi32>
            %lt3A_1201 = vector.broadcast %while3A_629 : i32 to vector<16xi32>
            %lt3A_1202 = arith.cmpi slt, %add3A_1200, %lt3A_1201 : vector<16xi32>
            %shift_right_logical3A = vector.broadcast %max3A_635 : i32 to vector<16xi32>
            %shift_right_logical3A_1203 = arith.shrui %get3A_1196, %shift_right_logical3A : vector<16xi32>
            %and3A_1204 = vector.broadcast %select_n3A_640 : i32 to vector<16xi32>
            %and3A_1205 = arith.andi %shift_right_logical3A_1203, %and3A_1204 : vector<16xi32>
            %eq3A_1206 = vector.broadcast %select_n3A_1171 : i32 to vector<16xi32>
            %eq3A_1207 = arith.cmpi eq, %and3A_1205, %eq3A_1206 : vector<16xi32>
            %and3A_1208 = arith.andi %eq3A_1207, %lt3A_1202 : vector<16xi1>
            %swap3A_1209 = arith.index_cast %while3A_1192 : i32 to index
            %swap3A_1210 = tpu.vector_load %arg6[%swap3A_1209] masked %and3A_1208 {strides = array<i32>} : memref<2064xi32, #tpu.memory_space<vmem>>, vector<16xi32>, vector<16xi1>
            tpu.vector_store %arg6[%swap3A_1209], %get3A_1196 masked %and3A_1208 {strides = array<i32>} : memref<2064xi32, #tpu.memory_space<vmem>>, vector<16xi32>, vector<16xi1>
            %convert_element_type3A = arith.extui %and3A_1208 : vector<16xi1> to vector<16xi32>
            %reduce_sum3A_1211 = arith.constant true
            %reduce_sum3A_1212 = vector.broadcast %reduce_sum3A_1211 : i1 to vector<16xi1>
            %reduce_sum3A_1213 = tpu.scan <sum>, %convert_element_type3A masked %reduce_sum3A_1212 : vector<16xi32>, vector<16xi1> -> vector<16xi32>
            %reduce_sum3A_1214 = vector.extract %reduce_sum3A_1213[15] : i32 from vector<16xi32>
            %add3A_1215 = arith.addi %while3A_1192, %reduce_sum3A_1214 : i32
            scf.yield %add3A_1215 : i32
          }
          %while3A_1186 = arith.constant 1 : i32
          %while3A_1187 = scf.for %while3A_1191 = %while3A_1183 to %while3A_1179 step %while3A_1186 iter_args(%while3A_1192 = %while3A_1185) -> (i32)  : i32 {
            %mul3A_1193 = arith.constant 16 : i32
            %mul3A_1194 = arith.muli %while3A_1191, %mul3A_1193 : i32
            %get3A_1195 = arith.index_cast %mul3A_1194 : i32 to index
            %get3A_1196 = tpu.vector_load %arg6[%get3A_1195] {strides = array<i32>} : memref<2064xi32, #tpu.memory_space<vmem>>, vector<16xi32>,
            %mul3A_1197 = arith.constant 16 : i32
            %mul3A_1198 = arith.muli %while3A_1191, %mul3A_1197 : i32
            %add3A_1199 = vector.broadcast %mul3A_1198 : i32 to vector<16xi32>
            %add3A_1200 = arith.addi %add3A_1199, %iota3A : vector<16xi32>
            %lt3A_1201 = vector.broadcast %while3A_629 : i32 to vector<16xi32>
            %lt3A_1202 = arith.cmpi slt, %add3A_1200, %lt3A_1201 : vector<16xi32>
            %shift_right_logical3A = vector.broadcast %max3A_635 : i32 to vector<16xi32>
            %shift_right_logical3A_1203 = arith.shrui %get3A_1196, %shift_right_logical3A : vector<16xi32>
            %and3A_1204 = vector.broadcast %select_n3A_640 : i32 to vector<16xi32>
            %and3A_1205 = arith.andi %shift_right_logical3A_1203, %and3A_1204 : vector<16xi32>
            %eq3A_1206 = vector.broadcast %select_n3A_1171 : i32 to vector<16xi32>
            %eq3A_1207 = arith.cmpi eq, %and3A_1205, %eq3A_1206 : vector<16xi32>
            %and3A_1208 = arith.andi %eq3A_1207, %lt3A_1202 : vector<16xi1>
            %swap3A_1209 = arith.index_cast %while3A_1192 : i32 to index
            %swap3A_1210 = tpu.vector_load %arg6[%swap3A_1209] masked %and3A_1208 {strides = array<i32>} : memref<2064xi32, #tpu.memory_space<vmem>>, vector<16xi32>, vector<16xi1>
            tpu.vector_store %arg6[%swap3A_1209], %get3A_1196 masked %and3A_1208 {strides = array<i32>} : memref<2064xi32, #tpu.memory_space<vmem>>, vector<16xi32>, vector<16xi1>
            %convert_element_type3A = arith.extui %and3A_1208 : vector<16xi1> to vector<16xi32>
            %reduce_sum3A_1211 = arith.constant true
            %reduce_sum3A_1212 = vector.broadcast %reduce_sum3A_1211 : i1 to vector<16xi1>
            %reduce_sum3A_1213 = tpu.scan <sum>, %convert_element_type3A masked %reduce_sum3A_1212 : vector<16xi32>, vector<16xi1> -> vector<16xi32>
            %reduce_sum3A_1214 = vector.extract %reduce_sum3A_1213[15] : i32 from vector<16xi32>
            %add3A_1215 = arith.addi %while3A_1192, %reduce_sum3A_1214 : i32
            scf.yield %add3A_1215 : i32
          }
          %eq3A_1188 = arith.cmpi eq, %sub3A_1175, %select_n3A_1173 : i32
          %add3A_1189 = arith.constant 1 : i32
          %add3A_1190 = arith.addi %while3A_626, %add3A_1189 : i32
          scf.yield %add3A_1190, %or3A, %sub3A_1175, %select_n3A_1173, %eq3A_1188 : i32, i32, i32, i32, i1
        }
        %scan3A_619 = arith.constant 0 : i32
        %scan3A_620 = arith.constant 0 : i32
        %scan3A_621 = arith.constant 128 : i32
        %scan3A_622 = arith.addi %scan3A_620, %scan3A_621 : i32
        %scan3A_623 = arith.constant 4 : i32
        scf.for %scan3A_626 = %scan3A_620 to %scan3A_622 step %scan3A_623  : i32 {
          %mul3A_627 = arith.constant 16 : i32
          %mul3A_628 = arith.muli %scan3A_626, %mul3A_627 : i32
          %get3A_629 = arith.index_cast %mul3A_628 : i32 to index
          %get3A_630 = tpu.vector_load %arg5[%get3A_629] {strides = array<i32>} : memref<2048xi32, #tpu.memory_space<vmem>>, vector<16xi32>,
          %mul3A_631 = arith.constant 16 : i32
          %mul3A_632 = arith.muli %scan3A_626, %mul3A_631 : i32
          %get3A_633 = arith.index_cast %scan3A_27 : i32 to index
          %get3A_634 = arith.index_cast %mul3A_632 : i32 to index
          %get3A_635 = tpu.vector_load %arg4[%get3A_633, %get3A_634] {strides = array<i32>} : memref<8x2048xf32, #tpu.memory_space<vmem>>, vector<16xf32>,
          %ge3A_636 = vector.broadcast %while3A_618#1 : i32 to vector<16xi32>
          %ge3A_637 = arith.cmpi uge, %get3A_630, %ge3A_636 : vector<16xi32>
          %jit3A_638 = arith.constant 0.000000e+00 : f32
          %broadcast_in_dim3A_639 = vector.broadcast %jit3A_638 : f32 to vector<16xf32>
          %select_n3A_640 = arith.select %ge3A_637, %get3A_635, %broadcast_in_dim3A_639 : vector<16xi1>, vector<16xf32>
          %mul3A_641 = arith.constant 16 : i32
          %mul3A_642 = arith.muli %scan3A_626, %mul3A_641 : i32
          %swap3A_643 = arith.index_cast %scan3A_27 : i32 to index
          %swap3A_644 = arith.index_cast %mul3A_642 : i32 to index
          %swap3A_645 = tpu.vector_load %arg4[%swap3A_643, %swap3A_644] {strides = array<i32>} : memref<8x2048xf32, #tpu.memory_space<vmem>>, vector<16xf32>,
          tpu.vector_store %arg4[%swap3A_643, %swap3A_644], %select_n3A_640 {strides = array<i32>} : memref<8x2048xf32, #tpu.memory_space<vmem>>, vector<16xf32>,
          %scan3A_646 = arith.constant 1 : i32
          %scan3A_647 = arith.addi %scan3A_626, %scan3A_646 : i32
          %mul3A_648 = arith.constant 16 : i32
          %mul3A_649 = arith.muli %scan3A_647, %mul3A_648 : i32
          %get3A_650 = arith.index_cast %mul3A_649 : i32 to index
          %get3A_651 = tpu.vector_load %arg5[%get3A_650] {strides = array<i32>} : memref<2048xi32, #tpu.memory_space<vmem>>, vector<16xi32>,
          %mul3A_652 = arith.constant 16 : i32
          %mul3A_653 = arith.muli %scan3A_647, %mul3A_652 : i32
          %get3A_654 = arith.index_cast %scan3A_27 : i32 to index
          %get3A_655 = arith.index_cast %mul3A_653 : i32 to index
          %get3A_656 = tpu.vector_load %arg4[%get3A_654, %get3A_655] {strides = array<i32>} : memref<8x2048xf32, #tpu.memory_space<vmem>>, vector<16xf32>,
          %ge3A_657 = vector.broadcast %while3A_618#1 : i32 to vector<16xi32>
          %ge3A_658 = arith.cmpi uge, %get3A_651, %ge3A_657 : vector<16xi32>
          %jit3A_659 = arith.constant 0.000000e+00 : f32
          %broadcast_in_dim3A_660 = vector.broadcast %jit3A_659 : f32 to vector<16xf32>
          %select_n3A_661 = arith.select %ge3A_658, %get3A_656, %broadcast_in_dim3A_660 : vector<16xi1>, vector<16xf32>
          %mul3A_662 = arith.constant 16 : i32
          %mul3A_663 = arith.muli %scan3A_647, %mul3A_662 : i32
          %swap3A_664 = arith.index_cast %scan3A_27 : i32 to index
          %swap3A_665 = arith.index_cast %mul3A_663 : i32 to index
          %swap3A_666 = tpu.vector_load %arg4[%swap3A_664, %swap3A_665] {strides = array<i32>} : memref<8x2048xf32, #tpu.memory_space<vmem>>, vector<16xf32>,
          tpu.vector_store %arg4[%swap3A_664, %swap3A_665], %select_n3A_661 {strides = array<i32>} : memref<8x2048xf32, #tpu.memory_space<vmem>>, vector<16xf32>,
          %scan3A_667 = arith.constant 2 : i32
          %scan3A_668 = arith.addi %scan3A_626, %scan3A_667 : i32
          %mul3A_669 = arith.constant 16 : i32
          %mul3A_670 = arith.muli %scan3A_668, %mul3A_669 : i32
          %get3A_671 = arith.index_cast %mul3A_670 : i32 to index
          %get3A_672 = tpu.vector_load %arg5[%get3A_671] {strides = array<i32>} : memref<2048xi32, #tpu.memory_space<vmem>>, vector<16xi32>,
          %mul3A_673 = arith.constant 16 : i32
          %mul3A_674 = arith.muli %scan3A_668, %mul3A_673 : i32
          %get3A_675 = arith.index_cast %scan3A_27 : i32 to index
          %get3A_676 = arith.index_cast %mul3A_674 : i32 to index
          %get3A_677 = tpu.vector_load %arg4[%get3A_675, %get3A_676] {strides = array<i32>} : memref<8x2048xf32, #tpu.memory_space<vmem>>, vector<16xf32>,
          %ge3A_678 = vector.broadcast %while3A_618#1 : i32 to vector<16xi32>
          %ge3A_679 = arith.cmpi uge, %get3A_672, %ge3A_678 : vector<16xi32>
          %jit3A_680 = arith.constant 0.000000e+00 : f32
          %broadcast_in_dim3A_681 = vector.broadcast %jit3A_680 : f32 to vector<16xf32>
          %select_n3A_682 = arith.select %ge3A_679, %get3A_677, %broadcast_in_dim3A_681 : vector<16xi1>, vector<16xf32>
          %mul3A_683 = arith.constant 16 : i32
          %mul3A_684 = arith.muli %scan3A_668, %mul3A_683 : i32
          %swap3A_685 = arith.index_cast %scan3A_27 : i32 to index
          %swap3A_686 = arith.index_cast %mul3A_684 : i32 to index
          %swap3A_687 = tpu.vector_load %arg4[%swap3A_685, %swap3A_686] {strides = array<i32>} : memref<8x2048xf32, #tpu.memory_space<vmem>>, vector<16xf32>,
          tpu.vector_store %arg4[%swap3A_685, %swap3A_686], %select_n3A_682 {strides = array<i32>} : memref<8x2048xf32, #tpu.memory_space<vmem>>, vector<16xf32>,
          %scan3A_688 = arith.constant 3 : i32
          %scan3A_689 = arith.addi %scan3A_626, %scan3A_688 : i32
          %mul3A_690 = arith.constant 16 : i32
          %mul3A_691 = arith.muli %scan3A_689, %mul3A_690 : i32
          %get3A_692 = arith.index_cast %mul3A_691 : i32 to index
          %get3A_693 = tpu.vector_load %arg5[%get3A_692] {strides = array<i32>} : memref<2048xi32, #tpu.memory_space<vmem>>, vector<16xi32>,
          %mul3A_694 = arith.constant 16 : i32
          %mul3A_695 = arith.muli %scan3A_689, %mul3A_694 : i32
          %get3A_696 = arith.index_cast %scan3A_27 : i32 to index
          %get3A_697 = arith.index_cast %mul3A_695 : i32 to index
          %get3A_698 = tpu.vector_load %arg4[%get3A_696, %get3A_697] {strides = array<i32>} : memref<8x2048xf32, #tpu.memory_space<vmem>>, vector<16xf32>,
          %ge3A_699 = vector.broadcast %while3A_618#1 : i32 to vector<16xi32>
          %ge3A_700 = arith.cmpi uge, %get3A_693, %ge3A_699 : vector<16xi32>
          %jit3A_701 = arith.constant 0.000000e+00 : f32
          %broadcast_in_dim3A_702 = vector.broadcast %jit3A_701 : f32 to vector<16xf32>
          %select_n3A_703 = arith.select %ge3A_700, %get3A_698, %broadcast_in_dim3A_702 : vector<16xi1>, vector<16xf32>
          %mul3A_704 = arith.constant 16 : i32
          %mul3A_705 = arith.muli %scan3A_689, %mul3A_704 : i32
          %swap3A_706 = arith.index_cast %scan3A_27 : i32 to index
          %swap3A_707 = arith.index_cast %mul3A_705 : i32 to index
          %swap3A_708 = tpu.vector_load %arg4[%swap3A_706, %swap3A_707] {strides = array<i32>} : memref<8x2048xf32, #tpu.memory_space<vmem>>, vector<16xf32>,
          tpu.vector_store %arg4[%swap3A_706, %swap3A_707], %select_n3A_703 {strides = array<i32>} : memref<8x2048xf32, #tpu.memory_space<vmem>>, vector<16xf32>,
        }
        %scan3A_624 = arith.constant 128 : i32
        %scan3A_625 = arith.constant 0 : i32
        scf.yield %scan3A_625 : i32
      }
      %scan3A_25 = arith.constant 8 : i32
      "tpu.region"() ({
        %run_scoped3A = tpu.sem_alloc : memref<!tpu.dma_semaphore, #tpu.memory_space<semaphore_mem>>
        %dma_start3A = arith.constant 0 : i32
        %dma_start3A_27 = tpu.memref_slice %arg3[%add3A_16, %dma_start3A] : memref<3328x2048xf32, #tpu.memory_space<hbm>> -> memref<8x2048xf32, #tpu.memory_space<hbm>>
        %dma_start3A_28 = arith.constant 0 : i32
        %dma_start3A_29 = tpu.memref_slice %arg3[%add3A_16, %dma_start3A_28] : memref<3328x2048xf32, #tpu.memory_space<hbm>> -> memref<8x2048xf32, #tpu.memory_space<hbm>>
        tpu.enqueue_dma source(%arg4 : memref<8x2048xf32, #tpu.memory_space<vmem>>) target(%dma_start3A_29 : memref<8x2048xf32, #tpu.memory_space<hbm>>) target_semaphore(%run_scoped3A : memref<!tpu.dma_semaphore, #tpu.memory_space<semaphore_mem>>)
        %dma_wait3A = arith.constant 0 : i32
        %dma_wait3A_30 = tpu.memref_slice %arg3[%add3A_16, %dma_wait3A] : memref<3328x2048xf32, #tpu.memory_space<hbm>> -> memref<8x2048xf32, #tpu.memory_space<hbm>>
        %dma_wait3A_31 = arith.constant 0 : i32
        %dma_wait3A_32 = tpu.memref_slice %arg3[%add3A_16, %dma_wait3A_31] : memref<3328x2048xf32, #tpu.memory_space<hbm>> -> memref<8x2048xf32, #tpu.memory_space<hbm>>
        tpu.wait_dma2 semaphore(%run_scoped3A : memref<!tpu.dma_semaphore, #tpu.memory_space<semaphore_mem>>) src(%arg4 : memref<8x2048xf32, #tpu.memory_space<vmem>>) dst(%dma_wait3A_32 : memref<8x2048xf32, #tpu.memory_space<hbm>>)
        tpu.yield
      }) : () -> ()
      %scan3A_26 = arith.constant 0 : i32
      scf.yield %scan3A_26 : i32
    }
    %scan3A_11 = arith.constant 13 : i32
    return
  }
}

module attributes {stable_mosaic.version = 14 : i64} {
  func.func @_topk_mask_kernel(%arg0: i32, %arg1: memref<256x2048xf32, #tpu.memory_space<vmem>>, %arg2: memref<256x2048xf32, #tpu.memory_space<vmem>>) attributes {dimension_semantics = [#tpu.dimension_semantics<arbitrary>], iteration_bounds = array<i64: 51>, scalar_prefetch = 0 : i64, scratch_operands = 0 : i64, tpu.core_type = #tpu.core_type<tc>, window_params = [{transform_indices = @transform_0, window_bounds = array<i64: 256, 2048>}, {transform_indices = @transform_1, window_bounds = array<i64: 256, 2048>}]} {
    %get3A = arith.constant 0 : index
    %get3A_0 = arith.constant 0 : index
    %get3A_1 = vector.load %arg1[%get3A, %get3A_0] : memref<256x2048xf32, #tpu.memory_space<vmem>>, vector<256x2048xf32>
    %bitcast_convert_type3A = tpu.bitcast %get3A_1 : vector<256x2048xf32> -> vector<256x2048xi32>
    %lt3A = arith.constant 0 : i32
    %lt3A_2 = vector.broadcast %lt3A : i32 to vector<256x2048xi32>
    %lt3A_3 = arith.cmpi slt, %bitcast_convert_type3A, %lt3A_2 : vector<256x2048xi32>
    %xor3A = arith.constant 2147483647 : i32
    %xor3A_4 = vector.broadcast %xor3A : i32 to vector<256x2048xi32>
    %xor3A_5 = arith.xori %bitcast_convert_type3A, %xor3A_4 : vector<256x2048xi32>
    %select_n3A = arith.select %lt3A_3, %xor3A_5, %bitcast_convert_type3A : vector<256x2048xi1>, vector<256x2048xi32>
    %broadcast_in_dim3A = arith.constant -2147483648 : i32
    %broadcast_in_dim3A_6 = vector.broadcast %broadcast_in_dim3A : i32 to vector<256x1xi32>
    %broadcast_in_dim3A_7 = arith.constant 2147483647 : i32
    %broadcast_in_dim3A_8 = vector.broadcast %broadcast_in_dim3A_7 : i32 to vector<256x1xi32>
    %while3A = arith.constant 0 : i32
    %while3A_9:3 = scf.while (%while3A_15 = %while3A, %while3A_16 = %broadcast_in_dim3A_6, %while3A_17 = %broadcast_in_dim3A_8) : (i32, vector<256x1xi32>, vector<256x1xi32>) -> (i32, vector<256x1xi32>, vector<256x1xi32>) {
      %lt3A_18 = arith.constant 32 : i32
      %lt3A_19 = arith.cmpi slt, %while3A_15, %lt3A_18 : i32
      %lt3A_20 = arith.cmpi slt, %while3A_16, %while3A_17 : vector<256x1xi32>
      %reduce_or3A = arith.constant 1.000000e+00 : f32
      %reduce_or3A_21 = arith.constant 0.000000e+00 : f32
      %reduce_or3A_22 = vector.broadcast %reduce_or3A : f32 to vector<256x1xf32>
      %reduce_or3A_23 = vector.broadcast %reduce_or3A_21 : f32 to vector<256x1xf32>
      %reduce_or3A_24 = arith.select %lt3A_20, %reduce_or3A_22, %reduce_or3A_23 : vector<256x1xi1>, vector<256x1xf32>
      %reduce_or3A_25 = vector.shape_cast %reduce_or3A_24 : vector<256x1xf32> to vector<1x256x1xf32>
      %reduce_or3A_26 = arith.constant dense<0xFF800000> : vector<1xf32>
      %reduce_or3A_27 = vector.multi_reduction <maximumf>, %reduce_or3A_25, %reduce_or3A_26 [1, 2] : vector<1x256x1xf32> to vector<1xf32>
      %reduce_or3A_28 = vector.shape_cast %reduce_or3A_27 : vector<1xf32> to vector<1x1x1xf32>
      %reduce_or3A_29 = vector.extract %reduce_or3A_28[0, 0, 0] : f32 from vector<1x1x1xf32>
      %reduce_or3A_30 = arith.constant 0.000000e+00 : f32
      %reduce_or3A_31 = arith.cmpf ogt, %reduce_or3A_29, %reduce_or3A_30 : f32
      %and3A = arith.andi %lt3A_19, %reduce_or3A_31 : i1
      scf.condition(%and3A) %while3A_15, %while3A_16, %while3A_17 : i32, vector<256x1xi32>, vector<256x1xi32>
    } do {
    ^bb0(%while3A_15: i32, %while3A_16: vector<256x1xi32>, %while3A_17: vector<256x1xi32>):
      %xor3A_18 = arith.xori %while3A_16, %while3A_17 : vector<256x1xi32>
      %and3A = arith.andi %while3A_16, %while3A_17 : vector<256x1xi32>
      %shift_right_arithmetic3A = arith.constant 1 : i32
      %shift_right_arithmetic3A_19 = vector.broadcast %shift_right_arithmetic3A : i32 to vector<256x1xi32>
      %shift_right_arithmetic3A_20 = arith.shrsi %xor3A_18, %shift_right_arithmetic3A_19 : vector<256x1xi32>
      %add3A = arith.addi %and3A, %shift_right_arithmetic3A_20 : vector<256x1xi32>
      %and3A_21 = arith.constant 1 : i32
      %and3A_22 = vector.broadcast %and3A_21 : i32 to vector<256x1xi32>
      %and3A_23 = arith.andi %xor3A_18, %and3A_22 : vector<256x1xi32>
      %add3A_24 = arith.addi %add3A, %and3A_23 : vector<256x1xi32>
      %ge3A_25 = vector.broadcast %add3A_24 : vector<256x1xi32> to vector<256x2048xi32>
      %ge3A_26 = arith.cmpi sge, %select_n3A, %ge3A_25 : vector<256x2048xi32>
      %convert_element_type3A = arith.extui %ge3A_26 : vector<256x2048xi1> to vector<256x2048xi32>
      %reduce_sum3A = arith.constant dense<0> : vector<256xi32>
      %reduce_sum3A_27 = vector.multi_reduction <add>, %convert_element_type3A, %reduce_sum3A [1] : vector<256x2048xi32> to vector<256xi32>
      %broadcast_in_dim3A_28 = vector.shape_cast %reduce_sum3A_27 : vector<256xi32> to vector<256x1xi32>
      %ge3A_29 = arith.constant 716 : i32
      %ge3A_30 = vector.broadcast %ge3A_29 : i32 to vector<256x1xi32>
      %ge3A_31 = arith.cmpi sge, %broadcast_in_dim3A_28, %ge3A_30 : vector<256x1xi32>
      %eq3A = arith.constant 716 : i32
      %eq3A_32 = vector.broadcast %eq3A : i32 to vector<256x1xi32>
      %eq3A_33 = arith.cmpi eq, %broadcast_in_dim3A_28, %eq3A_32 : vector<256x1xi32>
      %select_n3A_34 = arith.select %ge3A_31, %add3A_24, %while3A_16 : vector<256x1xi1>, vector<256x1xi32>
      %sub3A = arith.constant 1 : i32
      %sub3A_35 = vector.broadcast %sub3A : i32 to vector<256x1xi32>
      %sub3A_36 = arith.subi %add3A_24, %sub3A_35 : vector<256x1xi32>
      %select_n3A_37 = arith.select %ge3A_31, %while3A_17, %sub3A_36 : vector<256x1xi1>, vector<256x1xi32>
      %select_n3A_38 = arith.select %eq3A_33, %add3A_24, %select_n3A_37 : vector<256x1xi1>, vector<256x1xi32>
      %add3A_39 = arith.constant 1 : i32
      %add3A_40 = arith.addi %while3A_15, %add3A_39 : i32
      scf.yield %add3A_40, %select_n3A_34, %select_n3A_38 : i32, vector<256x1xi32>, vector<256x1xi32>
    }
    %ge3A = vector.broadcast %while3A_9#1 : vector<256x1xi32> to vector<256x2048xi32>
    %ge3A_10 = arith.cmpi sge, %select_n3A, %ge3A : vector<256x2048xi32>
    %jit3A = arith.constant 0.000000e+00 : f32
    %broadcast_in_dim3A_11 = vector.broadcast %jit3A : f32 to vector<256x2048xf32>
    %select_n3A_12 = arith.select %ge3A_10, %get3A_1, %broadcast_in_dim3A_11 : vector<256x2048xi1>, vector<256x2048xf32>
    %swap3A = arith.constant 0 : index
    %swap3A_13 = arith.constant 0 : index
    %swap3A_14 = vector.load %arg2[%swap3A, %swap3A_13] : memref<256x2048xf32, #tpu.memory_space<vmem>>, vector<256x2048xf32>
    tpu.vector_store %arg2[%swap3A, %swap3A_13], %select_n3A_12 {strides = array<i32>} : memref<256x2048xf32, #tpu.memory_space<vmem>>, vector<256x2048xf32>,
    return
  }
  func.func @transform_0(%arg0: i32) -> (i32, i32) {
    %c0_i32 = arith.constant 0 : i32
    %c0_i32_0 = arith.constant 0 : i32
    return %arg0, %c0_i32 : i32, i32
  }
  func.func @transform_1(%arg0: i32) -> (i32, i32) {
    %c0_i32 = arith.constant 0 : i32
    %c0_i32_0 = arith.constant 0 : i32
    return %arg0, %c0_i32 : i32, i32
  }
}

</mosaic_0001>

<sc_bundles>
// kernel: kernel.4.cloned.1.call-start
scs
__scs_entry_jumppad:
0x0: {  	(pc) =	sbr.rel $0x88, $3  }
0x1: {  	(tag) =	ssettag $0x0;
	lr =	simm.s32 $0x1  }
0x2: {  	[smem:$0x3FA0] =	sst lr;
	_ =	strace $0xD0000000  }
0x3: {  	_ = 	snop  }
0x4: {  	_ = 	snop  }
0x5: {  	_ = 	snop  }
0x6: {  	_ = 	snop  }
0x7: {  	_ = 	snop  }
__scs_overlays_trampoline_lowered:
0x8: {  	[smem:$0x3FAF] =	sst s0  }
0x9: {  	[smem:$0x3FB0] =	sst s1  }
0xa: {  	[smem:$0x3FB1] =	sst s2  }
0xb: {  	[smem:$0x3FB2] =	sst s3  }
0xc: {  	[smem:$0x3FB3] =	sst s4  }
0xd: {  	[smem:$0x3FB4] =	sst s5  }
0xe: {  	[smem:$0x3FB5] =	sst s6  }
0xf: {  	[smem:$0x3FB6] =	sst s7  }
0x10: {  	[smem:$0x3FB7] =	sst s8  }
0x11: {  	[smem:$0x3FB8] =	sst s9;
	s0 =	simm.s32 @!p0 $0x0  }
0x12: {  	s1 =	sld [smem:$0x3F9E];
	s0 =	simm.s32 @p0 $0x1  }
0x13: {  	[smem:$0x3FB9] =	sst s0;
	s0 =	simm.s32 @!p1 $0x0  }
0x14: {  	s2 =	sld [smem:$0x3F9D];
	s0 =	simm.s32 @p1 $0x1  }
0x15: {  	[smem:$0x3FBA] =	sst s0;
	s0 =	simm.s32 @!p2 $0x0  }
0x16: {  	s3 =	sld [smem:$0x3FDB];
	s0 =	simm.s32 @p2 $0x1  }
0x17: {  	s4 =	simm.s32 $0x1BF5;
	[smem:$0x3FBC] =	sst s0  }
0x18: {  	s0 =	sld [smem:$0x3F9F];
	_ =	swait.ge [sflag:s4], $0x0  }
0x19: {  	s7 =	sld [smem:$0x3FA0]  }
0x1a: {  	s8 =	sadd.s32 $0xFFFFE003, lr  }
0x1b: {  	s9 =	sadd.s32 $0xFFFFFEF7, lr;
	s5 =	simm.s32 $0xFFFFFFFF;
	p2 =	slt.u32 s8, $0xFFFFF086  }
0x1c: {  	p1 =	slt.u32 s9, $0xF7A;
	s5 =	simm.s32 @!p2 $0x0  }
0x1d: {  	s5 =	simm.s32 @p1 $0x1;
	p0 =	seq.s32 s7, s2  }
0x1e: {  	s7 =	smul.u32 @!p0 $0xF7A, s2;
	p2 =	seq.s32 @!p0 s5, $0x0  }
0x1f: {  	s9 =	smul.u32 $0xF7A, s1;
	s8 =	simm.s32 @!p0 $0x1BF5;
	p2 =	por !p2, p0  }
0x20: {  	[sflag:s8] =	ssyncset.s32 @!p0 $0xFFFFF086;
	s6 =	sadd.s32 @!p0 s3, s7;
	s7 =	simm.s32 @!p0 $0x108  }
0x21: {  	s3 =	sadd.s32 s3, s9;
	s6 =	sadd.s32 @!p0 $0x88, s6;
	s7 =	simm.s32 @p2 $0x1082  }
0x22: {  	[simem:s7], [sflag:s8] =	dma.local @!p0 [hbm:s6], $0xF7A  }
0x23: {  	s9 =	sor.u32 $0xD0000000, s2;
	s6 =	simm.s32 $0x108;
	_ =	swait.ge @!p0 [sflag:s8], $0x0  }
0x24: {  	s3 =	sadd.s32 $0x88, s3;
	s6 =	simm.s32 @!p1 $0x1082;
	[sflag:s4] =	ssyncset.s32 $0xFFFFF086  }
0x25: {  	[simem:s6], [sflag:s4] =	dma.local [hbm:s3], $0xF7A  }
0x26: {  	[smem:$0x3FA0] =	sst s1;
	(tag) =	ssettag s2;
	_ =	strace s9  }
0x27: {  	s1 =	sld [smem:$0x3FB0]  }
0x28: {  	s2 =	sld [smem:$0x3FB1]  }
0x29: {  	s4 =	sld [smem:$0x3FB3]  }
0x2a: {  	p0 =	seq.s32 s5, $0x0;
	s5 =	sld [smem:$0x3FB4]  }
0x2b: {  	s6 =	sld [smem:$0x3FB5]  }
0x2c: {  	s7 =	sld [smem:$0x3FB6]  }
0x2d: {  	s3 =	simm.s32 $0x108;
	s8 =	sld [smem:$0x3FB7]  }
0x2e: {  	s3 =	simm.s32 @!p0 $0x1082;
	s9 =	sld [smem:$0x3FB8]  }
0x2f: {  	lr =	sadd.s32 s0, s3;
	s0 =	sld [smem:$0x3FAF]  }
0x30: {  	s3 =	sld [smem:$0x3FB2]  }
0x31: {  	[smem:$0x3FBB] =	sst s10  }
0x32: {  	s10 =	sld [smem:$0x3FB9];
	_ =	sdelay $0x3  }
0x33: {  	p0 =	seq.s32 s10, $0x1;
	s10 =	sld [smem:$0x3FBB];
	_ =	sdelay $0x3  }
0x34: {  	[smem:$0x3FBB] =	sst s10  }
0x35: {  	s10 =	sld [smem:$0x3FBA];
	_ =	sdelay $0x3  }
0x36: {  	p1 =	seq.s32 s10, $0x1;
	s10 =	sld [smem:$0x3FBB];
	_ =	sdelay $0x3  }
0x37: {  	[smem:$0x3FBB] =	sst s10  }
0x38: {  	s10 =	sld [smem:$0x3FBC]  }
0x39: {  	_ = 	snop;
	(pc) =	sbr.ind lr, $3  }
0x3a: {  	_ = 	snop  }
0x3b: {  	_ = 	snop  }
0x3c: {  	p2 =	seq.s32 s10, $0x1;
	s10 =	sld [smem:$0x3FBB]  }
0x3d: {  	_ =	shalt  }
0x3e: {  	_ =	shalt  }
0x3f: {  	_ =	shalt  }
0x40: {  	_ =	shalt  }
0x41: {  	_ =	shalt  }
0x42: {  	_ =	shalt  }
0x43: {  	_ =	shalt  }
0x44: {  	_ =	shalt  }
0x45: {  	_ =	shalt  }
0x46: {  	_ =	shalt  }
0x47: {  	_ =	shalt  }
0x48: {  	_ =	shalt  }
0x49: {  	_ =	shalt  }
0x4a: {  	_ =	shalt  }
0x4b: {  	_ =	shalt  }
0x4c: {  	_ =	shalt  }
0x4d: {  	_ =	shalt  }
0x4e: {  	_ =	shalt  }
0x4f: {  	_ =	shalt  }
0x50: {  	_ =	shalt  }
0x51: {  	_ =	shalt  }
0x52: {  	_ =	shalt  }
0x53: {  	_ =	shalt  }
0x54: {  	_ =	shalt  }
0x55: {  	_ =	shalt  }
0x56: {  	_ =	shalt  }
0x57: {  	_ =	shalt  }
0x58: {  	_ =	shalt  }
0x59: {  	_ =	shalt  }
0x5a: {  	_ =	shalt  }
0x5b: {  	_ =	shalt  }
0x5c: {  	_ =	shalt  }
0x5d: {  	_ =	shalt  }
0x5e: {  	_ =	shalt  }
0x5f: {  	_ =	shalt  }
0x60: {  	_ =	shalt  }
0x61: {  	_ =	shalt  }
0x62: {  	_ =	shalt  }
0x63: {  	_ =	shalt  }
0x64: {  	_ =	shalt  }
0x65: {  	_ =	shalt  }
0x66: {  	_ =	shalt  }
0x67: {  	_ =	shalt  }
0x68: {  	_ =	shalt  }
0x69: {  	_ =	shalt  }
0x6a: {  	_ =	shalt  }
0x6b: {  	_ =	shalt  }
0x6c: {  	_ =	shalt  }
0x6d: {  	_ =	shalt  }
0x6e: {  	_ =	shalt  }
0x6f: {  	_ =	shalt  }
0x70: {  	_ =	shalt  }
0x71: {  	_ =	shalt  }
0x72: {  	_ =	shalt  }
0x73: {  	_ =	shalt  }
0x74: {  	_ =	shalt  }
0x75: {  	_ =	shalt  }
0x76: {  	_ =	shalt  }
0x77: {  	_ =	shalt  }
0x78: {  	_ =	shalt  }
0x79: {  	_ =	shalt  }
0x7a: {  	_ =	shalt  }
0x7b: {  	_ =	shalt  }
0x7c: {  	_ =	shalt  }
0x7d: {  	_ =	shalt  }
0x7e: {  	_ =	shalt  }
0x7f: {  	_ =	shalt  }
0x80: {  	_ =	shalt  }
0x81: {  	_ =	shalt  }
0x82: {  	_ =	shalt  }
0x83: {  	_ =	shalt  }
0x84: {  	_ =	shalt  }
0x85: {  	_ =	shalt  }
0x86: {  	_ =	shalt  }
0x87: {  	_ =	shalt  }
.Lfunc_end0:
.L_simem_size_0:
called_computation_lowered:
.L_overlay_start_0:
0x88: {  	s2 =	sld [smem:$0x3FD9]  }
0x89: {  	s3 =	sld [smem:$0x3FFE];
	_ =	sdelay $0x1  }
0x8a: {  	s1 =	srdreg.scid  }
0x8b: {  	s0 =	sand.u32 $0x1, s1  }
0x8c: {  	s17 =	sshll.u32 s0, $0xA;
	s2 =	sadd.s32 s3, s2  }
0x8d: {  	s2 =	sadd.s32 s2, s17  }
0x8e: {  	[smem:$0x3FC7] =	sst s2  }
0x8f: {  	_ = 	snop  }
0x90: {  	s2 =	sld [smem:$0x3FC9];
	(tm) =	ssettm $0x1  }
0x91: {  	s18 =	sld [smem:$0x3FFB];
	_ =	sdelay $0x3  }
0x92: {  	_ =	strace s18  }
0x93: {  	s3 =	sld [smem:$0x3FFC];
	_ =	sdelay $0x3  }
0x94: {  	_ =	strace s3  }
0x95: {  	s3 =	sld [smem:$0x3FFD];
	_ =	sdelay $0x3  }
0x96: {  	_ =	strace s3  }
0x97: {  	_ =	strace $0x8FFFFFFF  }
0x98: {  	s19 =	sld [smem:$0x3FDB];
	_ =	sdelay $0x1  }
0x99: {  	s4 =	simm.s32 $_scs_section_size  }
0x9a: {  	s5 =	simm.s32 $_size__tile_overlayer_lowered;
	s6 =	simm.s32 $_tile_overlayer_lowered  }
0x9b: {  	s22 =	simm.s32 $0x1BFF;
	s21 =	sshll.u32 s6, $0x1;
	s3 =	sadd.s32 s4, s19  }
0x9c: {  	s7 =	simm.s32 $0x0;
	s20 =	sshll.u32 s5, $0x1;
	s5 =	sadd.s32 s21, s3  }
0x9d: {  	[timem:s7], [sflag:s22] =	dma.local [hbm:s5], s20  }
0x9e: {  	_ =	swait.ge [sflag:s22], s20  }
0x9f: {  	s4 =	ssub.s32 $0x0, s20;
	[sflag:s22] =	ssyncset.done $0x0  }
0xa0: {  	[sflag:s22] =	ssyncadd.s32 s4;
	_ =	sdelay $0x1  }
0xa1: {  	s23 =	simm.s32 $0x1B8B  }
0xa2: {  	_ =	swait.ge [sflag:s23], $0x1  }
0xa3: {  	[sflag:s23] =	ssyncset.done $0x0  }
0xa4: {  	s25 =	simm.s32 $0x1B8E;
	s24 =	sld [smem:$0x3FFE];
	[sflag:s23] =	ssyncadd.s32 $0xFFFFFFFF  }
0xa5: {  	s26 =	simm.s32 $execute0_lowered;
	[smem:$0x3FD2] =	sst s25  }
0xa6: {  	s5 =	sshll.u32 s26, $0x1;
	_ =	strace $0x80000046;
	[dreg:$0x1] =	wrdreg $0xFFFFFFFF  }
0xa7: {  	s28 =	simm.s32 $_size_execute0_lowered;
	s3 =	sadd.s32 s3, s5;
	[dreg:$0x0] =	wrdreg $0x0  }
0xa8: {  	s5 =	sshll.u32 s28, $0x1;
	[dreg:$0x2] =	wrdreg s3  }
0xa9: {  	[dreg:$0x3] =	wrdreg s5  }
0xaa: {  	[dreg:$0x4] =	wrdreg $0xC0  }
0xab: {  	_ =	task [dreg:s7], $0x5FFFF  }
0xac: {  	[dreg:$0x1] =	wrdreg $0xFFFFFFFF  }
0xad: {  	[dreg:$0x0] =	wrdreg $0x60  }
0xae: {  	[dreg:$0x2] =	wrdreg s2  }
0xaf: {  	[dreg:$0x3] =	wrdreg s24  }
0xb0: {  	[dreg:$0x4] =	wrdreg $0x9  }
0xb1: {  	_ =	task.clear_ibuf [dreg:s7], $0x5FFFF;
	_ =	strace $0x90000046  }
0xb2: {  	s29 =	simm.s32 $0x9;
	_ =	strace $0x80000048  }
0xb3: {  	_ =	swait.ge [sflag:s29], $0x1  }
0xb4: {  	[sflag:s29] =	ssyncadd.s32 $0xFFFFFFFF  }
0xb5: {  	_ =	strace $0x90000048  }
0xb6: {  	_ =	sfence  }
0xb7: {  	s30 =	sld [smem:$0x0];
	_ =	sdelay $0x2  }
0xb8: {  	s31 =	sshll.u32 s1, $0xD;
	s1 =	sshrl.u32 s1, $0x2  }
0xb9: {  	s3 =	sand.u32 $0x4000, s31;
	s1 =	sadd.s32 s1, s30  }
0xba: {  	s0 =	sor.u32 s3, s0;
	s1 =	sshll.u32 s1, $0x11  }
0xbb: {  	s0 =	sor.u32 s1, s0  }
0xbc: {  	s0 =	sadd.s32 $0x8F2B, s0  }
0xbd: {  	[sflag:s0] =	ssyncadd.remote.s32 $0x1  }
0xbe: {  	_ =	sfence.sel $0xFFFF  }
0xbf: {  	[dreg:$0x0] =	wrdreg $0xFFFFFFFF;
	(pc) =	sbr.abs _section_cstart, $3  }
0xc0: {  	[dreg:$0x1] =	wrdreg $0xFFFFFFFF  }
0xc1: {  	_ =	task.clear_ibuf [dreg:s7], $0x2FFFF;
	_ =	strace $0x9FFFFFFF  }
0xc2: {  	(tm) =	ssettm $0x7FFFFFFF  }
0xc3: {  	_ =	shalt  }
tec
execute0_lowered:
.L_overlay_start_1:
0x0: {  	(tag) =	ssettag $0x1  }
0x1: {  	s0 =	rddreg [dreg:$0x0]  }
0x2: {  	s1 =	rddreg [dreg:$0x1];
	s2 =	srdreg.scid;
	s3 =	simm.s32 $0x0  }
0x3: {  	s5 =	stileid.u32;
	s2 =	sand.u32 $0x1, s2;
	[smem:$0x7FF] =	sst s3  }
0x4: {  	s5 =	sshll.u32 s5, $0x1;
	s1 =	sadd.s32 $0x400, s1;
	s0 =	sadd.s32 $0x330000, s0  }
0x5: {  	s29 =	ssub.s32 $0x2, s2;
	_ =	strace $0x80000047;
	s2 =	sor.u32 s2, s5  }
0x6: {  	[dreg:$0x3] =	wrdreg s1;
	s4 =	sshrl.u32 s29, $0x1;
	s2 =	smul.u32 $0x6800, s2  }
0x7: {  	[dreg:$0x5] =	wrdreg s0;
	s30 =	ssub.s32 s29, s4  }
0x8: {  	s8 =	simm.s32 $0x5080;
	[dreg:$0x4] =	wrdreg s2;
	s31 =	smax.u32 s30, $0x1  }
0x9: {  	v0 =	vimm.s32 $0x0;
	v1 =	vlaneseq.u32;
	v2 =	vimm.s32 $0x1;
	s1 =	simm.s32 $0x0;
	s2 =	simm.s32 $0x1;
	[dreg:$0x6] =	wrdreg s31  }
.LBB2_1:
0xa: {  	[dreg:$0x7] =	wrdreg s1;
	s0 =	simm.s32 $0x0  }
.LBB2_2:
0xb: {  	[dreg:$0x8] =	wrdreg s0  }
0xc: {  	s30 =	sshll.u32 s0, $0xB;
	s1 =	rddreg [dreg:$0x4]  }
0xd: {  	s31 =	rddreg [dreg:$0x5];
	s1 =	sadd.s32 s1, s30  }
0xe: {  	[dreg:$0x9] =	wrdreg s1;
	s0 =	sadd.s32 s1, s31;
	s1 =	simm.s32 $0x0  }
0xf: {  	[tilespmem:s1], [sflag:$0x1] =	stream.linear.gather [hbm4b:s0+s1], $0x4000, $0x38;
	[tilespmem:$0x5280] =	vst v63  }
0x10: {  	_ =	swait.ge [sflag:s2], $0x4000  }
0x11: {  	[sflag:s2] =	ssyncset.done $0x0  }
0x12: {  	[sflag:s2] =	ssyncadd.s32 $0xFFFFC000  }
.LBB2_3:
0x13: {  	[tilespmem:$0x5080] =	vst v0  }
0x14: {  	[tilespmem:$0x5090] =	vst v0  }
0x15: {  	[tilespmem:$0x50A0] =	vst v0  }
0x16: {  	[tilespmem:$0x50B0] =	vst v0  }
0x17: {  	[tilespmem:$0x50C0] =	vst v0  }
0x18: {  	[tilespmem:$0x50D0] =	vst v0  }
0x19: {  	[tilespmem:$0x50E0] =	vst v0  }
0x1a: {  	[tilespmem:$0x50F0] =	vst v0  }
0x1b: {  	[tilespmem:$0x5100] =	vst v0  }
0x1c: {  	[tilespmem:$0x5110] =	vst v0  }
0x1d: {  	[tilespmem:$0x5120] =	vst v0  }
0x1e: {  	[tilespmem:$0x5130] =	vst v0  }
0x1f: {  	[tilespmem:$0x5140] =	vst v0  }
0x20: {  	[tilespmem:$0x5150] =	vst v0  }
0x21: {  	[tilespmem:$0x5160] =	vst v0  }
0x22: {  	[tilespmem:$0x5170] =	vst v0  }
0x23: {  	[tilespmem:$0x5180] =	vst v0  }
0x24: {  	[tilespmem:$0x5190] =	vst v0  }
0x25: {  	[tilespmem:$0x51A0] =	vst v0  }
0x26: {  	[tilespmem:$0x51B0] =	vst v0  }
0x27: {  	[tilespmem:$0x51C0] =	vst v0  }
0x28: {  	[tilespmem:$0x51D0] =	vst v0  }
0x29: {  	[tilespmem:$0x51E0] =	vst v0  }
0x2a: {  	[tilespmem:$0x51F0] =	vst v0  }
0x2b: {  	[tilespmem:$0x5200] =	vst v0  }
0x2c: {  	[tilespmem:$0x5210] =	vst v0  }
0x2d: {  	[tilespmem:$0x5220] =	vst v0  }
0x2e: {  	[tilespmem:$0x5230] =	vst v0  }
0x2f: {  	[tilespmem:$0x5240] =	vst v0  }
0x30: {  	[tilespmem:$0x5250] =	vst v0;
	[dreg:$0xa] =	wrdreg s1;
	s0 =	sshll.u32 s1, $0x7  }
0x31: {  	[tilespmem:$0x5260] =	vst v0;
	s1 =	simm.s32 $0xFFFFFFFC;
	s2 =	simm.s32 $0x4000;
	s3 =	simm.s32 $0x0  }
0x32: {  	[tilespmem:$0x5270] =	vst v0;
	s4 =	simm.s32 $0x0;
	[smem:$0x7FD] =	sst s0;
	s0 =	sand.u32 $0x3FFFFF80, s0  }
.LBB2_4:
0x33: {  	s5 =	sand.u32 $0xF000, s4  }
0x34: {  	s5 =	sshrl.u32 s5, $0x2  }
0x35: {  	s6 =	sand.u32 $0x40, s3;
	s5 =	sadd.s32 s5, s0  }
0x36: {  	s7 =	sadd.s32 s6, s5  }
0x37: {  	v3 =	vld [tilespmem:s7+$0x0];
	_ =	sdelay $0x4  }
0x38: {  	vm0 =	vlt.s32 v3, $0x0;
	v4 =	vxor.u32 $0xFFFFFFFF, v3;
	v3 =	vor.u32 $0x80000000, v3  }
0x39: {  	v3 =	vsel vm0, v4, v3  }
0x3a: {  	v4 =	vshrl.u32 v3, $0x17  }
0x3b: {  	v4 =	vand.u32 $0x1F0, v4  }
0x3c: {  	v4 =	vor.u32 v1, v4;
	_ =	sdelay $0x3  }
0x3d: {  	s28 =	sor.u32 $0x10, s6;
	[tilespmem:s2+$0x0] =	vst v3  }
0x3e: {  	s9 =	sadd.s32 s28, s5;
	[tilespmem:v4+s8+$0x0] =	vst.idx.add.s32.msk $0xffff, v2  }
0x3f: {  	v3 =	vld [tilespmem:s9+$0x0];
	_ =	sdelay $0x4  }
0x40: {  	vm13 =	vlt.s32 v3, $0x0;
	v61 =	vxor.u32 $0xFFFFFFFF, v3;
	v3 =	vor.u32 $0x80000000, v3  }
0x41: {  	v3 =	vsel vm13, v61, v3  }
0x42: {  	v4 =	vshrl.u32 v3, $0x17  }
0x43: {  	v4 =	vand.u32 $0x1F0, v4  }
0x44: {  	v4 =	vor.u32 v1, v4  }
0x45: {  	s29 =	sand.u32 $0x780, s3  }
0x46: {  	s9 =	sor.u32 $0x4000, s29  }
0x47: {  	s7 =	sor.u32 s28, s9  }
0x48: {  	s30 =	sor.u32 $0x20, s6;
	[tilespmem:s7+$0x0] =	vst v3  }
0x49: {  	s10 =	sadd.s32 s30, s5;
	[tilespmem:v4+s8+$0x0] =	vst.idx.add.s32.msk $0xffff, v2  }
0x4a: {  	v3 =	vld [tilespmem:s10+$0x0];
	_ =	sdelay $0x4  }
0x4b: {  	vm14 =	vlt.s32 v3, $0x0;
	v62 =	vxor.u32 $0xFFFFFFFF, v3;
	v3 =	vor.u32 $0x80000000, v3  }
0x4c: {  	v3 =	vsel vm14, v62, v3  }
0x4d: {  	v4 =	vshrl.u32 v3, $0x17  }
0x4e: {  	v4 =	vand.u32 $0x1F0, v4  }
0x4f: {  	v4 =	vor.u32 v1, v4;
	_ =	sdelay $0x2  }
0x50: {  	s7 =	sor.u32 s30, s9  }
0x51: {  	s6 =	sor.u32 $0x30, s6;
	[tilespmem:s7+$0x0] =	vst v3  }
0x52: {  	s5 =	sadd.s32 s6, s5;
	[tilespmem:v4+s8+$0x0] =	vst.idx.add.s32.msk $0xffff, v2  }
0x53: {  	v3 =	vld [tilespmem:s5+$0x0];
	_ =	sdelay $0x4  }
0x54: {  	vm15 =	vlt.s32 v3, $0x0;
	v63 =	vxor.u32 $0xFFFFFFFF, v3;
	v3 =	vor.u32 $0x80000000, v3  }
0x55: {  	v3 =	vsel vm15, v63, v3  }
0x56: {  	v4 =	vshrl.u32 v3, $0x17  }
0x57: {  	s1 =	sadd.s32 $0x4, s1;
	v4 =	vand.u32 $0x1F0, v4  }
0x58: {  	p0 =	slt.u32 s1, $0x7C;
	v4 =	vor.u32 v1, v4  }
.Ltmp0:
0x59: {  	_ = 	snop;
	(pc) =	sbr.rel @p0 .LBB2_4-.Ltmp0, $4  }
0x5a: {  	_ = 	snop  }
0x5b: {  	s31 =	sor.u32 s6, s9  }
0x5c: {  	[tilespmem:s31+$0x0] =	vst v3  }
0x5d: {  	s4 =	sadd.s32 $0x800, s4;
	s3 =	sadd.s32 $0x40, s3;
	s2 =	sadd.s32 $0x40, s2;
	[tilespmem:v4+s8+$0x0] =	vst.idx.add.s32.msk $0xffff, v2  }
0x5e: {  	v3 =	vld [tilespmem:$0x5270]  }
0x5f: {  	v4 =	vld [tilespmem:$0x5260]  }
0x60: {  	v5 =	vld [tilespmem:$0x5250]  }
0x61: {  	v6 =	vld [tilespmem:$0x5240]  }
0x62: {  	v7 =	vld [tilespmem:$0x5230]  }
0x63: {  	(xrf0) =	vadd.scan.msk.s32 $0xffff, v3;
	v3 =	vld [tilespmem:$0x5220]  }
0x64: {  	(xrf0) =	vadd.scan.msk.s32 $0xffff, v4  }
0x65: {  	v4 =	vld [tilespmem:$0x5210];
	(xrf0) =	vadd.scan.msk.s32 $0xffff, v5  }
0x66: {  	v5 =	vld [tilespmem:$0x5200];
	(xrf0) =	vadd.scan.msk.s32 $0xffff, v6  }
0x67: {  	v6 =	vld [tilespmem:$0x51F0];
	(xrf0) =	vadd.scan.msk.s32 $0xffff, v7  }
0x68: {  	(xrf0) =	vadd.scan.msk.s32 $0xffff, v3  }
0x69: {  	v7 =	vld [tilespmem:$0x51E0];
	v8, _, _ =	vpop (xrf0)  }
0x6a: {  	(xrf0) =	vadd.scan.msk.s32 $0xffff, v4;
	(v2sf) =	vpush v8, $0xF;
	v43, _, _ =	vpop (xrf0)  }
0x6b: {  	(xrf0) =	vadd.scan.msk.s32 $0xffff, v5;
	(v2sf) =	vpush v43, $0xF;
	v44, _, _ =	vpop (xrf0)  }
0x6c: {  	v3 =	vld [tilespmem:$0x51D0];
	(xrf0) =	vadd.scan.msk.s32 $0xffff, v6;
	(v2sf) =	vpush v44, $0xF;
	v45, _, _ =	vpop (xrf0)  }
0x6d: {  	v4 =	vld [tilespmem:$0x51C0];
	(v2sf) =	vpush v45, $0xF;
	v46, _, _ =	vpop (xrf0)  }
0x6e: {  	v5 =	vld [tilespmem:$0x51B0];
	(xrf0) =	vadd.scan.msk.s32 $0xffff, v7;
	(v2sf) =	vpush v46, $0xF;
	v47, _, _ =	vpop (xrf0)  }
0x6f: {  	v6 =	vld [tilespmem:$0x51A0];
	(v2sf) =	vpush v47, $0xF  }
0x70: {  	v48, _, _ =	vpop (xrf0)  }
0x71: {  	(xrf0) =	vadd.scan.msk.s32 $0xffff, v3;
	(v2sf) =	vpush v48, $0xF;
	v49, _, _ =	vpop (xrf0)  }
0x72: {  	v7 =	vld [tilespmem:$0x5190];
	(xrf0) =	vadd.scan.msk.s32 $0xffff, v4;
	(v2sf) =	vpush v49, $0xF;
	v50, _, _ =	vpop (xrf0)  }
0x73: {  	(xrf0) =	vadd.scan.msk.s32 $0xffff, v5;
	(v2sf) =	vpush v50, $0xF  }
0x74: {  	v3 =	vld [tilespmem:$0x5180];
	(xrf0) =	vadd.scan.msk.s32 $0xffff, v6;
	v51, _, _ =	vpop (xrf0)  }
0x75: {  	v4 =	vld [tilespmem:$0x5170];
	(v2sf) =	vpush v51, $0xF  }
0x76: {  	v5 =	vld [tilespmem:$0x5160]  }
0x77: {  	v6 =	vld [tilespmem:$0x5150];
	(xrf0) =	vadd.scan.msk.s32 $0xffff, v7;
	v52, _, _ =	vpop (xrf0)  }
0x78: {  	v7 =	vld [tilespmem:$0x5140];
	(v2sf) =	vpush v52, $0xF;
	v53, _, _ =	vpop (xrf0)  }
0x79: {  	(xrf0) =	vadd.scan.msk.s32 $0xffff, v3;
	v3 =	vld [tilespmem:$0x5130];
	(v2sf) =	vpush v53, $0xF;
	v54, _, _ =	vpop (xrf0);
	s14 =	spop (v2sf)  }
0x7a: {  	(xrf0) =	vadd.scan.msk.s32 $0xffff, v4;
	v4 =	vld [tilespmem:$0x5120];
	(v2sf) =	vpush v54, $0xF;
	v55, _, _ =	vpop (xrf0);
	s0 =	spop (v2sf)  }
0x7b: {  	(xrf0) =	vadd.scan.msk.s32 $0xffff, v5;
	v5 =	vld [tilespmem:$0x5110];
	(v2sf) =	vpush v55, $0xF;
	[dreg:$0xb] =	wrdreg s0;
	s1 =	spop (v2sf)  }
0x7c: {  	(xrf0) =	vadd.scan.msk.s32 $0xffff, v6;
	v6 =	vld [tilespmem:$0x5100];
	s24 =	sadd.s32 s14, s0;
	[dreg:$0xd] =	wrdreg s1;
	s2 =	spop (v2sf)  }
0x7d: {  	(xrf0) =	vadd.scan.msk.s32 $0xffff, v7;
	v7 =	vld [tilespmem:$0x50F0];
	v56, _, _ =	vpop (xrf0);
	s26 =	sadd.s32 s1, s24;
	[dreg:$0xf] =	wrdreg s2;
	s3 =	spop (v2sf)  }
0x7e: {  	(xrf0) =	vadd.scan.msk.s32 $0xffff, v3;
	v3 =	vld [tilespmem:$0x50E0];
	(v2sf) =	vpush v56, $0xF;
	s29 =	sadd.s32 s2, s26;
	[dreg:$0x11] =	wrdreg s3;
	s4 =	spop (v2sf)  }
0x7f: {  	v57, _, _ =	vpop (xrf0);
	(xrf0) =	vadd.scan.msk.s32 $0xffff, v4;
	v4 =	vld [tilespmem:$0x50D0];
	s31 =	sadd.s32 s3, s29;
	[dreg:$0x13] =	wrdreg s4  }
0x80: {  	(v2sf) =	vpush v57, $0xF;
	v58, _, _ =	vpop (xrf0);
	(xrf0) =	vadd.scan.msk.s32 $0xffff, v5;
	v5 =	vld [tilespmem:$0x50C0];
	s5 =	spop (v2sf);
	[dreg:$0x12] =	wrdreg s31  }
0x81: {  	(v2sf) =	vpush v58, $0xF;
	v59, _, _ =	vpop (xrf0);
	(xrf0) =	vadd.scan.msk.s32 $0xffff, v6;
	v6 =	vld [tilespmem:$0x50B0];
	s22 =	sadd.s32 s4, s31;
	[dreg:$0x14] =	wrdreg s5;
	s6 =	spop (v2sf)  }
0x82: {  	(v2sf) =	vpush v59, $0xF;
	v60, _, _ =	vpop (xrf0);
	(xrf0) =	vadd.scan.msk.s32 $0xffff, v7;
	v7 =	vld [tilespmem:$0x50A0];
	s9 =	sadd.s32 s5, s22;
	[dreg:$0x16] =	wrdreg s6;
	s7 =	spop (v2sf)  }
0x83: {  	(v2sf) =	vpush v60, $0xF;
	v61, _, _ =	vpop (xrf0);
	(xrf0) =	vadd.scan.msk.s32 $0xffff, v3;
	v3 =	vld [tilespmem:$0x5090];
	s3 =	sadd.s32 s6, s9;
	[dreg:$0x18] =	wrdreg s7  }
0x84: {  	(v2sf) =	vpush v61, $0xF;
	v62, _, _ =	vpop (xrf0);
	(xrf0) =	vadd.scan.msk.s32 $0xffff, v4;
	v4 =	vld [tilespmem:$0x5080];
	s10 =	spop (v2sf);
	[dreg:$0x17] =	wrdreg s3  }
0x85: {  	(v2sf) =	vpush v62, $0xF;
	v63, _, _ =	vpop (xrf0);
	(xrf0) =	vadd.scan.msk.s32 $0xffff, v5;
	s5 =	sadd.s32 s7, s3;
	[dreg:$0x1a] =	wrdreg s10  }
0x86: {  	(v2sf) =	vpush v63, $0xF;
	v5, _, _ =	vpop (xrf0);
	(xrf0) =	vadd.scan.msk.s32 $0xffff, v6;
	s1 =	sadd.s32 s10, s5;
	[dreg:$0x19] =	wrdreg s5  }
0x87: {  	p3 =	sgt.s32 s14, $0x2CB;
	(v2sf) =	vpush v5, $0xF;
	v5, _, _ =	vpop (xrf0);
	(xrf0) =	vadd.scan.msk.s32 $0xffff, v7;
	s11 =	spop (v2sf);
	[smem:$0x7E2] =	sst s1  }
0x88: {  	p0 =	slt.s32 s14, $0x2CC;
	(v2sf) =	vpush v5, $0xF;
	v5, _, _ =	vpop (xrf0);
	(xrf0) =	vadd.scan.msk.s32 $0xffff, v3;
	[dreg:$0x1b] =	wrdreg s11;
	s12 =	spop (v2sf)  }
0x89: {  	(v2sf) =	vpush v5, $0xF;
	v3, _, _ =	vpop (xrf0);
	(xrf0) =	vadd.scan.msk.s32 $0xffff, v4;
	s11 =	sadd.s32 s11, s1;
	[dreg:$0x1c] =	wrdreg s12;
	s13 =	spop (v2sf)  }
0x8a: {  	v4, _, _ =	vpop (xrf0);
	(v2sf) =	vpush v3, $0xF;
	s12 =	sadd.s32 s12, s11;
	[dreg:$0x1d] =	wrdreg s13;
	s15 =	spop (v2sf)  }
0x8b: {  	p1 =	sgt.s32 s24, $0x2CB;
	v3, _, _ =	vpop (xrf0);
	(v2sf) =	vpush v4, $0xF;
	s4 =	sadd.s32 s13, s12;
	[dreg:$0x1f] =	wrdreg s15  }
0x8c: {  	p0 =	por !p0, !p1;
	v4, _, _ =	vpop (xrf0);
	(v2sf) =	vpush v3, $0xF;
	s16 =	sadd.s32 s15, s4;
	[dreg:$0x1e] =	wrdreg s4  }
0x8d: {  	p1 =	slt.s32 s24, $0x2CC;
	v3, _, _ =	vpop (xrf0);
	(v2sf) =	vpush v4, $0xF;
	s17 =	spop (v2sf);
	[smem:$0x7E8] =	sst s16  }
0x8e: {  	p4 =	slt.s32 s26, $0x2CC;
	v4, _, _ =	vpop (xrf0);
	(v2sf) =	vpush v3, $0xF;
	[smem:$0x7CA] =	sst s17;
	s2 =	sadd.s32 s17, s16  }
0x8f: {  	p0 =	por !p0, !p0;
	(v2sf) =	vpush v4, $0xF;
	v3, _, _ =	vpop (xrf0);
	s18 =	spop (v2sf);
	[smem:$0x7E9] =	sst s2  }
0x90: {  	(v2sf) =	vpush v3, $0xF;
	s19 =	spop (v2sf);
	[smem:$0x7CB] =	sst s18;
	s7 =	sadd.s32 s18, s2  }
0x91: {  	s20 =	spop (v2sf);
	[smem:$0x7CC] =	sst s19;
	s10 =	sadd.s32 s19, s7  }
0x92: {  	s21 =	spop (v2sf);
	[smem:$0x7CD] =	sst s20;
	s15 =	sadd.s32 s20, s10  }
0x93: {  	s23 =	spop (v2sf);
	[smem:$0x7CE] =	sst s21;
	s17 =	sadd.s32 s21, s15  }
0x94: {  	s25 =	spop (v2sf);
	[smem:$0x7CF] =	sst s23;
	s19 =	sadd.s32 s23, s17  }
0x95: {  	s2 =	spop (v2sf);
	[smem:$0x7D0] =	sst s25;
	s21 =	sadd.s32 s25, s19  }
0x96: {  	s6 =	spop (v2sf);
	[smem:$0x7D1] =	sst s2;
	s23 =	sadd.s32 s2, s21  }
0x97: {  	s13 =	spop (v2sf);
	[smem:$0x7D2] =	sst s6;
	s25 =	sadd.s32 s6, s23  }
0x98: {  	s16 =	spop (v2sf);
	[smem:$0x7D3] =	sst s13;
	s28 =	sadd.s32 s13, s25  }
0x99: {  	s18 =	spop (v2sf);
	[smem:$0x7D4] =	sst s16;
	s30 =	sadd.s32 s16, s28  }
0x9a: {  	s20 =	spop (v2sf);
	[smem:$0x7D5] =	sst s18;
	s18 =	sadd.s32 s18, s30  }
0x9b: {  	s2 =	spop (v2sf);
	[smem:$0x7D6] =	sst s20;
	s20 =	sadd.s32 s20, s18  }
0x9c: {  	s6 =	spop (v2sf);
	[smem:$0x7D7] =	sst s2;
	s2 =	sadd.s32 s2, s20  }
0x9d: {  	s16 =	spop (v2sf);
	[smem:$0x7D8] =	sst s6;
	s0 =	sadd.s32 s6, s2  }
0x9e: {  	s13 =	spop (v2sf);
	[smem:$0x7D9] =	sst s16;
	s6 =	sadd.s32 s16, s0  }
0x9f: {  	[smem:$0x7DA] =	sst s13;
	s13 =	sadd.s32 s13, s6;
	s1 =	spop (v2sf)  }
0xa0: {  	p5 =	sgt.s32 s29, $0x2CB;
	[smem:$0x7DB] =	sst s1;
	s1 =	sadd.s32 s1, s13  }
0xa1: {  	s16 =	simm.s32 $0x1F;
	p2 =	sgt.s32 s1, $0x2CB;
	s1 =	simm.s32 @!p3 $0x0  }
0xa2: {  	[smem:$0x7FA] =	sst s0;
	s16 =	simm.s32 @!p3 $0x0;
	s1 =	simm.s32 @p3 $0x1  }
0xa3: {  	p3 =	sgt.s32 s26, $0x2CB;
	[smem:$0x7DC] =	sst s1;
	s1 =	simm.s32 @!p0 $0x0  }
0xa4: {  	s16 =	simm.s32 @p0 $0x1E;
	s1 =	simm.s32 @p0 $0x1;
	p0 =	por !p1, !p3  }
0xa5: {  	p1 =	slt.s32 s29, $0x2CC;
	p3 =	sgt.s32 s31, $0x2CB;
	[smem:$0x7DD] =	sst s1  }
0xa6: {  	p6 =	por !p0, !p0;
	p0 =	por !p4, !p5;
	p4 =	slt.s32 s31, $0x2CC  }
0xa7: {  	p5 =	sgt.s32 s22, $0x2CB;
	p1 =	por !p1, !p3;
	s31 =	sld [smem:$0x7E9]  }
0xa8: {  	p3 =	por !p4, !p5;
	s1 =	simm.s32 @!p6 $0x0;
	s16 =	simm.s32 @p6 $0x1D  }
0xa9: {  	p5 =	por !p0, !p0;
	p4 =	slt.s32 s22, $0x2CC;
	p1 =	por !p1, !p1  }
0xaa: {  	s1 =	simm.s32 @p6 $0x1;
	p6 =	sgt.s32 s9, $0x2CB;
	s16 =	simm.s32 @p5 $0x1C  }
0xab: {  	[smem:$0x7DE] =	sst s1;
	p0 =	por !p4, !p6;
	s1 =	simm.s32 @!p5 $0x0  }
0xac: {  	s16 =	simm.s32 @p1 $0x1B;
	p6 =	por !p3, !p3;
	s1 =	simm.s32 @p5 $0x1  }
0xad: {  	p3 =	sgt.s32 s3, $0x2CB;
	[smem:$0x7DF] =	sst s1;
	s1 =	simm.s32 @!p1 $0x0  }
0xae: {  	p4 =	slt.s32 s3, $0x2CC;
	p5 =	sgt.s32 s5, $0x2CB;
	s1 =	simm.s32 @p1 $0x1  }
0xaf: {  	s16 =	simm.s32 @p6 $0x1A;
	p1 =	slt.s32 s9, $0x2CC;
	[smem:$0x7E0] =	sst s1  }
0xb0: {  	p1 =	por !p1, !p3;
	p3 =	por !p4, !p5;
	s1 =	simm.s32 @!p6 $0x0  }
0xb1: {  	p5 =	por !p0, !p0;
	p4 =	slt.s32 s5, $0x2CC;
	s5 =	sld [smem:$0x7E2]  }
0xb2: {  	s1 =	simm.s32 @p6 $0x1;
	s16 =	simm.s32 @p5 $0x19;
	p1 =	por !p1, !p1  }
0xb3: {  	[smem:$0x7E1] =	sst s1;
	s1 =	simm.s32 @!p5 $0x0;
	s16 =	simm.s32 @p1 $0x18  }
0xb4: {  	p6 =	sgt.s32 s5, $0x2CB;
	s1 =	simm.s32 @p5 $0x1;
	p5 =	sgt.s32 s12, $0x2CB  }
0xb5: {  	p0 =	por !p4, !p6;
	[smem:$0x7E3] =	sst s1;
	s1 =	simm.s32 @!p1 $0x0  }
0xb6: {  	p6 =	por !p3, !p3;
	p3 =	sgt.s32 s11, $0x2CB;
	p4 =	slt.s32 s11, $0x2CC  }
0xb7: {  	s1 =	simm.s32 @p1 $0x1;
	p1 =	slt.s32 s5, $0x2CC;
	s16 =	simm.s32 @p6 $0x17  }
0xb8: {  	[smem:$0x7E4] =	sst s1;
	p1 =	por !p1, !p3;
	p3 =	por !p4, !p5  }
0xb9: {  	s1 =	simm.s32 @!p6 $0x0;
	p5 =	por !p0, !p0;
	p4 =	slt.s32 s12, $0x2CC  }
0xba: {  	s1 =	simm.s32 @p6 $0x1;
	p6 =	sgt.s32 s4, $0x2CB;
	s16 =	simm.s32 @p5 $0x16  }
0xbb: {  	p1 =	por !p1, !p1;
	[smem:$0x7E5] =	sst s1;
	s1 =	simm.s32 @!p5 $0x0  }
0xbc: {  	p0 =	por !p4, !p6;
	s16 =	simm.s32 @p1 $0x15;
	s1 =	simm.s32 @p5 $0x1  }
0xbd: {  	p6 =	por !p3, !p3;
	[smem:$0x7E6] =	sst s1;
	s1 =	simm.s32 @!p1 $0x0  }
0xbe: {  	s1 =	simm.s32 @p1 $0x1;
	p1 =	slt.s32 s4, $0x2CC;
	s4 =	sld [smem:$0x7E8]  }
0xbf: {  	s3 =	simm.s32 $0x4020;
	[smem:$0x7E7] =	sst s1;
	s1 =	simm.s32 @!p6 $0x0  }
0xc0: {  	p5 =	sgt.s32 s31, $0x2CB;
	s16 =	simm.s32 @p6 $0x14;
	s1 =	simm.s32 @p6 $0x1  }
0xc1: {  	p6 =	sgt.s32 s7, $0x2CB;
	p3 =	sgt.s32 s4, $0x2CB;
	p4 =	slt.s32 s4, $0x2CC  }
0xc2: {  	p1 =	por !p1, !p3;
	p3 =	por !p4, !p5;
	p4 =	slt.s32 s31, $0x2CC  }
0xc3: {  	[smem:$0x7EA] =	sst s1;
	p5 =	por !p0, !p0;
	p0 =	por !p4, !p6  }
0xc4: {  	s1 =	simm.s32 @!p5 $0x0;
	s16 =	simm.s32 @p5 $0x13;
	p1 =	por !p1, !p1  }
0xc5: {  	p6 =	por !p3, !p3;
	p3 =	sgt.s32 s10, $0x2CB;
	s1 =	simm.s32 @p5 $0x1  }
0xc6: {  	p4 =	slt.s32 s10, $0x2CC;
	[smem:$0x7EB] =	sst s1;
	s1 =	simm.s32 @!p1 $0x0  }
0xc7: {  	s16 =	simm.s32 @p1 $0x12;
	p5 =	sgt.s32 s15, $0x2CB;
	s1 =	simm.s32 @p1 $0x1  }
0xc8: {  	s16 =	simm.s32 @p6 $0x11;
	p1 =	slt.s32 s7, $0x2CC;
	[smem:$0x7EC] =	sst s1  }
0xc9: {  	p1 =	por !p1, !p3;
	p3 =	por !p4, !p5;
	s1 =	simm.s32 @!p6 $0x0  }
0xca: {  	p5 =	por !p0, !p0;
	p4 =	slt.s32 s15, $0x2CC;
	s1 =	simm.s32 @p6 $0x1  }
0xcb: {  	p6 =	sgt.s32 s17, $0x2CB;
	s16 =	simm.s32 @p5 $0x10;
	p1 =	por !p1, !p1  }
0xcc: {  	[smem:$0x7ED] =	sst s1;
	p0 =	por !p4, !p6;
	s1 =	simm.s32 @!p5 $0x0  }
0xcd: {  	s16 =	simm.s32 @p1 $0xF;
	p6 =	por !p3, !p3;
	s1 =	simm.s32 @p5 $0x1  }
0xce: {  	p3 =	sgt.s32 s19, $0x2CB;
	[smem:$0x7EE] =	sst s1;
	s1 =	simm.s32 @!p1 $0x0  }
0xcf: {  	p4 =	slt.s32 s19, $0x2CC;
	p5 =	sgt.s32 s21, $0x2CB;
	s1 =	simm.s32 @p1 $0x1  }
0xd0: {  	s16 =	simm.s32 @p6 $0xE;
	p1 =	slt.s32 s17, $0x2CC;
	[smem:$0x7EF] =	sst s1  }
0xd1: {  	p1 =	por !p1, !p3;
	p3 =	por !p4, !p5;
	s1 =	simm.s32 @!p6 $0x0  }
0xd2: {  	p5 =	por !p0, !p0;
	p4 =	slt.s32 s21, $0x2CC;
	s1 =	simm.s32 @p6 $0x1  }
0xd3: {  	p6 =	sgt.s32 s23, $0x2CB;
	s16 =	simm.s32 @p5 $0xD;
	p1 =	por !p1, !p1  }
0xd4: {  	[smem:$0x7F0] =	sst s1;
	p0 =	por !p4, !p6;
	s1 =	simm.s32 @!p5 $0x0  }
0xd5: {  	s16 =	simm.s32 @p1 $0xC;
	p6 =	por !p3, !p3;
	s1 =	simm.s32 @p5 $0x1  }
0xd6: {  	p3 =	sgt.s32 s25, $0x2CB;
	[smem:$0x7F1] =	sst s1;
	s1 =	simm.s32 @!p1 $0x0  }
0xd7: {  	p4 =	slt.s32 s25, $0x2CC;
	p5 =	sgt.s32 s28, $0x2CB;
	s1 =	simm.s32 @p1 $0x1  }
0xd8: {  	s16 =	simm.s32 @p6 $0xB;
	p1 =	slt.s32 s23, $0x2CC;
	[smem:$0x7F2] =	sst s1  }
0xd9: {  	p1 =	por !p1, !p3;
	p3 =	por !p4, !p5;
	s1 =	simm.s32 @!p6 $0x0  }
0xda: {  	p5 =	por !p0, !p0;
	p4 =	slt.s32 s28, $0x2CC;
	s1 =	simm.s32 @p6 $0x1  }
0xdb: {  	p6 =	sgt.s32 s30, $0x2CB;
	s16 =	simm.s32 @p5 $0xA;
	p1 =	por !p1, !p1  }
0xdc: {  	[smem:$0x7F3] =	sst s1;
	p0 =	por !p4, !p6;
	s1 =	simm.s32 @!p5 $0x0  }
0xdd: {  	s16 =	simm.s32 @p1 $0x9;
	p6 =	por !p3, !p3;
	s1 =	simm.s32 @p5 $0x1  }
0xde: {  	p3 =	sgt.s32 s18, $0x2CB;
	[smem:$0x7F4] =	sst s1;
	s1 =	simm.s32 @!p1 $0x0  }
0xdf: {  	p4 =	slt.s32 s18, $0x2CC;
	p5 =	sgt.s32 s20, $0x2CB;
	s1 =	simm.s32 @p1 $0x1  }
0xe0: {  	s16 =	simm.s32 @p6 $0x8;
	p1 =	slt.s32 s30, $0x2CC;
	[smem:$0x7F5] =	sst s1  }
0xe1: {  	p1 =	por !p1, !p3;
	p3 =	por !p4, !p5;
	s1 =	simm.s32 @!p6 $0x0  }
0xe2: {  	p5 =	por !p0, !p0;
	p4 =	slt.s32 s20, $0x2CC;
	s1 =	simm.s32 @p6 $0x1  }
0xe3: {  	p6 =	sgt.s32 s2, $0x2CB;
	s16 =	simm.s32 @p5 $0x7;
	p1 =	por !p1, !p1  }
0xe4: {  	[smem:$0x7F6] =	sst s1;
	p0 =	por !p4, !p6;
	s1 =	simm.s32 @!p5 $0x0  }
0xe5: {  	s16 =	simm.s32 @p1 $0x6;
	p4 =	por !p3, !p3;
	p3 =	sgt.s32 s0, $0x2CB  }
0xe6: {  	p6 =	sgt.s32 s6, $0x2CB;
	s1 =	simm.s32 @p5 $0x1;
	p5 =	slt.s32 s0, $0x2CC  }
0xe7: {  	s0 =	simm.s32 @!p4 $0x0;
	[smem:$0x7F7] =	sst s1;
	s1 =	simm.s32 @!p1 $0x0  }
0xe8: {  	s16 =	simm.s32 @p4 $0x5;
	s1 =	simm.s32 @p1 $0x1;
	p1 =	slt.s32 s2, $0x2CC  }
0xe9: {  	s0 =	simm.s32 @p4 $0x1;
	p4 =	sgt.s32 s13, $0x2CB;
	p1 =	por !p1, !p3  }
0xea: {  	p3 =	por !p5, !p6;
	p5 =	por !p0, !p0;
	p6 =	slt.s32 s6, $0x2CC  }
0xeb: {  	v4 =	vld [tilespmem:s3+$0xFFFFFFE0];
	p0 =	por !p6, !p4;
	s16 =	simm.s32 @p5 $0x4;
	p6 =	por !p1, !p1  }
0xec: {  	p1 =	por !p3, !p3;
	p4 =	slt.s32 s13, $0x2CC;
	s16 =	simm.s32 @p6 $0x3  }
0xed: {  	p3 =	por !p4, !p2;
	p2 =	por !p0, !p0;
	s16 =	simm.s32 @p1 $0x2  }
0xee: {  	p3 =	por !p3, !p3;
	s16 =	simm.s32 @p2 $0x1  }
0xef: {  	s16 =	simm.s32 @p3 $0x0  }
0xf0: {  	v5 =	vshrl.u32 v4, $0x1B;
	v3 =	vmov s16  }
0xf1: {  	[smem:$0x7F9] =	sst s2;
	s2 =	simm.s32 $0x0;
	vm0 =	veq.s32 v5, v3  }
0xf2: {  	[tilespmem:s2+$0x4800] =	vst.msk vm0, v4  }
0xf3: {  	v5 =	vld [tilespmem:s3+$0xFFFFFFF0]  }
0xf4: {  	v4 =	vsel vm0, $0x1, v0  }
0xf5: {  	(xrf0) =	vadd.scan.msk.s32 $0xffff, v4;
	_ =	sdelay $0x2  }
0xf6: {  	v4 =	vshrl.u32 v5, $0x1B;
	_ =	sdelay $0x2  }
0xf7: {  	vm13 =	veq.s32 v4, v3;
	v4, _, _ =	vpop (xrf0)  }
0xf8: {  	v6 =	vsel vm13, $0x1, v0;
	(v2sf) =	vpush v4, $0xF  }
0xf9: {  	(xrf0) =	vadd.scan.msk.s32 $0xffff, v6;
	_ =	sdelay $0x5  }
0xfa: {  	v4, _, _ =	vpop (xrf0)  }
0xfb: {  	(v2sf) =	vpush v4, $0xF;
	_ =	sdelay $0x6  }
0xfc: {  	[dreg:$0x15] =	wrdreg s9;
	s9 =	spop (v2sf)  }
0xfd: {  	[dreg:$0xc] =	wrdreg s24;
	s24 =	sadd.s32 $0x0, s9  }
0xfe: {  	[tilespmem:s24+$0x4800] =	vst.msk vm13, v5  }
0xff: {  	v4 =	vld [tilespmem:s3+$0x0];
	_ =	sdelay $0x4  }
0x100: {  	[smem:$0x7FC] =	sst s6;
	s6 =	smov.u32 s13;
	s13 =	spop (v2sf);
	v5 =	vshrl.u32 v4, $0x1B  }
0x101: {  	s24 =	sadd.s32 s24, s13;
	vm14 =	veq.s32 v5, v3  }
0x102: {  	[tilespmem:s24+$0x4800] =	vst.msk vm14, v4  }
0x103: {  	v5 =	vld [tilespmem:s3+$0x10]  }
0x104: {  	v4 =	vsel vm14, $0x1, v0  }
0x105: {  	(xrf0) =	vadd.scan.msk.s32 $0xffff, v4;
	_ =	sdelay $0x2  }
0x106: {  	v4 =	vshrl.u32 v5, $0x1B;
	_ =	sdelay $0x2  }
0x107: {  	vm15 =	veq.s32 v4, v3;
	v4, _, _ =	vpop (xrf0)  }
0x108: {  	v6 =	vsel vm15, $0x1, v0;
	(v2sf) =	vpush v4, $0xF  }
0x109: {  	(xrf0) =	vadd.scan.msk.s32 $0xffff, v6;
	_ =	sdelay $0x5  }
0x10a: {  	v4, _, _ =	vpop (xrf0)  }
0x10b: {  	(v2sf) =	vpush v4, $0xF;
	_ =	sdelay $0x6  }
0x10c: {  	[dreg:$0xe] =	wrdreg s26;
	s26 =	spop (v2sf)  }
0x10d: {  	s26 =	sadd.s32 s24, s26  }
0x10e: {  	[smem:$0x7F8] =	sst s1;
	s1 =	simm.s32 $0x4060;
	[tilespmem:s26+$0x4800] =	vst.msk vm15, v5  }
0x10f: {  	v4 =	vld [tilespmem:s1+$0xFFFFFFE0];
	_ =	sdelay $0x3  }
0x110: {  	[dreg:$0x10] =	wrdreg s29  }
0x111: {  	[smem:$0x7FB] =	sst s0;
	s24 =	simm.s32 $0x4;
	s29 =	spop (v2sf);
	v5 =	vshrl.u32 v4, $0x1B  }
.LBB2_6:
0x112: {  	s24 =	sadd.s32 $0x4, s24;
	vm0 =	veq.s32 v5, v3;
	s26 =	sadd.s32 s26, s29  }
0x113: {  	p0 =	slt.u32 s24, $0x7C;
	[tilespmem:s26+$0x4800] =	vst.msk vm0, v4;
	v4 =	vsel vm0, $0x1, v0  }
0x114: {  	v5 =	vld [tilespmem:s1+$0xFFFFFFF0];
	(xrf0) =	vadd.scan.msk.s32 $0xffff, v4;
	_ =	sdelay $0x4  }
0x115: {  	v6 =	vshrl.u32 v5, $0x1B  }
0x116: {  	vm0 =	veq.s32 v6, v3;
	v4, _, _ =	vpop (xrf0)  }
0x117: {  	v6 =	vsel vm0, $0x1, v0;
	(v2sf) =	vpush v4, $0xF  }
0x118: {  	(xrf0) =	vadd.scan.msk.s32 $0xffff, v6;
	_ =	sdelay $0x5  }
0x119: {  	v4, _, _ =	vpop (xrf0)  }
0x11a: {  	(v2sf) =	vpush v4, $0xF;
	_ =	sdelay $0x6  }
0x11b: {  	s29 =	spop (v2sf)  }
0x11c: {  	s26 =	sadd.s32 s26, s29  }
0x11d: {  	[tilespmem:s26+$0x4800] =	vst.msk vm0, v5  }
0x11e: {  	v4 =	vld [tilespmem:s1+$0x0];
	_ =	sdelay $0x4  }
0x11f: {  	v5 =	vshrl.u32 v4, $0x1B;
	s29 =	spop (v2sf)  }
0x120: {  	s26 =	sadd.s32 s26, s29;
	vm0 =	veq.s32 v5, v3  }
0x121: {  	[tilespmem:s26+$0x4800] =	vst.msk vm0, v4;
	v4 =	vsel vm0, $0x1, v0  }
0x122: {  	v5 =	vld [tilespmem:s1+$0x10];
	(xrf0) =	vadd.scan.msk.s32 $0xffff, v4;
	_ =	sdelay $0x4  }
0x123: {  	v6 =	vshrl.u32 v5, $0x1B  }
0x124: {  	vm0 =	veq.s32 v6, v3;
	v4, _, _ =	vpop (xrf0)  }
0x125: {  	v6 =	vsel vm0, $0x1, v0;
	(v2sf) =	vpush v4, $0xF  }
0x126: {  	(xrf0) =	vadd.scan.msk.s32 $0xffff, v6;
	_ =	sdelay $0x5  }
0x127: {  	v4, _, _ =	vpop (xrf0)  }
0x128: {  	(v2sf) =	vpush v4, $0xF;
	_ =	sdelay $0x6  }
0x129: {  	s29 =	spop (v2sf)  }
0x12a: {  	s26 =	sadd.s32 s26, s29  }
0x12b: {  	s1 =	sadd.s32 $0x40, s1;
	[tilespmem:s26+$0x4800] =	vst.msk vm0, v5  }
0x12c: {  	v4 =	vld [tilespmem:s1+$0xFFFFFFE0]  }
.Ltmp1:
0x12d: {  	(pc) =	sbr.rel @p0 .LBB2_6-.Ltmp1, $2  }
0x12e: {  	_ =	sdelay $0x2  }
0x12f: {  	v5 =	vshrl.u32 v4, $0x1B;
	s29 =	spop (v2sf)  }
0x130: {  	vm0 =	veq.s32 v5, v3;
	s24 =	sadd.s32 s26, s29  }
0x131: {  	[tilespmem:s24+$0x4800] =	vst.msk vm0, v4;
	v56 =	vsel vm0, $0x1, v0  }
0x132: {  	v57 =	vld [tilespmem:s1+$0xFFFFFFF0];
	(xrf0) =	vadd.scan.msk.s32 $0xffff, v56;
	_ =	sdelay $0x4  }
0x133: {  	v58 =	vshrl.u32 v57, $0x1B  }
0x134: {  	vm13 =	veq.s32 v58, v3;
	v59, _, _ =	vpop (xrf0)  }
0x135: {  	v6 =	vsel vm13, $0x1, v0;
	(v2sf) =	vpush v59, $0xF  }
0x136: {  	(xrf0) =	vadd.scan.msk.s32 $0xffff, v6;
	_ =	sdelay $0x5  }
0x137: {  	v60, _, _ =	vpop (xrf0)  }
0x138: {  	(v2sf) =	vpush v60, $0xF;
	_ =	sdelay $0x6  }
0x139: {  	s2 =	spop (v2sf)  }
0x13a: {  	s24 =	sadd.s32 s24, s2  }
0x13b: {  	[tilespmem:s24+$0x4800] =	vst.msk vm13, v57  }
0x13c: {  	v61 =	vld [tilespmem:s1+$0x0];
	_ =	sdelay $0x4  }
0x13d: {  	v62 =	vshrl.u32 v61, $0x1B;
	s3 =	spop (v2sf)  }
0x13e: {  	s24 =	sadd.s32 s24, s3;
	vm14 =	veq.s32 v62, v3  }
0x13f: {  	[tilespmem:s24+$0x4800] =	vst.msk vm14, v61  }
0x140: {  	v4 =	vld [tilespmem:s1+$0x10];
	_ =	sdelay $0x2  }
0x141: {  	v5 =	vsel vm14, $0x1, v0  }
0x142: {  	(xrf0) =	vadd.scan.msk.s32 $0xffff, v5  }
0x143: {  	v63 =	vshrl.u32 v4, $0x1B  }
0x144: {  	vm15 =	veq.s32 v63, v3  }
0x145: {  	v3 =	vsel vm15, $0x1, v0;
	_ =	sdelay $0x1  }
0x146: {  	(xrf0) =	vadd.scan.msk.s32 $0xffff, v3  }
0x147: {  	v3, _, _ =	vpop (xrf0)  }
0x148: {  	(v2sf) =	vpush v3, $0xF;
	_ =	sdelay $0x3  }
0x149: {  	v3, _, _ =	vpop (xrf0)  }
0x14a: {  	(v2sf) =	vpush v3, $0xF;
	_ =	sdelay $0x6  }
0x14b: {  	s0 =	sld [smem:$0x7DC]  }
0x14c: {  	s26 =	sld [smem:$0x7DE]  }
0x14d: {  	s29 =	sld [smem:$0x7DF]  }
0x14e: {  	s2 =	sld [smem:$0x7E0];
	s9 =	spop (v2sf)  }
0x14f: {  	s1 =	sadd.s32 s24, s9;
	s24 =	sld [smem:$0x7DD]  }
0x150: {  	s3 =	sld [smem:$0x7E1]  }
0x151: {  	p0 =	seq.s32 s0, $0x1;
	s9 =	sld [smem:$0x7E3];
	[tilespmem:s1+$0x4800] =	vst.msk vm15, v4;
	s1 =	smov.u32 s14  }
0x152: {  	s1 =	simm.s32 @!p0 $0x0;
	p0 =	seq.s32 s24, $0x1;
	s24 =	rddreg [dreg:$0xb]  }
0x153: {  	s13 =	spop (v2sf);
	s1 =	smov.u32 @p0 s24;
	s24 =	rddreg [dreg:$0xc]  }
0x154: {  	s13 =	sld [smem:$0x7E4]  }
0x155: {  	s14 =	simm.s32 @!p0 $0x0;
	p0 =	seq.s32 s26, $0x1;
	s26 =	sld [smem:$0x7E7]  }
0x156: {  	s14 =	smov.u32 @p0 s24;
	s24 =	rddreg [dreg:$0xd]  }
0x157: {  	s1 =	smov.u32 @p0 s24;
	s24 =	rddreg [dreg:$0xe]  }
0x158: {  	p0 =	seq.s32 s29, $0x1;
	s29 =	sld [smem:$0x7EA]  }
0x159: {  	s14 =	smov.u32 @p0 s24;
	s24 =	rddreg [dreg:$0xf]  }
0x15a: {  	s1 =	smov.u32 @p0 s24;
	s24 =	rddreg [dreg:$0x10];
	p0 =	seq.s32 s2, $0x1  }
0x15b: {  	s14 =	smov.u32 @p0 s24;
	s24 =	rddreg [dreg:$0x11]  }
0x15c: {  	s1 =	smov.u32 @p0 s24;
	s24 =	rddreg [dreg:$0x12];
	p0 =	seq.s32 s3, $0x1  }
0x15d: {  	s14 =	smov.u32 @p0 s24;
	s24 =	rddreg [dreg:$0x13]  }
0x15e: {  	s1 =	smov.u32 @p0 s24;
	p0 =	seq.s32 s9, $0x1;
	s9 =	rddreg [dreg:$0x15]  }
0x15f: {  	s14 =	smov.u32 @p0 s22;
	s22 =	rddreg [dreg:$0x14]  }
0x160: {  	s1 =	smov.u32 @p0 s22;
	s22 =	sld [smem:$0x7E5]  }
0x161: {  	s24 =	sld [smem:$0x7E6];
	p0 =	seq.s32 s13, $0x1  }
0x162: {  	s14 =	smov.u32 @p0 s9;
	s9 =	rddreg [dreg:$0x16]  }
0x163: {  	s3 =	rddreg [dreg:$0x17];
	s1 =	smov.u32 @p0 s9;
	p0 =	seq.s32 s22, $0x1  }
0x164: {  	s14 =	smov.u32 @p0 s3;
	s3 =	rddreg [dreg:$0x18]  }
0x165: {  	s1 =	smov.u32 @p0 s3;
	s3 =	rddreg [dreg:$0x19];
	p0 =	seq.s32 s24, $0x1  }
0x166: {  	s14 =	smov.u32 @p0 s3;
	s3 =	rddreg [dreg:$0x1a]  }
0x167: {  	s2 =	sld [smem:$0x7EB];
	s1 =	smov.u32 @p0 s3;
	p0 =	seq.s32 s26, $0x1  }
0x168: {  	s3 =	rddreg [dreg:$0x1b];
	s14 =	smov.u32 @p0 s5  }
0x169: {  	s1 =	smov.u32 @p0 s3;
	p0 =	seq.s32 s29, $0x1;
	s3 =	rddreg [dreg:$0x1c]  }
0x16a: {  	s1 =	smov.u32 @p0 s3;
	s3 =	sld [smem:$0x7EC]  }
0x16b: {  	s5 =	sld [smem:$0x7ED];
	s14 =	smov.u32 @p0 s11;
	p0 =	seq.s32 s2, $0x1  }
0x16c: {  	s2 =	rddreg [dreg:$0x1d];
	s14 =	smov.u32 @p0 s12  }
0x16d: {  	s1 =	smov.u32 @p0 s2;
	s2 =	rddreg [dreg:$0x1e];
	p0 =	seq.s32 s3, $0x1  }
0x16e: {  	s14 =	smov.u32 @p0 s2;
	s2 =	rddreg [dreg:$0x1f]  }
0x16f: {  	s1 =	smov.u32 @p0 s2;
	s2 =	sld [smem:$0x7CA];
	_ =	sdelay $0x1  }
0x170: {  	s9 =	sld [smem:$0x7EE];
	p0 =	seq.s32 s5, $0x1  }
0x171: {  	s1 =	smov.u32 @p0 s2;
	s2 =	sld [smem:$0x7CB];
	_ =	sdelay $0x1  }
0x172: {  	s11 =	sld [smem:$0x7EF];
	s14 =	smov.u32 @p0 s4;
	p0 =	seq.s32 s9, $0x1  }
0x173: {  	s1 =	smov.u32 @p0 s2;
	s2 =	sld [smem:$0x7CC]  }
0x174: {  	s12 =	sld [smem:$0x7F0]  }
0x175: {  	s13 =	sld [smem:$0x7F1];
	s14 =	smov.u32 @p0 s31;
	p0 =	seq.s32 s11, $0x1  }
0x176: {  	s1 =	smov.u32 @p0 s2;
	s2 =	sld [smem:$0x7CD]  }
0x177: {  	s14 =	smov.u32 @p0 s7;
	p0 =	seq.s32 s12, $0x1  }
0x178: {  	s14 =	smov.u32 @p0 s10  }
0x179: {  	s1 =	smov.u32 @p0 s2;
	p0 =	seq.s32 s13, $0x1;
	s2 =	sld [smem:$0x7CE]  }
0x17a: {  	s14 =	smov.u32 @p0 s15;
	s15 =	sld [smem:$0x7F2];
	_ =	sdelay $0x2  }
0x17b: {  	s1 =	smov.u32 @p0 s2;
	s2 =	sld [smem:$0x7CF];
	p0 =	seq.s32 s15, $0x1  }
0x17c: {  	s14 =	smov.u32 @p0 s17;
	s17 =	sld [smem:$0x7F3];
	_ =	sdelay $0x1  }
0x17d: {  	s1 =	smov.u32 @p0 s2;
	s2 =	sld [smem:$0x7D0]  }
0x17e: {  	p0 =	seq.s32 s17, $0x1  }
0x17f: {  	s14 =	smov.u32 @p0 s19;
	s19 =	sld [smem:$0x7F4]  }
0x180: {  	s1 =	smov.u32 @p0 s2;
	s2 =	sld [smem:$0x7D1];
	_ =	sdelay $0x1  }
0x181: {  	s22 =	sld [smem:$0x7F5];
	p0 =	seq.s32 s19, $0x1  }
0x182: {  	s1 =	smov.u32 @p0 s2;
	s2 =	sld [smem:$0x7D2];
	_ =	sdelay $0x1  }
0x183: {  	s24 =	sld [smem:$0x7F6];
	s14 =	smov.u32 @p0 s21;
	p0 =	seq.s32 s22, $0x1  }
0x184: {  	s1 =	smov.u32 @p0 s2;
	s2 =	sld [smem:$0x7D3];
	_ =	sdelay $0x1  }
0x185: {  	s26 =	sld [smem:$0x7F7];
	s14 =	smov.u32 @p0 s23;
	p0 =	seq.s32 s24, $0x1  }
0x186: {  	s1 =	smov.u32 @p0 s2;
	s2 =	sld [smem:$0x7D4];
	_ =	sdelay $0x1  }
0x187: {  	s29 =	sld [smem:$0x7F8];
	s14 =	smov.u32 @p0 s25;
	p0 =	seq.s32 s26, $0x1  }
0x188: {  	s1 =	smov.u32 @p0 s2;
	s2 =	sld [smem:$0x7D5]  }
0x189: {  	s31 =	sld [smem:$0x7FB]  }
0x18a: {  	s14 =	smov.u32 @p0 s28;
	p0 =	seq.s32 s29, $0x1  }
0x18b: {  	s1 =	smov.u32 @p0 s2;
	s2 =	sld [smem:$0x7D6]  }
0x18c: {  	s0 =	sld [smem:$0x7F9];
	s14 =	smov.u32 @p0 s30;
	p0 =	seq.s32 s31, $0x1  }
0x18d: {  	s14 =	smov.u32 @p0 s18  }
0x18e: {  	s14 =	smov.u32 @p5 s20;
	s1 =	smov.u32 @p0 s2;
	s2 =	sld [smem:$0x7D7]  }
0x18f: {  	s14 =	smov.u32 @p6 s0;
	s0 =	sld [smem:$0x7FA];
	_ =	sdelay $0x1  }
0x190: {  	s1 =	smov.u32 @p5 s2;
	s2 =	sld [smem:$0x7D8]  }
0x191: {  	s14 =	smov.u32 @p1 s0;
	s0 =	sld [smem:$0x7D9];
	_ =	sdelay $0x1  }
0x192: {  	s1 =	smov.u32 @p6 s2  }
0x193: {  	s1 =	smov.u32 @p1 s0;
	s0 =	sld [smem:$0x7FC];
	_ =	sdelay $0x2  }
0x194: {  	s14 =	smov.u32 @p2 s0;
	s0 =	sld [smem:$0x7DA];
	_ =	sdelay $0x2  }
0x195: {  	s1 =	smov.u32 @p2 s0;
	s0 =	sld [smem:$0x7DB];
	_ =	sdelay $0x1  }
0x196: {  	s14 =	smov.u32 @p3 s6  }
0x197: {  	s15 =	ssub.s32 $0x2CC, s14;
	s1 =	smov.u32 @p3 s0  }
0x198: {  	p0 =	seq.s32 s15, s1  }
.Ltmp2:
0x199: {  	_ = 	snop;
	(pc) =	sbr.rel @!p0 .LBB2_14-.Ltmp2, $4  }
.Ltmp3:
0x19a: {  	_ = 	snop;
	(pc) =	sbr.rel @p0 .LBB2_8-.Ltmp3, $4  }
0x19b: {  	_ = 	snop  }
0x19c: {  	_ = 	snop  }
0x19d: {  	s7 =	simm.s32 $0x1;
	s30 =	sshll.u32 s16, $0x1B  }
0x19e: {  	_ = 	snop  }
.LBB2_23:
0x19f: {  	s21 =	simm.s32 $0x0;
	s19 =	simm.s32 $0x0  }
.LBB2_28:
0x1a0: {  	_ =	sdelay $0x1  }
0x1a1: {  	s21 =	sadd.s32 @p1 $0x10, s21;
	s23 =	simm.s32 $0x0  }
0x1a2: {  	s23 =	smov.u32 @p1 s21;
	v5 =	vshrl.u32 v7, v5  }
0x1a3: {  	v8 =	vor.u32 s23, v1;
	v4 =	vand.u32 v4, v5  }
0x1a4: {  	vm0 =	vlt.s32 v8, v3;
	vm1 =	veq.s32 v4, v6  }
0x1a5: {  	vm0 =	vmand vm0, vm1  }
0x1a6: {  	v3 =	vsel vm0, $0x1, v0  }
0x1a7: {  	(xrf0) =	vadd.scan.msk.s32 $0xffff, v3;
	_ =	sdelay $0x5  }
0x1a8: {  	v3, _, _ =	vpop (xrf0)  }
0x1a9: {  	(v2sf) =	vpush v3, $0xF;
	_ =	sdelay $0xb  }
0x1aa: {  	s21 =	spop @p1 (v2sf)  }
0x1ab: {  	s4 =	sld [smem:$0x798];
	s19 =	sadd.s32 @p1 s19, s21  }
0x1ac: {  	s21 =	sld [smem:$0x799];
	s1 =	smov.u32 @p1 s19  }
0x1ad: {  	s19 =	sld [smem:$0x7BB];
	[tilespmem:s1+$0x4800] =	vst.msk vm0, v7;
	s25 =	spop (v2sf)  }
.LBB2_29:
0x1ae: {  	s23 =	sld [smem:$0x796]  }
0x1af: {  	s25 =	sld [smem:$0x797];
	_ =	sdelay $0x1  }
0x1b0: {  	s1 =	smov.u32 s12;
	p1 =	seq.s32 s23, $0x1;
	s23 =	sld [smem:$0x79C]  }
0x1b1: {  	s1 =	simm.s32 @!p1 $0x0;
	p1 =	seq.s32 s25, $0x1;
	s25 =	sld [smem:$0x79D]  }
0x1b2: {  	s12 =	simm.s32 @!p1 $0x0  }
0x1b3: {  	s1 =	smov.u32 @p1 s2;
	s2 =	sld [smem:$0x79E];
	p1 =	seq.s32 s23, $0x1  }
0x1b4: {  	s12 =	smov.u32 @p1 s9;
	s1 =	smov.u32 @p1 s0;
	p1 =	seq.s32 s25, $0x1  }
0x1b5: {  	s12 =	smov.u32 @p1 s4  }
0x1b6: {  	s1 =	smov.u32 @p1 s19;
	p1 =	seq.s32 s2, $0x1;
	s2 =	sld [smem:$0x77A]  }
0x1b7: {  	_ = 	snop  }
0x1b8: {  	s4 =	sld [smem:$0x7A1]  }
0x1b9: {  	s1 =	smov.u32 @p1 s2;
	s2 =	sld [smem:$0x79A];
	_ =	sdelay $0x1  }
0x1ba: {  	s12 =	smov.u32 @p1 s21;
	p1 =	seq.s32 s4, $0x1  }
0x1bb: {  	s12 =	smov.u32 @p1 s2;
	s2 =	sld [smem:$0x77B]  }
0x1bc: {  	s9 =	sld [smem:$0x7A4];
	_ =	sdelay $0x1  }
0x1bd: {  	s1 =	smov.u32 @p1 s2;
	s2 =	sld [smem:$0x77C]  }
0x1be: {  	p1 =	seq.s32 s9, $0x1  }
0x1bf: {  	s12 =	smov.u32 @p1 s17;
	s17 =	sld [smem:$0x7A5]  }
0x1c0: {  	s1 =	smov.u32 @p1 s2;
	s2 =	sld [smem:$0x79F];
	_ =	sdelay $0x1  }
0x1c1: {  	p1 =	seq.s32 s17, $0x1  }
0x1c2: {  	s12 =	smov.u32 @p1 s2;
	s2 =	sld [smem:$0x77D];
	_ =	sdelay $0x1  }
0x1c3: {  	s19 =	sld [smem:$0x7A9]  }
0x1c4: {  	s1 =	smov.u32 @p1 s2;
	s2 =	sld [smem:$0x7A0];
	_ =	sdelay $0x1  }
0x1c5: {  	p1 =	seq.s32 s19, $0x1  }
0x1c6: {  	s12 =	smov.u32 @p1 s2;
	s2 =	sld [smem:$0x77E];
	_ =	sdelay $0x1  }
0x1c7: {  	s21 =	sld [smem:$0x7AA]  }
0x1c8: {  	s1 =	smov.u32 @p1 s2;
	s2 =	sld [smem:$0x7A2];
	_ =	sdelay $0x1  }
0x1c9: {  	p1 =	seq.s32 s21, $0x1  }
0x1ca: {  	s12 =	smov.u32 @p1 s2;
	s2 =	sld [smem:$0x77F];
	_ =	sdelay $0x1  }
0x1cb: {  	s23 =	sld [smem:$0x7AB]  }
0x1cc: {  	s1 =	smov.u32 @p1 s2;
	s2 =	sld [smem:$0x7A6];
	_ =	sdelay $0x1  }
0x1cd: {  	p1 =	seq.s32 s23, $0x1  }
0x1ce: {  	s12 =	smov.u32 @p1 s2;
	s2 =	sld [smem:$0x780];
	_ =	sdelay $0x1  }
0x1cf: {  	s25 =	sld [smem:$0x7AC]  }
0x1d0: {  	s1 =	smov.u32 @p1 s2;
	s2 =	sld [smem:$0x781];
	_ =	sdelay $0x1  }
0x1d1: {  	p1 =	seq.s32 s25, $0x1  }
0x1d2: {  	s1 =	smov.u32 @p1 s2;
	s2 =	sld [smem:$0x7AD];
	_ =	sdelay $0x2  }
0x1d3: {  	s12 =	smov.u32 @p1 s6;
	p1 =	seq.s32 s2, $0x1;
	s2 =	sld [smem:$0x782]  }
0x1d4: {  	_ = 	snop  }
0x1d5: {  	s4 =	sld [smem:$0x7AE]  }
0x1d6: {  	s1 =	smov.u32 @p1 s2;
	s2 =	sld [smem:$0x783];
	_ =	sdelay $0x1  }
0x1d7: {  	s6 =	sld [smem:$0x7AF];
	s12 =	smov.u32 @p1 s18;
	p1 =	seq.s32 s4, $0x1  }
0x1d8: {  	s1 =	smov.u32 @p1 s2;
	s2 =	sld [smem:$0x784];
	_ =	sdelay $0x1  }
0x1d9: {  	s9 =	sld [smem:$0x7B0];
	s12 =	smov.u32 @p1 s20;
	p1 =	seq.s32 s6, $0x1  }
0x1da: {  	s1 =	smov.u32 @p1 s2;
	s2 =	sld [smem:$0x785];
	_ =	sdelay $0x1  }
0x1db: {  	s17 =	sld [smem:$0x7B1];
	s12 =	smov.u32 @p1 s22;
	p1 =	seq.s32 s9, $0x1  }
0x1dc: {  	s1 =	smov.u32 @p1 s2;
	s2 =	sld [smem:$0x786];
	_ =	sdelay $0x1  }
0x1dd: {  	s18 =	sld [smem:$0x7B2];
	s12 =	smov.u32 @p1 s24;
	p1 =	seq.s32 s17, $0x1  }
0x1de: {  	s1 =	smov.u32 @p1 s2;
	s2 =	sld [smem:$0x787];
	_ =	sdelay $0x1  }
0x1df: {  	s19 =	sld [smem:$0x7B3];
	s12 =	smov.u32 @p1 s26;
	p1 =	seq.s32 s18, $0x1  }
0x1e0: {  	s1 =	smov.u32 @p1 s2;
	s2 =	sld [smem:$0x788];
	_ =	sdelay $0x1  }
0x1e1: {  	s20 =	sld [smem:$0x7B4];
	s12 =	smov.u32 @p1 s29;
	p1 =	seq.s32 s19, $0x1  }
0x1e2: {  	s1 =	smov.u32 @p1 s2;
	s2 =	sld [smem:$0x789];
	_ =	sdelay $0x1  }
0x1e3: {  	s21 =	sld [smem:$0x7B5];
	s12 =	smov.u32 @p1 s31;
	p1 =	seq.s32 s20, $0x1  }
0x1e4: {  	s1 =	smov.u32 @p1 s2;
	s2 =	sld [smem:$0x78A];
	_ =	sdelay $0x1  }
0x1e5: {  	s22 =	sld [smem:$0x7B8];
	s12 =	smov.u32 @p1 s14;
	p1 =	seq.s32 s21, $0x1  }
0x1e6: {  	s1 =	smov.u32 @p1 s2;
	s2 =	sld [smem:$0x78B];
	_ =	sdelay $0x1  }
0x1e7: {  	s23 =	sld [smem:$0x7B9];
	s12 =	smov.u32 @p1 s3;
	p1 =	seq.s32 s22, $0x1  }
0x1e8: {  	s1 =	smov.u32 @p1 s2;
	s2 =	sld [smem:$0x78C];
	_ =	sdelay $0x1  }
0x1e9: {  	s24 =	sld [smem:$0x7BC];
	s12 =	smov.u32 @p1 s11;
	p1 =	seq.s32 s23, $0x1  }
0x1ea: {  	s1 =	smov.u32 @p1 s2;
	s2 =	sld [smem:$0x78D];
	_ =	sdelay $0x1  }
0x1eb: {  	s25 =	sld [smem:$0x7BE];
	s12 =	smov.u32 @p1 s7;
	p1 =	seq.s32 s24, $0x1  }
0x1ec: {  	s1 =	smov.u32 @p1 s2;
	s2 =	sld [smem:$0x7B6];
	_ =	sdelay $0x1  }
0x1ed: {  	s12 =	smov.u32 @p1 s10;
	p1 =	seq.s32 s25, $0x1  }
0x1ee: {  	s12 =	smov.u32 @p1 s2;
	s2 =	sld [smem:$0x78E];
	_ =	sdelay $0x1  }
0x1ef: {  	s26 =	sld [smem:$0x7BF]  }
0x1f0: {  	s1 =	smov.u32 @p1 s2;
	s2 =	sld [smem:$0x78F];
	_ =	sdelay $0x1  }
0x1f1: {  	s29 =	sld [smem:$0x7C3];
	p1 =	seq.s32 s26, $0x1  }
0x1f2: {  	s1 =	smov.u32 @p1 s2;
	s2 =	sld [smem:$0x7BA];
	_ =	sdelay $0x1  }
0x1f3: {  	s12 =	smov.u32 @p1 s13;
	p1 =	seq.s32 s29, $0x1  }
0x1f4: {  	s12 =	smov.u32 @p1 s2;
	s2 =	sld [smem:$0x790];
	_ =	sdelay $0x2  }
0x1f5: {  	s1 =	smov.u32 @p1 s2;
	s2 =	sld [smem:$0x7BD];
	_ =	sdelay $0x2  }
0x1f6: {  	s12 =	smov.u32 @p6 s2;
	s2 =	sld [smem:$0x791];
	_ =	sdelay $0x2  }
0x1f7: {  	s1 =	smov.u32 @p6 s2;
	s2 =	sld [smem:$0x7C0];
	_ =	sdelay $0x2  }
0x1f8: {  	s12 =	smov.u32 @p2 s2;
	s2 =	sld [smem:$0x792];
	_ =	sdelay $0x2  }
0x1f9: {  	s1 =	smov.u32 @p2 s2;
	s2 =	sld [smem:$0x7C1]  }
0x1fa: {  	s0 =	sld [smem:$0x7C4];
	_ =	sdelay $0x1  }
0x1fb: {  	s12 =	smov.u32 @p0 s2;
	s2 =	sld [smem:$0x793]  }
0x1fc: {  	s12 =	smov.u32 @p3 s0;
	s0 =	sld [smem:$0x794];
	_ =	sdelay $0x1  }
0x1fd: {  	s1 =	smov.u32 @p0 s2  }
0x1fe: {  	s1 =	smov.u32 @p3 s0;
	s0 =	sld [smem:$0x7C5];
	_ =	sdelay $0x2  }
0x1ff: {  	s12 =	smov.u32 @p4 s0;
	s0 =	sld [smem:$0x795];
	_ =	sdelay $0x2  }
0x200: {  	p0 =	sgt.u32 s28, $0x5;
	s15 =	ssub.s32 s15, s12;
	s1 =	smov.u32 @p4 s0  }
0x201: {  	p1 =	seq.s32 @!p0 s15, s1  }
0x202: {  	p1 =	por p0, p1  }
.Ltmp4:
0x203: {  	_ = 	snop;
	(pc) =	sbr.rel @p1 .LBB2_30-.Ltmp4, $3  }
0x204: {  	_ =	sdelay $0x1  }
0x205: {  	s31 =	sshll.u32 s16, s5  }
0x206: {  	s30 =	sor.u32 s30, s31;
	s7 =	sadd.s32 $0x1, s28  }
.LBB2_14:
0x207: {  	[tilespmem:$0x5080] =	vst v0  }
0x208: {  	[tilespmem:$0x5090] =	vst v0  }
0x209: {  	[tilespmem:$0x50A0] =	vst v0  }
0x20a: {  	[tilespmem:$0x50B0] =	vst v0  }
0x20b: {  	[tilespmem:$0x50C0] =	vst v0  }
0x20c: {  	[tilespmem:$0x50D0] =	vst v0  }
0x20d: {  	[tilespmem:$0x50E0] =	vst v0  }
0x20e: {  	[tilespmem:$0x50F0] =	vst v0  }
0x20f: {  	[tilespmem:$0x5100] =	vst v0  }
0x210: {  	[tilespmem:$0x5110] =	vst v0  }
0x211: {  	[tilespmem:$0x5120] =	vst v0  }
0x212: {  	[tilespmem:$0x5130] =	vst v0  }
0x213: {  	[tilespmem:$0x5140] =	vst v0  }
0x214: {  	[tilespmem:$0x5150] =	vst v0  }
0x215: {  	[tilespmem:$0x5160] =	vst v0  }
0x216: {  	[tilespmem:$0x5170] =	vst v0  }
0x217: {  	[tilespmem:$0x5180] =	vst v0  }
0x218: {  	[tilespmem:$0x5190] =	vst v0  }
0x219: {  	[tilespmem:$0x51A0] =	vst v0  }
0x21a: {  	[tilespmem:$0x51B0] =	vst v0  }
0x21b: {  	[tilespmem:$0x51C0] =	vst v0  }
0x21c: {  	[tilespmem:$0x51D0] =	vst v0  }
0x21d: {  	[tilespmem:$0x51E0] =	vst v0  }
0x21e: {  	[tilespmem:$0x51F0] =	vst v0  }
0x21f: {  	[tilespmem:$0x5200] =	vst v0;
	s2 =	sadd.s32 $0xF, s1  }
0x220: {  	[tilespmem:$0x5210] =	vst v0;
	p0 =	slt.u32 s7, $0x6;
	s3 =	simm.s32 $0x1F;
	s4 =	sshra.s32 s2, $0x4  }
0x221: {  	s0 =	smul.u32 $0xFFFFFFFB, s7;
	[tilespmem:$0x5220] =	vst v0;
	s3 =	simm.s32 @!p0 $0x3;
	p0 =	slt.s32 s4, $0x1  }
.Ltmp5:
0x222: {  	[tilespmem:$0x5230] =	vst v0;
	(pc) =	sbr.rel @p0 .LBB2_21-.Ltmp5, $4  }
0x223: {  	[tilespmem:$0x5240] =	vst v0;
	s0 =	smax.u32 s0, $0xFFFFFFE5  }
0x224: {  	[tilespmem:$0x5250] =	vst v0;
	s5 =	sadd.s32 $0x1B, s0;
	s0 =	simm.s32 @!p0 $0x0  }
0x225: {  	[smem:$0x7C8] =	sst s30;
	[tilespmem:$0x5260] =	vst v0;
	s0 =	simm.s32 @p0 $0x1  }
0x226: {  	[tilespmem:$0x5270] =	vst v0;
	v3 =	vmov s1;
	v4 =	vmov s3;
	p2 =	sne.s32 s4, $0x1;
	v5 =	vmov s5;
	[smem:$0x7C9] =	sst s0  }
.Ltmp6:
0x227: {  	(pc) =	sbr.rel @!p2 .LBB2_16-.Ltmp6, $3  }
0x228: {  	_ =	sdelay $0x1  }
0x229: {  	s1 =	simm.s32 $0x4800  }
0x22a: {  	s0 =	simm.s32 $0x0;
	p0 =	por $0x0, $0x0;
	v6 =	vld [tilespmem:s1+$0x0];
	s1 =	sadd.s32 $0xFFFFFFFF, s4  }
0x22b: {  	_ =	sdelay $0x3  }
0x22c: {  	v6 =	vshrl.u32 v6, v5  }
0x22d: {  	v7 =	vor.u32 s0, v1;
	v6 =	vand.u32 v4, v6  }
0x22e: {  	vm0 =	vlt.s32 v7, v3;
	v6 =	vshll.u32 v6, $0x4  }
0x22f: {  	v6 =	vor.u32 v1, v6  }
0x230: {  	p1 =	sne.s32 s1, $0x1  }
.Ltmp7:
0x231: {  	_ = 	snop;
	(pc) =	sbr.rel @!p1 .LBB2_18-.Ltmp7, $3  }
0x232: {  	_ =	sdelay $0x1  }
0x233: {  	s2 =	simm.s32 $0x4810;
	[tilespmem:v6+s8+$0x0] =	vst.idx.add.s32.msk vm0, v2  }
0x234: {  	s3 =	sadd.s32 $0xFFFFFFFF, s1;
	p0 =	por $0x1, $0x1;
	s1 =	simm.s32 $0x0;
	v6 =	vld [tilespmem:s2+$0x0]  }
.LBB2_19:
0x235: {  	p1 =	sne.s32 s3, $0x1;
	_ =	sdelay $0x3  }
0x236: {  	s1 =	sadd.s32 $0x10, s1;
	v6 =	vshrl.u32 v6, v5  }
0x237: {  	v7 =	vor.u32 s1, v1;
	v6 =	vand.u32 v4, v6  }
0x238: {  	vm0 =	vlt.s32 v7, v3;
	v6 =	vshll.u32 v6, $0x4  }
0x239: {  	v6 =	vor.u32 v1, v6;
	_ =	sdelay $0x1  }
.Ltmp8:
0x23a: {  	(pc) =	sbr.rel @p1 .LBB2_19-.Ltmp8, $3  }
0x23b: {  	_ =	sdelay $0x1  }
0x23c: {  	s2 =	sadd.s32 $0x10, s2;
	[tilespmem:v6+s8+$0x0] =	vst.idx.add.s32.msk vm0, v2  }
0x23d: {  	s3 =	sadd.s32 $0xFFFFFFFF, s3;
	v6 =	vld [tilespmem:s2+$0x0]  }
.LBB2_20:
0x23e: {  	_ =	sdelay $0x2  }
0x23f: {  	s1 =	sadd.s32 @p0 $0x10, s1  }
0x240: {  	s0 =	smov.u32 @p0 s1;
	v6 =	vshrl.u32 v6, v5  }
0x241: {  	v7 =	vor.u32 s0, v1;
	v6 =	vand.u32 v4, v6  }
0x242: {  	vm0 =	vlt.s32 v7, v3;
	v6 =	vshll.u32 v6, $0x4  }
0x243: {  	v6 =	vor.u32 v1, v6;
	_ =	sdelay $0x4  }
0x244: {  	[tilespmem:v6+s8+$0x0] =	vst.idx.add.s32.msk vm0, v2  }
.LBB2_21:
0x245: {  	v6 =	vld [tilespmem:$0x5270]  }
0x246: {  	v7 =	vld [tilespmem:$0x5260]  }
0x247: {  	v8 =	vld [tilespmem:$0x5250];
	_ =	sdelay $0x1  }
0x248: {  	v9 =	vld [tilespmem:$0x5240]  }
0x249: {  	(xrf0) =	vadd.scan.msk.s32 $0xffff, v6  }
0x24a: {  	v10 =	vld [tilespmem:$0x5230];
	(xrf0) =	vadd.scan.msk.s32 $0xffff, v7  }
0x24b: {  	v6 =	vld [tilespmem:$0x5220];
	(xrf0) =	vadd.scan.msk.s32 $0xffff, v8  }
0x24c: {  	v7 =	vld [tilespmem:$0x5210]  }
0x24d: {  	v25 =	vld [tilespmem:$0x5200];
	(xrf0) =	vadd.scan.msk.s32 $0xffff, v9  }
0x24e: {  	v26 =	vld [tilespmem:$0x51F0]  }
0x24f: {  	v27 =	vld [tilespmem:$0x51E0];
	(xrf0) =	vadd.scan.msk.s32 $0xffff, v10;
	v11, _, _ =	vpop (xrf0)  }
0x250: {  	(xrf0) =	vadd.scan.msk.s32 $0xffff, v6;
	v6 =	vld [tilespmem:$0x51D0];
	(v2sf) =	vpush v11, $0xF;
	v28, _, _ =	vpop (xrf0)  }
0x251: {  	(xrf0) =	vadd.scan.msk.s32 $0xffff, v7;
	(v2sf) =	vpush v28, $0xF;
	v30, _, _ =	vpop (xrf0)  }
0x252: {  	v7 =	vld [tilespmem:$0x51C0];
	(xrf0) =	vadd.scan.msk.s32 $0xffff, v25;
	(v2sf) =	vpush v30, $0xF  }
0x253: {  	v29 =	vld [tilespmem:$0x51B0];
	(xrf0) =	vadd.scan.msk.s32 $0xffff, v26;
	v32, _, _ =	vpop (xrf0)  }
0x254: {  	v31 =	vld [tilespmem:$0x51A0];
	(xrf0) =	vadd.scan.msk.s32 $0xffff, v27;
	(v2sf) =	vpush v32, $0xF  }
0x255: {  	v33 =	vld [tilespmem:$0x5190];
	v34, _, _ =	vpop (xrf0);
	(xrf0) =	vadd.scan.msk.s32 $0xffff, v6  }
0x256: {  	v6 =	vld [tilespmem:$0x5180];
	(v2sf) =	vpush v34, $0xF;
	v35, _, _ =	vpop (xrf0)  }
0x257: {  	(xrf0) =	vadd.scan.msk.s32 $0xffff, v7;
	v7 =	vld [tilespmem:$0x5170];
	(v2sf) =	vpush v35, $0xF;
	v36, _, _ =	vpop (xrf0)  }
0x258: {  	v37 =	vld [tilespmem:$0x5160];
	(xrf0) =	vadd.scan.msk.s32 $0xffff, v29;
	(v2sf) =	vpush v36, $0xF;
	v38, _, _ =	vpop (xrf0)  }
0x259: {  	v39 =	vld [tilespmem:$0x5150];
	(xrf0) =	vadd.scan.msk.s32 $0xffff, v31;
	(v2sf) =	vpush v38, $0xF;
	v40, _, _ =	vpop (xrf0)  }
0x25a: {  	v41 =	vld [tilespmem:$0x5140];
	(xrf0) =	vadd.scan.msk.s32 $0xffff, v33;
	(v2sf) =	vpush v40, $0xF;
	v42, _, _ =	vpop (xrf0)  }
0x25b: {  	(xrf0) =	vadd.scan.msk.s32 $0xffff, v6;
	v6 =	vld [tilespmem:$0x5130];
	(v2sf) =	vpush v42, $0xF;
	v43, _, _ =	vpop (xrf0)  }
0x25c: {  	(xrf0) =	vadd.scan.msk.s32 $0xffff, v7;
	v7 =	vld [tilespmem:$0x5120];
	(v2sf) =	vpush v43, $0xF  }
0x25d: {  	[smem:$0x778] =	sst s4;
	v45 =	vld [tilespmem:$0x5110];
	v44, _, _ =	vpop (xrf0);
	(xrf0) =	vadd.scan.msk.s32 $0xffff, v37  }
0x25e: {  	s0 =	simm.s32 @!p2 $0x0;
	v47 =	vld [tilespmem:$0x5100];
	[smem:$0x7C6] =	sst s5;
	(v2sf) =	vpush v44, $0xF;
	v46, _, _ =	vpop (xrf0);
	(xrf0) =	vadd.scan.msk.s32 $0xffff, v39  }
0x25f: {  	v49 =	vld [tilespmem:$0x50F0];
	[smem:$0x7A7] =	sst s7;
	s0 =	simm.s32 @p2 $0x1;
	(v2sf) =	vpush v46, $0xF;
	v48, _, _ =	vpop (xrf0);
	(xrf0) =	vadd.scan.msk.s32 $0xffff, v41;
	s12 =	spop (v2sf)  }
0x260: {  	[smem:$0x779] =	sst s0;
	(v2sf) =	vpush v48, $0xF;
	v50, _, _ =	vpop (xrf0);
	(xrf0) =	vadd.scan.msk.s32 $0xffff, v6;
	s17 =	spop (v2sf)  }
0x261: {  	v6 =	vld [tilespmem:$0x50E0];
	(v2sf) =	vpush v50, $0xF;
	v51, _, _ =	vpop (xrf0);
	(xrf0) =	vadd.scan.msk.s32 $0xffff, v7;
	[smem:$0x7A3] =	sst s17;
	s16 =	sadd.s32 s12, s17;
	s18 =	spop (v2sf)  }
0x262: {  	v7 =	vld [tilespmem:$0x50D0];
	(v2sf) =	vpush v51, $0xF;
	v52, _, _ =	vpop (xrf0);
	(xrf0) =	vadd.scan.msk.s32 $0xffff, v45;
	[smem:$0x7C7] =	sst s18;
	s2 =	sadd.s32 s18, s16  }
0x263: {  	v53 =	vld [tilespmem:$0x50C0];
	(v2sf) =	vpush v52, $0xF;
	v54, _, _ =	vpop (xrf0);
	(xrf0) =	vadd.scan.msk.s32 $0xffff, v47;
	s19 =	spop (v2sf);
	[smem:$0x798] =	sst s2  }
0x264: {  	v55 =	vld [tilespmem:$0x50B0];
	(v2sf) =	vpush v54, $0xF;
	v56, _, _ =	vpop (xrf0);
	(xrf0) =	vadd.scan.msk.s32 $0xffff, v49;
	[smem:$0x7BB] =	sst s19;
	s1 =	sadd.s32 s19, s2  }
0x265: {  	v57 =	vld [tilespmem:$0x50A0];
	p0 =	sgt.s32 s15, $0x0;
	(v2sf) =	vpush v56, $0xF;
	v58, _, _ =	vpop (xrf0);
	s20 =	spop (v2sf);
	[smem:$0x799] =	sst s1  }
0x266: {  	(xrf0) =	vadd.scan.msk.s32 $0xffff, v6;
	v6 =	vld [tilespmem:$0x5090];
	(v2sf) =	vpush v58, $0xF;
	v59, _, _ =	vpop (xrf0);
	[smem:$0x77A] =	sst s20;
	s17 =	sadd.s32 s20, s1;
	s21 =	spop (v2sf)  }
0x267: {  	(xrf0) =	vadd.scan.msk.s32 $0xffff, v7;
	v7 =	vld [tilespmem:$0x5080];
	(v2sf) =	vpush v59, $0xF;
	v60, _, _ =	vpop (xrf0);
	[smem:$0x77B] =	sst s21;
	s6 =	sadd.s32 s21, s17;
	s22 =	spop (v2sf)  }
0x268: {  	(xrf0) =	vadd.scan.msk.s32 $0xffff, v53;
	(v2sf) =	vpush v60, $0xF;
	v61, _, _ =	vpop (xrf0);
	[smem:$0x77C] =	sst s22;
	s25 =	sadd.s32 s22, s6;
	s23 =	spop (v2sf)  }
0x269: {  	(xrf0) =	vadd.scan.msk.s32 $0xffff, v55;
	(v2sf) =	vpush v61, $0xF;
	v62, _, _ =	vpop (xrf0);
	[smem:$0x77D] =	sst s23;
	s30 =	sadd.s32 s23, s25;
	s24 =	spop (v2sf)  }
0x26a: {  	(xrf0) =	vadd.scan.msk.s32 $0xffff, v57;
	(v2sf) =	vpush v62, $0xF;
	v63, _, _ =	vpop (xrf0);
	[smem:$0x77E] =	sst s24;
	s2 =	sadd.s32 s24, s30;
	s26 =	spop (v2sf)  }
0x26b: {  	(xrf0) =	vadd.scan.msk.s32 $0xffff, v6;
	(v2sf) =	vpush v63, $0xF;
	[smem:$0x77F] =	sst s26;
	s28 =	sadd.s32 s26, s2;
	s1 =	spop (v2sf)  }
0x26c: {  	p1 =	sge.s32 s12, s15;
	v6, _, _ =	vpop (xrf0);
	(xrf0) =	vadd.scan.msk.s32 $0xffff, v7;
	[smem:$0x780] =	sst s1;
	s3 =	sadd.s32 s1, s28  }
0x26d: {  	p5 =	slt.s32 s12, s15;
	v7, _, _ =	vpop (xrf0);
	(v2sf) =	vpush v6, $0xF;
	s4 =	spop (v2sf);
	[smem:$0x7A8] =	sst s3  }
0x26e: {  	v6, _, _ =	vpop (xrf0);
	(v2sf) =	vpush v7, $0xF;
	[smem:$0x781] =	sst s4;
	s18 =	sadd.s32 s4, s3;
	s5 =	spop (v2sf)  }
0x26f: {  	v7, _, _ =	vpop (xrf0);
	(v2sf) =	vpush v6, $0xF;
	[smem:$0x782] =	sst s5;
	s20 =	sadd.s32 s5, s18;
	s7 =	spop (v2sf)  }
0x270: {  	v6, _, _ =	vpop (xrf0);
	(v2sf) =	vpush v7, $0xF;
	[smem:$0x783] =	sst s7;
	s22 =	sadd.s32 s7, s20;
	s9 =	spop (v2sf)  }
0x271: {  	v7, _, _ =	vpop (xrf0);
	(v2sf) =	vpush v6, $0xF;
	[smem:$0x784] =	sst s9;
	s24 =	sadd.s32 s9, s22;
	s10 =	spop (v2sf)  }
0x272: {  	(v2sf) =	vpush v7, $0xF;
	v6, _, _ =	vpop (xrf0);
	s11 =	spop (v2sf);
	[smem:$0x785] =	sst s10;
	s26 =	sadd.s32 s10, s24  }
0x273: {  	(v2sf) =	vpush v6, $0xF;
	s13 =	spop (v2sf);
	[smem:$0x786] =	sst s11;
	s29 =	sadd.s32 s11, s26  }
0x274: {  	s14 =	spop (v2sf);
	[smem:$0x787] =	sst s13;
	s31 =	sadd.s32 s13, s29  }
0x275: {  	s19 =	spop (v2sf);
	[smem:$0x788] =	sst s14;
	s14 =	sadd.s32 s14, s31  }
0x276: {  	s21 =	spop (v2sf);
	[smem:$0x789] =	sst s19;
	s3 =	sadd.s32 s19, s14  }
0x277: {  	s23 =	spop (v2sf);
	[smem:$0x78A] =	sst s21;
	s11 =	sadd.s32 s21, s3  }
0x278: {  	s4 =	spop (v2sf);
	[smem:$0x78B] =	sst s23;
	s7 =	sadd.s32 s23, s11  }
0x279: {  	s5 =	spop (v2sf);
	[smem:$0x78C] =	sst s4;
	s10 =	sadd.s32 s4, s7  }
0x27a: {  	s9 =	spop (v2sf);
	[smem:$0x78D] =	sst s5;
	s13 =	sadd.s32 s5, s10  }
0x27b: {  	p0 =	por !p0, !p1;
	[smem:$0x78E] =	sst s9;
	s21 =	sadd.s32 s9, s13  }
0x27c: {  	p2 =	por !p0, !p0;
	s19 =	spop (v2sf);
	[smem:$0x7B7] =	sst s21  }
0x27d: {  	s23 =	spop (v2sf);
	[smem:$0x78F] =	sst s19;
	s19 =	sadd.s32 s19, s21  }
0x27e: {  	s5 =	spop (v2sf);
	[smem:$0x790] =	sst s23;
	s4 =	sadd.s32 s23, s19  }
0x27f: {  	s9 =	spop (v2sf);
	[smem:$0x791] =	sst s5;
	s21 =	sadd.s32 s5, s4  }
0x280: {  	s23 =	spop (v2sf);
	[smem:$0x792] =	sst s9;
	s9 =	sadd.s32 s9, s21  }
0x281: {  	s5 =	spop (v2sf);
	[smem:$0x793] =	sst s23;
	s23 =	sadd.s32 s23, s9  }
0x282: {  	[smem:$0x794] =	sst s5;
	s5 =	sadd.s32 s5, s23;
	s1 =	spop (v2sf)  }
0x283: {  	p6 =	sge.s32 s16, s15;
	[smem:$0x795] =	sst s1;
	s1 =	sadd.s32 s1, s5  }
0x284: {  	p0 =	por !p5, !p6;
	p3 =	sge.s32 s1, s15;
	s1 =	simm.s32 @!p2 $0x0  }
0x285: {  	[smem:$0x7C2] =	sst s16;
	p0 =	por !p0, !p0;
	s1 =	simm.s32 @p2 $0x1  }
0x286: {  	s0 =	smov.u32 s16;
	[smem:$0x796] =	sst s1;
	s1 =	simm.s32 @!p0 $0x0  }
0x287: {  	p1 =	slt.s32 s0, s15;
	s0 =	sld [smem:$0x799];
	s1 =	simm.s32 @p0 $0x1  }
0x288: {  	[smem:$0x797] =	sst s1  }
0x289: {  	s16 =	simm.s32 $0x1F;
	s1 =	sld [smem:$0x798]  }
0x28a: {  	s16 =	simm.s32 @!p2 $0x0  }
0x28b: {  	s16 =	simm.s32 @p0 $0x1E  }
0x28c: {  	[smem:$0x79A] =	sst s17;
	p5 =	sge.s32 s0, s15;
	p2 =	sge.s32 s1, s15  }
0x28d: {  	[smem:$0x79B] =	sst s2;
	p4 =	slt.s32 s1, s15;
	p0 =	por !p1, !p2  }
0x28e: {  	p1 =	slt.s32 s0, s15;
	p2 =	sge.s32 s17, s15;
	p6 =	por !p0, !p0  }
0x28f: {  	p0 =	por !p4, !p5;
	p4 =	slt.s32 s17, s15;
	s17 =	smov.u32 s6  }
0x290: {  	p5 =	sge.s32 s6, s15;
	p1 =	por !p1, !p2;
	s2 =	simm.s32 @!p6 $0x0  }
0x291: {  	p2 =	por !p4, !p5;
	p5 =	por !p0, !p0;
	s2 =	simm.s32 @p6 $0x1  }
0x292: {  	p4 =	slt.s32 s6, s15;
	s6 =	simm.s32 @!p5 $0x0;
	[smem:$0x79C] =	sst s2  }
0x293: {  	s6 =	simm.s32 @p5 $0x1;
	s2 =	sld [smem:$0x79B]  }
0x294: {  	[smem:$0x79D] =	sst s6  }
0x295: {  	[smem:$0x79F] =	sst s25  }
0x296: {  	[smem:$0x7A0] =	sst s30  }
0x297: {  	[smem:$0x7A6] =	sst s28  }
0x298: {  	[smem:$0x7B6] =	sst s13  }
0x299: {  	[smem:$0x7BA] =	sst s19  }
0x29a: {  	[smem:$0x7BD] =	sst s4  }
0x29b: {  	s16 =	simm.s32 @p6 $0x1D;
	p1 =	por !p1, !p1;
	[smem:$0x7C0] =	sst s21  }
0x29c: {  	p6 =	sge.s32 s25, s15;
	s16 =	simm.s32 @p5 $0x1C;
	[smem:$0x7C1] =	sst s9  }
0x29d: {  	p0 =	por !p4, !p6;
	p6 =	por !p2, !p2;
	[smem:$0x7C4] =	sst s23  }
0x29e: {  	p2 =	sge.s32 s30, s15;
	s6 =	simm.s32 @!p1 $0x0;
	[smem:$0x7C5] =	sst s5  }
0x29f: {  	p4 =	slt.s32 s30, s15;
	s6 =	simm.s32 @p1 $0x1;
	s30 =	sld [smem:$0x7C8]  }
0x2a0: {  	s16 =	simm.s32 @p1 $0x1B;
	p1 =	slt.s32 s25, s15;
	[smem:$0x79E] =	sst s6  }
0x2a1: {  	p1 =	por !p1, !p2;
	s6 =	simm.s32 @!p6 $0x0;
	p5 =	sge.s32 s2, s15  }
0x2a2: {  	s6 =	simm.s32 @p6 $0x1;
	p2 =	por !p4, !p5;
	p5 =	por !p0, !p0  }
0x2a3: {  	s16 =	simm.s32 @p6 $0x1A;
	[smem:$0x7A1] =	sst s6;
	s6 =	simm.s32 @!p5 $0x0  }
0x2a4: {  	[smem:$0x7A2] =	sst s2;
	p1 =	por !p1, !p1;
	s6 =	simm.s32 @p5 $0x1  }
0x2a5: {  	p6 =	sge.s32 s28, s15;
	[smem:$0x7A4] =	sst s6;
	s6 =	simm.s32 @!p1 $0x0  }
0x2a6: {  	p4 =	slt.s32 s2, s15;
	s2 =	sld [smem:$0x7A3];
	s6 =	simm.s32 @p1 $0x1  }
0x2a7: {  	p0 =	por !p4, !p6;
	p6 =	por !p2, !p2;
	[smem:$0x7A5] =	sst s6  }
0x2a8: {  	s16 =	simm.s32 @p5 $0x19;
	s25 =	simm.s32 @!p6 $0x0;
	s6 =	sld [smem:$0x7A8]  }
0x2a9: {  	s16 =	simm.s32 @p1 $0x18;
	p5 =	sge.s32 s18, s15;
	s25 =	simm.s32 @p6 $0x1  }
0x2aa: {  	s16 =	simm.s32 @p6 $0x17;
	p6 =	sge.s32 s20, s15;
	p1 =	slt.s32 s28, s15  }
0x2ab: {  	s28 =	sld [smem:$0x7A7];
	p2 =	sge.s32 s6, s15;
	p4 =	slt.s32 s6, s15  }
0x2ac: {  	p1 =	por !p1, !p2;
	p2 =	por !p4, !p5;
	p4 =	slt.s32 s18, s15  }
0x2ad: {  	[smem:$0x7A9] =	sst s25;
	p5 =	por !p0, !p0;
	p0 =	por !p4, !p6  }
0x2ae: {  	s25 =	simm.s32 @!p5 $0x0;
	s16 =	simm.s32 @p5 $0x16;
	p1 =	por !p1, !p1  }
0x2af: {  	p6 =	por !p2, !p2;
	p2 =	sge.s32 s22, s15;
	s25 =	simm.s32 @p5 $0x1  }
0x2b0: {  	p4 =	slt.s32 s22, s15;
	[smem:$0x7AA] =	sst s25;
	s25 =	simm.s32 @!p1 $0x0  }
0x2b1: {  	s16 =	simm.s32 @p1 $0x15;
	p5 =	sge.s32 s24, s15;
	s25 =	simm.s32 @p1 $0x1  }
0x2b2: {  	s16 =	simm.s32 @p6 $0x14;
	p1 =	slt.s32 s20, s15;
	[smem:$0x7AB] =	sst s25  }
0x2b3: {  	p1 =	por !p1, !p2;
	p2 =	por !p4, !p5;
	s25 =	simm.s32 @!p6 $0x0  }
0x2b4: {  	p5 =	por !p0, !p0;
	p4 =	slt.s32 s24, s15;
	s25 =	simm.s32 @p6 $0x1  }
0x2b5: {  	p6 =	sge.s32 s26, s15;
	s16 =	simm.s32 @p5 $0x13;
	p1 =	por !p1, !p1  }
0x2b6: {  	[smem:$0x7AC] =	sst s25;
	p0 =	por !p4, !p6;
	s25 =	simm.s32 @!p5 $0x0  }
0x2b7: {  	s16 =	simm.s32 @p1 $0x12;
	p6 =	por !p2, !p2;
	s25 =	simm.s32 @p5 $0x1  }
0x2b8: {  	p2 =	sge.s32 s29, s15;
	[smem:$0x7AD] =	sst s25;
	s25 =	simm.s32 @!p1 $0x0  }
0x2b9: {  	p4 =	slt.s32 s29, s15;
	p5 =	sge.s32 s31, s15;
	s25 =	simm.s32 @p1 $0x1  }
0x2ba: {  	s16 =	simm.s32 @p6 $0x11;
	p1 =	slt.s32 s26, s15;
	[smem:$0x7AE] =	sst s25  }
0x2bb: {  	p1 =	por !p1, !p2;
	p2 =	por !p4, !p5;
	s25 =	simm.s32 @!p6 $0x0  }
0x2bc: {  	p5 =	por !p0, !p0;
	p4 =	slt.s32 s31, s15;
	s25 =	simm.s32 @p6 $0x1  }
0x2bd: {  	p6 =	sge.s32 s14, s15;
	s16 =	simm.s32 @p5 $0x10;
	p1 =	por !p1, !p1  }
0x2be: {  	[smem:$0x7AF] =	sst s25;
	p0 =	por !p4, !p6;
	s25 =	simm.s32 @!p5 $0x0  }
0x2bf: {  	s16 =	simm.s32 @p1 $0xF;
	p6 =	por !p2, !p2;
	s25 =	simm.s32 @p5 $0x1  }
0x2c0: {  	p2 =	sge.s32 s3, s15;
	[smem:$0x7B0] =	sst s25;
	s25 =	simm.s32 @!p1 $0x0  }
0x2c1: {  	p4 =	slt.s32 s3, s15;
	p5 =	sge.s32 s11, s15;
	s25 =	simm.s32 @p1 $0x1  }
0x2c2: {  	s16 =	simm.s32 @p6 $0xE;
	p1 =	slt.s32 s14, s15;
	[smem:$0x7B1] =	sst s25  }
0x2c3: {  	p1 =	por !p1, !p2;
	p2 =	por !p4, !p5;
	s25 =	simm.s32 @!p6 $0x0  }
0x2c4: {  	p5 =	por !p0, !p0;
	p4 =	slt.s32 s11, s15;
	s25 =	simm.s32 @p6 $0x1  }
0x2c5: {  	p6 =	sge.s32 s7, s15;
	s16 =	simm.s32 @p5 $0xD;
	p1 =	por !p1, !p1  }
0x2c6: {  	[smem:$0x7B2] =	sst s25;
	p0 =	por !p4, !p6;
	s25 =	simm.s32 @!p5 $0x0  }
0x2c7: {  	s16 =	simm.s32 @p1 $0xC;
	p6 =	por !p2, !p2;
	s25 =	simm.s32 @p5 $0x1  }
0x2c8: {  	p2 =	sge.s32 s10, s15;
	[smem:$0x7B3] =	sst s25;
	s25 =	simm.s32 @!p1 $0x0  }
0x2c9: {  	p4 =	slt.s32 s10, s15;
	p5 =	sge.s32 s13, s15;
	s25 =	simm.s32 @p1 $0x1  }
0x2ca: {  	s16 =	simm.s32 @p6 $0xB;
	p1 =	slt.s32 s7, s15;
	[smem:$0x7B4] =	sst s25  }
0x2cb: {  	p1 =	por !p1, !p2;
	p2 =	por !p4, !p5;
	s25 =	simm.s32 @!p6 $0x0  }
0x2cc: {  	p5 =	por !p0, !p0;
	p4 =	slt.s32 s13, s15;
	s13 =	sld [smem:$0x7B7]  }
0x2cd: {  	s25 =	simm.s32 @p6 $0x1;
	s16 =	simm.s32 @p5 $0xA;
	p1 =	por !p1, !p1  }
0x2ce: {  	[smem:$0x7B5] =	sst s25;
	s25 =	simm.s32 @!p5 $0x0;
	s16 =	simm.s32 @p1 $0x9  }
0x2cf: {  	p6 =	sge.s32 s13, s15;
	s25 =	simm.s32 @p5 $0x1;
	p5 =	sge.s32 s4, s15  }
0x2d0: {  	p0 =	por !p4, !p6;
	[smem:$0x7B8] =	sst s25;
	s25 =	simm.s32 @!p1 $0x0  }
0x2d1: {  	p6 =	por !p2, !p2;
	p2 =	sge.s32 s19, s15;
	p4 =	slt.s32 s19, s15  }
0x2d2: {  	s25 =	simm.s32 @p1 $0x1;
	p1 =	slt.s32 s13, s15;
	s16 =	simm.s32 @p6 $0x8  }
0x2d3: {  	[smem:$0x7B9] =	sst s25;
	p1 =	por !p1, !p2;
	p2 =	por !p4, !p5  }
0x2d4: {  	s25 =	simm.s32 @!p6 $0x0;
	p5 =	por !p0, !p0;
	p4 =	slt.s32 s4, s15  }
0x2d5: {  	s4 =	smov.u32 s1;
	s25 =	simm.s32 @p6 $0x1;
	p6 =	sge.s32 s21, s15  }
0x2d6: {  	s1 =	simm.s32 @!p5 $0x0;
	s16 =	simm.s32 @p5 $0x7;
	p1 =	por !p1, !p1  }
0x2d7: {  	[smem:$0x7BC] =	sst s25;
	p0 =	por !p4, !p6;
	s1 =	simm.s32 @p5 $0x1  }
0x2d8: {  	s16 =	simm.s32 @p1 $0x6;
	p6 =	por !p2, !p2;
	p2 =	sge.s32 s9, s15  }
0x2d9: {  	p4 =	slt.s32 s9, s15;
	p5 =	sge.s32 s23, s15;
	s25 =	sld [smem:$0x7C9]  }
0x2da: {  	[smem:$0x7BE] =	sst s1;
	s1 =	simm.s32 @!p1 $0x0;
	p4 =	por !p4, !p5  }
0x2db: {  	s16 =	simm.s32 @p6 $0x5;
	p5 =	sge.s32 s5, s15;
	s1 =	simm.s32 @p1 $0x1  }
0x2dc: {  	p1 =	slt.s32 s21, s15;
	s21 =	smov.u32 s0;
	s0 =	simm.s32 @!p6 $0x0  }
0x2dd: {  	p1 =	por !p1, !p2;
	s0 =	simm.s32 @p6 $0x1;
	p6 =	por !p0, !p0  }
0x2de: {  	p2 =	slt.s32 s23, s15;
	p0 =	por !p4, !p4;
	p4 =	slt.s32 s5, s15  }
0x2df: {  	p5 =	por !p2, !p5;
	p2 =	por !p1, !p1;
	p1 =	por !p4, !p3  }
0x2e0: {  	s19 =	sld [smem:$0x7BB];
	p4 =	por !p1, !p1;
	p1 =	seq.s32 s25, $0x1  }
.Ltmp9:
0x2e1: {  	s9 =	sld [smem:$0x7C2];
	s16 =	simm.s32 @p6 $0x4;
	(pc) =	sbr.rel @p1 .LBB2_29-.Ltmp9, $4  }
0x2e2: {  	[smem:$0x7BF] =	sst s1;
	s16 =	simm.s32 @p2 $0x3  }
0x2e3: {  	s5 =	sld [smem:$0x7C6];
	p3 =	por !p5, !p5;
	s16 =	simm.s32 @p0 $0x2  }
0x2e4: {  	[smem:$0x7C3] =	sst s0;
	s16 =	simm.s32 @p3 $0x1  }
0x2e5: {  	s0 =	sld [smem:$0x7C7];
	s16 =	simm.s32 @p4 $0x0  }
0x2e6: {  	s25 =	sld [smem:$0x779];
	_ =	sdelay $0x2  }
0x2e7: {  	p5 =	seq.s32 s25, $0x1  }
.Ltmp10:
0x2e8: {  	_ = 	snop;
	(pc) =	sbr.rel @!p5 .LBB2_23-.Ltmp10, $4  }
0x2e9: {  	s4 =	sld [smem:$0x778]  }
0x2ea: {  	s19 =	simm.s32 $0x4800  }
0x2eb: {  	v7 =	vld [tilespmem:s19+$0x0]  }
0x2ec: {  	v6 =	vmov s16;
	s1 =	simm.s32 $0x0;
	p1 =	por $0x0, $0x0;
	s19 =	sadd.s32 $0xFFFFFFFF, s4  }
0x2ed: {  	_ =	sdelay $0x2  }
0x2ee: {  	v8 =	vshrl.u32 v7, v5  }
0x2ef: {  	v9 =	vor.u32 s1, v1;
	v8 =	vand.u32 v4, v8  }
0x2f0: {  	vm0 =	vlt.s32 v9, v3;
	vm1 =	veq.s32 v8, v6  }
0x2f1: {  	vm0 =	vmand vm0, vm1  }
0x2f2: {  	v8 =	vsel vm0, $0x1, v0  }
0x2f3: {  	(xrf0) =	vadd.scan.msk.s32 $0xffff, v8;
	_ =	sdelay $0x2  }
0x2f4: {  	p5 =	sne.s32 s19, $0x1  }
.Ltmp11:
0x2f5: {  	_ = 	snop;
	(pc) =	sbr.rel @!p5 .LBB2_25-.Ltmp11, $4  }
0x2f6: {  	_ = 	snop  }
0x2f7: {  	s23 =	simm.s32 $0x4810;
	[tilespmem:s1+$0x4800] =	vst.msk vm0, v7;
	v7, _, _ =	vpop (xrf0)  }
0x2f8: {  	s4 =	smov.u32 s5;
	s0 =	smov.u32 s28;
	s25 =	sadd.s32 $0xFFFFFFFF, s19;
	(v2sf) =	vpush v7, $0xF;
	v7 =	vld [tilespmem:s23+$0x0]  }
0x2f9: {  	p1 =	por $0x1, $0x1;
	s21 =	simm.s32 $0x0;
	s19 =	simm.s32 $0x0  }
.LBB2_26:
0x2fa: {  	p5 =	sne.s32 s25, $0x1;
	_ =	sdelay $0x3  }
0x2fb: {  	s21 =	sadd.s32 $0x10, s21;
	v8 =	vshrl.u32 v7, v5  }
0x2fc: {  	v9 =	vor.u32 s21, v1;
	v8 =	vand.u32 v4, v8  }
0x2fd: {  	vm0 =	vlt.s32 v9, v3;
	vm1 =	veq.s32 v8, v6  }
0x2fe: {  	vm0 =	vmand vm0, vm1  }
0x2ff: {  	v8 =	vsel vm0, $0x1, v0  }
0x300: {  	(xrf0) =	vadd.scan.msk.s32 $0xffff, v8;
	_ =	sdelay $0x3  }
.Ltmp12:
0x301: {  	s28 =	spop (v2sf);
	(pc) =	sbr.rel @p5 .LBB2_26-.Ltmp12, $4  }
0x302: {  	s19 =	sadd.s32 s19, s28  }
0x303: {  	[tilespmem:s19+$0x4800] =	vst.msk vm0, v7;
	v7, _, _ =	vpop (xrf0)  }
0x304: {  	s23 =	sadd.s32 $0x10, s23;
	(v2sf) =	vpush v7, $0xF  }
0x305: {  	s25 =	sadd.s32 $0xFFFFFFFF, s25;
	v7 =	vld [tilespmem:s23+$0x0]  }
.Ltmp13:
0x306: {  	(pc) =	sbr.rel .LBB2_28-.Ltmp13, $2  }
0x307: {  	_ =	sdelay $0x2  }
0x308: {  	s28 =	smov.u32 s0;
	s5 =	smov.u32 s4;
	s0 =	sld [smem:$0x7C7]  }
.LBB2_16:
.Ltmp14:
0x309: {  	(pc) =	sbr.rel .LBB2_20-.Ltmp14, $2  }
0x30a: {  	_ =	sdelay $0x2  }
0x30b: {  	s1 =	simm.s32 $0x0  }
.LBB2_18:
.Ltmp15:
0x30c: {  	(pc) =	sbr.rel .LBB2_20-.Ltmp15, $2  }
0x30d: {  	_ =	sdelay $0x2  }
0x30e: {  	s1 =	simm.s32 $0x0  }
.LBB2_25:
.Ltmp16:
0x30f: {  	(pc) =	sbr.rel .LBB2_28-.Ltmp16, $3  }
0x310: {  	_ =	sdelay $0x1  }
0x311: {  	s21 =	simm.s32 $0x0;
	s19 =	simm.s32 $0x0  }
0x312: {  	s28 =	smov.u32 s0;
	s5 =	smov.u32 s4;
	s0 =	sld [smem:$0x7C7]  }
.LBB2_30:
0x313: {  	s30 =	smov.u32 @p0 s30  }
.LBB2_8:
0x314: {  	s12 =	sld [smem:$0x7FD]  }
0x315: {  	s0 =	simm.s32 $0x0  }
0x316: {  	s2 =	sand.u32 $0x3C00, s0  }
0x317: {  	s1 =	simm.s32 $0x4000;
	s3 =	sand.u32 $0x40, s0;
	s2 =	sadd.s32 s12, s2  }
0x318: {  	v4 =	vld [tilespmem:s1+$0x0];
	s25 =	sadd.s32 s3, s2  }
0x319: {  	v5 =	vld [tilespmem:s25+$0x0];
	_ =	sdelay $0x2  }
0x31a: {  	v3 =	vmov s30  }
0x31b: {  	s0 =	sand.u32 $0x780, s0;
	vm0 =	vlt.u32 v4, v3  }
0x31c: {  	s4 =	sor.u32 $0x10, s3;
	s0 =	sor.u32 $0x4000, s0;
	v4 =	vsel vm0, $0x0, v5  }
0x31d: {  	s26 =	sor.u32 s4, s0;
	[tilespmem:s25+$0x0] =	vst v4  }
0x31e: {  	s28 =	sadd.s32 s4, s2;
	v4 =	vld [tilespmem:s26+$0x0]  }
0x31f: {  	v5 =	vld [tilespmem:s28+$0x0];
	_ =	sdelay $0x3  }
0x320: {  	vm13 =	vlt.u32 v4, v3  }
0x321: {  	s29 =	sor.u32 $0x20, s3;
	v4 =	vsel vm13, $0x0, v5  }
0x322: {  	s30 =	sor.u32 s29, s0;
	[tilespmem:s28+$0x0] =	vst v4  }
0x323: {  	s31 =	sadd.s32 s29, s2;
	v4 =	vld [tilespmem:s30+$0x0]  }
0x324: {  	v5 =	vld [tilespmem:s31+$0x0];
	_ =	sdelay $0x3  }
0x325: {  	vm14 =	vlt.u32 v4, v3  }
0x326: {  	s3 =	sor.u32 $0x30, s3;
	v4 =	vsel vm14, $0x0, v5  }
0x327: {  	s0 =	sor.u32 s3, s0;
	[tilespmem:s31+$0x0] =	vst v4  }
0x328: {  	s6 =	sadd.s32 s3, s2;
	v4 =	vld [tilespmem:s0+$0x0]  }
0x329: {  	v5 =	vld [tilespmem:s6+$0x0];
	_ =	sdelay $0x2  }
0x32a: {  	s5 =	simm.s32 $0x80  }
0x32b: {  	s1 =	simm.s32 $0x40;
	s4 =	simm.s32 $0x4040;
	s3 =	simm.s32 $0x200;
	vm15 =	vlt.u32 v4, v3  }
0x32c: {  	s2 =	simm.s32 $0x4;
	s7 =	sand.u32 $0x3C00, s3;
	s0 =	sand.u32 $0x40, s1;
	v4 =	vsel vm15, $0x0, v5  }
.LBB2_9:
0x32d: {  	s9 =	sand.u32 $0x40, s5;
	s2 =	sadd.s32 $0x4, s2;
	s7 =	sadd.s32 s12, s7;
	[tilespmem:s6+$0x0] =	vst v4  }
0x32e: {  	p0 =	slt.u32 s2, $0x7C;
	v4 =	vld [tilespmem:s4+$0x0];
	s6 =	sadd.s32 s0, s7  }
0x32f: {  	v5 =	vld [tilespmem:s6+$0x0];
	_ =	sdelay $0x3  }
0x330: {  	s10 =	sand.u32 $0x780, s1;
	s1 =	smov.u32 s5;
	vm0 =	vlt.u32 v4, v3  }
0x331: {  	s11 =	sor.u32 $0x10, s0;
	s10 =	sor.u32 $0x4000, s10;
	v4 =	vsel vm0, $0x0, v5  }
0x332: {  	[tilespmem:s6+$0x0] =	vst v4;
	s6 =	sor.u32 s11, s10  }
0x333: {  	v4 =	vld [tilespmem:s6+$0x0];
	s6 =	sadd.s32 s11, s7  }
0x334: {  	v5 =	vld [tilespmem:s6+$0x0];
	_ =	sdelay $0x3  }
0x335: {  	vm0 =	vlt.u32 v4, v3  }
0x336: {  	s11 =	sor.u32 $0x20, s0;
	v4 =	vsel vm0, $0x0, v5  }
0x337: {  	[tilespmem:s6+$0x0] =	vst v4;
	s6 =	sor.u32 s11, s10  }
0x338: {  	v4 =	vld [tilespmem:s6+$0x0];
	s6 =	sadd.s32 s11, s7  }
0x339: {  	v5 =	vld [tilespmem:s6+$0x0];
	_ =	sdelay $0x3  }
0x33a: {  	vm0 =	vlt.u32 v4, v3  }
0x33b: {  	s11 =	sor.u32 $0x30, s0;
	s0 =	smov.u32 s9;
	v4 =	vsel vm0, $0x0, v5  }
0x33c: {  	[tilespmem:s6+$0x0] =	vst v4;
	s6 =	sor.u32 s11, s10  }
0x33d: {  	v4 =	vld [tilespmem:s6+$0x0];
	s6 =	sadd.s32 s11, s7  }
0x33e: {  	v5 =	vld [tilespmem:s6+$0x0]  }
.Ltmp17:
0x33f: {  	(pc) =	sbr.rel @p0 .LBB2_9-.Ltmp17, $3  }
0x340: {  	_ =	sdelay $0x1  }
0x341: {  	s3 =	sadd.s32 $0x200, s3;
	vm0 =	vlt.u32 v4, v3  }
0x342: {  	s5 =	sadd.s32 $0x40, s5;
	s4 =	sadd.s32 $0x40, s4;
	s7 =	sand.u32 $0x3C00, s3;
	v4 =	vsel vm0, $0x0, v5  }
0x343: {  	s2 =	sadd.s32 s12, s7;
	[tilespmem:s6+$0x0] =	vst v4  }
0x344: {  	v4 =	vld [tilespmem:s4+$0x0];
	s3 =	sadd.s32 s0, s2  }
0x345: {  	v5 =	vld [tilespmem:s3+$0x0];
	_ =	sdelay $0x3  }
0x346: {  	s1 =	sand.u32 $0x780, s1;
	vm0 =	vlt.u32 v4, v3  }
0x347: {  	s23 =	sor.u32 $0x10, s0;
	s1 =	sor.u32 $0x4000, s1;
	v4 =	vsel vm0, $0x0, v5  }
0x348: {  	s24 =	sor.u32 s23, s1;
	[tilespmem:s3+$0x0] =	vst v4  }
0x349: {  	s25 =	sadd.s32 s23, s2;
	v4 =	vld [tilespmem:s24+$0x0]  }
0x34a: {  	v61 =	vld [tilespmem:s25+$0x0];
	_ =	sdelay $0x3  }
0x34b: {  	vm13 =	vlt.u32 v4, v3  }
0x34c: {  	s26 =	sor.u32 $0x20, s0;
	v4 =	vsel vm13, $0x0, v61  }
0x34d: {  	s28 =	sor.u32 s26, s1;
	[tilespmem:s25+$0x0] =	vst v4  }
0x34e: {  	s29 =	sadd.s32 s26, s2;
	v4 =	vld [tilespmem:s28+$0x0]  }
0x34f: {  	v62 =	vld [tilespmem:s29+$0x0];
	_ =	sdelay $0x3  }
0x350: {  	vm14 =	vlt.u32 v4, v3  }
0x351: {  	s30 =	sor.u32 $0x30, s0;
	v4 =	vsel vm14, $0x0, v62  }
0x352: {  	s1 =	sor.u32 s30, s1;
	[tilespmem:s29+$0x0] =	vst v4  }
0x353: {  	s31 =	rddreg [dreg:$0xa];
	s0 =	sadd.s32 s30, s2;
	v4 =	vld [tilespmem:s1+$0x0]  }
0x354: {  	v63 =	vld [tilespmem:s0+$0x0];
	s1 =	sadd.s32 $0x1, s31  }
0x355: {  	p0 =	sne.s32 s1, $0x8  }
.Ltmp18:
0x356: {  	_ = 	snop;
	(pc) =	sbr.rel @p0 .LBB2_3-.Ltmp18, $4  }
0x357: {  	_ = 	snop  }
0x358: {  	vm15 =	vlt.u32 v4, v3  }
0x359: {  	v3 =	vsel vm15, $0x0, v63  }
0x35a: {  	[tilespmem:s0+$0x0] =	vst v3  }
0x35b: {  	s0 =	rddreg [dreg:$0x3]  }
0x35c: {  	s1 =	rddreg [dreg:$0x9]  }
0x35d: {  	s30 =	simm.s32 $0x0;
	s2 =	simm.s32 $0x1;
	s0 =	sadd.s32 s0, s1  }
0x35e: {  	[hbm4b:s0+s30] =	stream.linear.scatter [tilespmem:s30], [sflag:$0x1], $0x4000, $0x38;
	[tilespmem:$0x5280] =	vst v63  }
0x35f: {  	_ =	swait.ge [sflag:s2], $0x4000  }
0x360: {  	s31 =	rddreg [dreg:$0x8]  }
0x361: {  	s0 =	sadd.s32 $0x1, s31  }
0x362: {  	p0 =	sne.s32 s0, $0xD  }
.Ltmp19:
0x363: {  	_ = 	snop;
	(pc) =	sbr.rel @p0 .LBB2_2-.Ltmp19, $3  }
0x364: {  	_ =	sdelay $0x1  }
0x365: {  	[sflag:s2] =	ssyncset.done $0x0  }
0x366: {  	[sflag:s2] =	ssyncadd.s32 $0xFFFFC000  }
0x367: {  	s1 =	rddreg [dreg:$0x7]  }
0x368: {  	s0 =	rddreg [dreg:$0x6];
	s1 =	sadd.s32 $0x1, s1  }
0x369: {  	p0 =	sne.s32 s1, s0  }
.Ltmp20:
0x36a: {  	_ = 	snop;
	(pc) =	sbr.rel @p0 .LBB2_1-.Ltmp20, $1  }
0x36b: {  	_ =	sdelay $0x3  }
0x36c: {  	_ =	sfence.sel $0x180000  }
0x36d: {  	[bflag:$0x0] =	sbarrier.arrive $0xFFFF  }
0x36e: {  	_ =	strace $0x90000047  }
0x36f: {  	s0 =	stileid.u32;
	[bflag:$0x2] =	sbarrier.arrive $0xFFFF  }
0x370: {  	p0 =	sne.s32 s0, $0x0;
	s0 =	rddreg [dreg:$0x2]  }
0x371: {  	s0 =	sadd.s32 @!p0 $0x100000, s0  }
0x372: {  	[sflag:s0] =	ssyncadd.tile.s32 @!p0 $0x1;
	_ =	shalt  }
.Lfunc_end2:
_tile_overlayer_lowered:
.L_overlay_start_2:
0x373: {  	(tag) =	ssettag $0x2  }
0x374: {  	s0 =	rddreg [dreg:$0x0];
	s2 =	stileid.u32  }
0x375: {  	s1 =	rddreg [dreg:$0x1];
	p0 =	sne.s32 s2, $0x0  }
0x376: {  	s3 =	rddreg [dreg:$0x2];
	[bflag:$0x3] =	sbarrier.arrive $0xFFFF;
	s2 =	simm.s32 @!p0 $0x1C01  }
0x377: {  	[timem:s3], [sflag:s2] =	dma.local @!p0 [hbm:s0], s1  }
0x378: {  	s0 =	simm.s32 @!p0 $0x1  }
0x379: {  	_ =	swait.ge @!p0 [sflag:s0], s1  }
0x37a: {  	s1 =	ssub.s32 @!p0 $0x0, s1;
	[sflag:s0] =	ssyncset.done @!p0 $0x0  }
0x37b: {  	[sflag:s0] =	ssyncadd.s32 @!p0 s1  }
0x37c: {  	[bflag:$0x3] =	sbarrier.arrive $0xFFFF  }
0x37d: {  	_ =	shalt  }

</sc_bundles>
